<compile_context>
chip_gen: v7x
topology: tpu7x:2x2x1
jax: 0.10.2.dev20260603
libtpu: 0.0.44.dev20260713+nightly
codegen_flags: <defaults>
</compile_context>

<pallas_src>
import functools

import jax
import jax.numpy as jnp
from jax import lax
from jax.experimental import pallas as pl
from jax.experimental.pallas import tpu as pltpu
from jax.experimental.pallas import tpu_sc as plsc

D = 768
H = 768
E = 64
K = 2
T = 2048
TOT = T * K
BM = 128
NBC = TOT // BM
SMAX = 96
CS = 256
NC, NS = 2, 16
NW = NC * NS
CH = TOT // NW
SCH = T // (NW // K)
TPW = T // NW


def _router_body(logits_ref,
                 pos0_ref, pos1_ref, w0_ref, w1_ref,
                 g_ref, blk_ref, lo_ref, hi_ref, lbal_ref,
                 oh0_scr, oh1_scr):
    logits = logits_ref[...]

    mx = jnp.max(logits, axis=1, keepdims=True)
    ex = jnp.exp(logits - mx)
    probs = ex / jnp.sum(ex, axis=1, keepdims=True)
    p_mean = jnp.mean(probs, axis=0, keepdims=True)

    lane = lax.broadcasted_iota(jnp.int32, (T, E), 1)
    is0 = logits == mx
    e0 = jnp.min(jnp.where(is0, lane, E), axis=1, keepdims=True)
    oh0 = lane == e0
    masked = jnp.where(oh0, -jnp.inf, logits)
    m1 = jnp.max(masked, axis=1, keepdims=True)
    is1 = masked == m1
    e1 = jnp.min(jnp.where(is1, lane, E), axis=1, keepdims=True)
    oh1 = lane == e1

    w0 = 1.0 / (1.0 + jnp.exp(m1 - mx))
    w0_ref[...] = w0
    w1_ref[...] = 1.0 - w0

    oh0f = oh0.astype(jnp.float32)
    oh1f = oh1.astype(jnp.float32)
    oh0_scr[...] = oh0f
    oh1_scr[...] = oh1f
    cnt0 = jnp.sum(oh0f, axis=0, keepdims=True)
    cnt = cnt0 + jnp.sum(oh1f, axis=0, keepdims=True)

    f = cnt / float(T * K)
    lbal_ref[...] = float(E) * jnp.sum(f * p_mean, keepdims=True)

    tri_e = (lax.broadcasted_iota(jnp.int32, (E, E), 0)
             < lax.broadcasted_iota(jnp.int32, (E, E), 1)).astype(jnp.float32)
    poff = jnp.dot(cnt, tri_e, preferred_element_type=jnp.float32,
                   precision=lax.Precision.HIGHEST)
    pend = poff + cnt

    inv = 1.0 / BM
    fb = jnp.floor(poff * inv)
    lb = jnp.floor((pend - 1.0) * inv)
    nst = jnp.where(cnt > 0.0, lb - fb + 1.0, 0.0)
    sb = jnp.dot(nst, tri_e, preferred_element_type=jnp.float32,
                 precision=lax.Precision.HIGHEST)
    sbe = (sb + nst).astype(jnp.int32)
    stot = jnp.sum(nst, keepdims=True).astype(jnp.int32)

    s_iota = lax.broadcasted_iota(jnp.int32, (SMAX, E), 0)
    cap = jnp.minimum(s_iota, stot - 1)
    e_s = jnp.sum((jnp.broadcast_to(sbe, (SMAX, E)) <= cap).astype(jnp.int32),
                  axis=1, keepdims=True)

    lane_s = lax.broadcasted_iota(jnp.int32, (SMAX, E), 1)
    ohs = (lane_s == e_s).astype(jnp.float32)
    sb_s = jnp.sum(ohs * sb, axis=1, keepdims=True)
    fb_s = jnp.sum(ohs * fb, axis=1, keepdims=True)
    poff_s = jnp.sum(ohs * poff, axis=1, keepdims=True)
    pend_s = jnp.sum(ohs * pend, axis=1, keepdims=True)
    scap = jnp.minimum(lax.broadcasted_iota(jnp.int32, (SMAX, 1), 0),
                       stot - 1).astype(jnp.float32)
    blk_s = fb_s + (scap - sb_s)
    lo_s = jnp.maximum(poff_s - blk_s * BM, 0.0)
    hi_s = jnp.minimum(pend_s - blk_s * BM, float(BM))
    live = (lax.broadcasted_iota(jnp.int32, (SMAX, 1), 0) <= stot - 1)
    lo_s = jnp.where(live, lo_s, 0.0)
    hi_s = jnp.where(live, hi_s, 0.0)

    g_ref[...] = e_s
    blk_ref[...] = blk_s.astype(jnp.int32)
    lo_ref[...] = lo_s.astype(jnp.int32)
    hi_ref[...] = hi_s.astype(jnp.int32)

    tri_m = (lax.broadcasted_iota(jnp.int32, (CS, CS), 1)
             < lax.broadcasted_iota(jnp.int32, (CS, CS), 0)).astype(jnp.float32)
    add0 = poff
    add1 = poff + cnt0

    def chunk(i, carry):
        b0, b1 = carry
        sl = pl.ds(i * CS, CS)
        m0c = oh0_scr[sl, :]
        m1c = oh1_scr[sl, :]
        r0 = jnp.dot(tri_m, m0c, preferred_element_type=jnp.float32) + b0
        r1 = jnp.dot(tri_m, m1c, preferred_element_type=jnp.float32) + b1
        p0 = jnp.sum((r0 + add0) * m0c, axis=1, keepdims=True)
        p1 = jnp.sum((r1 + add1) * m1c, axis=1, keepdims=True)
        pos0_ref[sl, :] = p0.astype(jnp.int32)
        pos1_ref[sl, :] = p1.astype(jnp.int32)
        return (b0 + jnp.sum(m0c, axis=0, keepdims=True),
                b1 + jnp.sum(m1c, axis=0, keepdims=True))

    zero = jnp.zeros((1, E), jnp.float32)
    lax.fori_loop(0, T // CS, chunk, (zero, zero))


def _router(logits):
    out_shapes = [
        jax.ShapeDtypeStruct((T, 1), jnp.int32),
        jax.ShapeDtypeStruct((T, 1), jnp.int32),
        jax.ShapeDtypeStruct((T, 1), jnp.float32),
        jax.ShapeDtypeStruct((T, 1), jnp.float32),
        jax.ShapeDtypeStruct((SMAX, 1), jnp.int32),
        jax.ShapeDtypeStruct((SMAX, 1), jnp.int32),
        jax.ShapeDtypeStruct((SMAX, 1), jnp.int32),
        jax.ShapeDtypeStruct((SMAX, 1), jnp.int32),
        jax.ShapeDtypeStruct((1, 1), jnp.float32),
    ]
    return pl.pallas_call(
        _router_body,
        out_shape=out_shapes,
        scratch_shapes=[pltpu.VMEM((T, E), jnp.float32),
                        pltpu.VMEM((T, E), jnp.float32)],
    )(logits)


def _ffn_body(g_r, blk_r, lo_r, hi_r,
              x_ref, w1_ref, b1_ref, w2_ref, b2_ref, pw_ref, y_ref, acc):
    s = pl.program_id(0)
    lo = lo_r[s]
    hi = hi_r[s]

    @pl.when(lo < hi)
    def _():
        xb = x_ref[...].astype(jnp.bfloat16)
        h = jnp.maximum(
            jnp.dot(xb, w1_ref[0].astype(jnp.bfloat16),
                    preferred_element_type=jnp.float32) + b1_ref[0], 0.0)
        y = (jnp.dot(h.astype(jnp.bfloat16),
                     w2_ref[0].astype(jnp.bfloat16),
                     preferred_element_type=jnp.float32)
             + b2_ref[0]) * pw_ref[...]
        row = lax.broadcasted_iota(jnp.int32, (BM, 1), 0)
        mask = (row >= lo) & (row < hi)
        acc[...] = jnp.where(mask, y, acc[...])

    is_last = (s == SMAX - 1) | (blk_r[jnp.minimum(s + 1, SMAX - 1)]
                                 != blk_r[s])

    @pl.when(is_last)
    def _():
        y_ref[...] = acc[...]


def _ffn(g, blk, lo, hi, xs, W1, b1, W2, b2, pwgt):
    grid_spec = pltpu.PrefetchScalarGridSpec(
        num_scalar_prefetch=4,
        grid=(SMAX,),
        in_specs=[
            pl.BlockSpec((BM, D), lambda s, g, blk, lo, hi: (blk[s], 0)),
            pl.BlockSpec((1, D, H), lambda s, g, blk, lo, hi: (g[s], 0, 0)),
            pl.BlockSpec((1, 1, H), lambda s, g, blk, lo, hi: (g[s], 0, 0)),
            pl.BlockSpec((1, H, D), lambda s, g, blk, lo, hi: (g[s], 0, 0)),
            pl.BlockSpec((1, 1, D), lambda s, g, blk, lo, hi: (g[s], 0, 0)),
            pl.BlockSpec((BM, 1), lambda s, g, blk, lo, hi: (blk[s], 0)),
        ],
        out_specs=pl.BlockSpec((BM, D), lambda s, g, blk, lo, hi: (blk[s], 0)),
        scratch_shapes=[pltpu.VMEM((BM, D), jnp.float32)],
    )
    return pl.pallas_call(
        _ffn_body,
        grid_spec=grid_spec,
        out_shape=jax.ShapeDtypeStruct((TOT, D), jnp.float32),
        compiler_params=pltpu.CompilerParams(
            dimension_semantics=("arbitrary",)),
    )(g, blk, lo, hi, xs, W1, b1.reshape(E, 1, H), W2, b2.reshape(E, 1, D),
      pwgt)


@functools.cache
def _sc_kernels():
    mesh = plsc.VectorSubcoreMesh(core_axis_name="c", subcore_axis_name="s")

    def wid():
        return lax.axis_index("s") * NC + lax.axis_index("c")

    @functools.partial(
        pl.kernel, mesh=mesh,
        out_type=[jax.ShapeDtypeStruct((TOT,), jnp.int32),
                  jax.ShapeDtypeStruct((TOT,), jnp.float32)],
        scratch_types=[pltpu.VMEM((SCH,), jnp.int32),
                       pltpu.VMEM((SCH,), jnp.int32),
                       pltpu.VMEM((SCH,), jnp.float32),
                       pltpu.SemaphoreType.DMA,
                       pltpu.SemaphoreType.DMA,
                       pltpu.SemaphoreType.DMA,
                       pltpu.SemaphoreType.DMA,
                       pltpu.SemaphoreType.DMA])
    def scatter_sc(pos0_hbm, pos1_hbm, w0_hbm, w1_hbm, tok_hbm,
                   ptok_hbm, pwgt_hbm, idx_v, tok_v, val_v,
                   sa, sb, sc, sd, se):
        w = wid()
        c = w // 2
        sl = pl.ds(c * SCH, SCH)
        pltpu.async_copy(tok_hbm.at[sl], tok_v, sa)

        @pl.when(w % 2 == 0)
        def _():
            pltpu.async_copy(pos0_hbm.at[sl], idx_v, sb)
            pltpu.async_copy(w0_hbm.at[sl], val_v, sc)

        @pl.when(w % 2 == 1)
        def _():
            pltpu.async_copy(pos1_hbm.at[sl], idx_v, sb)
            pltpu.async_copy(w1_hbm.at[sl], val_v, sc)

        pltpu.make_async_copy(tok_hbm.at[sl], tok_v, sa).wait()
        pltpu.make_async_copy(pos0_hbm.at[sl], idx_v, sb).wait()
        pltpu.make_async_copy(w0_hbm.at[sl], val_v, sc).wait()
        c0 = pltpu.async_copy(tok_v, ptok_hbm.at[idx_v], sd)
        c1 = pltpu.async_copy(val_v, pwgt_hbm.at[idx_v], se)
        c0.wait()
        c1.wait()

    @functools.partial(
        pl.kernel, mesh=mesh,
        out_type=jax.ShapeDtypeStruct((TOT, D), jnp.float32),
        scratch_types=[pltpu.VMEM((CH,), jnp.int32),
                       pltpu.VMEM((CH, D), jnp.float32),
                       pltpu.SemaphoreType.DMA])
    def gather_sc(ptok_hbm, x_hbm, xs_hbm, idx_v, rows_v, sem):
        base = wid() * CH
        pltpu.sync_copy(ptok_hbm.at[pl.ds(base, CH)], idx_v)
        pltpu.async_copy(x_hbm.at[idx_v], rows_v, sem).wait()
        pltpu.sync_copy(rows_v, xs_hbm.at[pl.ds(base, CH)])

    @functools.partial(
        pl.kernel, mesh=mesh,
        out_type=jax.ShapeDtypeStruct((T, D), jnp.float32),
        scratch_types=[pltpu.VMEM((TPW,), jnp.int32),
                       pltpu.VMEM((TPW,), jnp.int32),
                       pltpu.VMEM((TPW, D), jnp.float32),
                       pltpu.VMEM((TPW, D), jnp.float32),
                       pltpu.SemaphoreType.DMA,
                       pltpu.SemaphoreType.DMA])
    def combine_sc(y_hbm, pos0_hbm, pos1_hbm, out_hbm, i0_v, i1_v, r0_v, r1_v,
                   sem0, sem1):
        base = wid() * TPW
        pltpu.sync_copy(pos0_hbm.at[pl.ds(base, TPW)], i0_v)
        pltpu.sync_copy(pos1_hbm.at[pl.ds(base, TPW)], i1_v)
        c0 = pltpu.async_copy(y_hbm.at[i0_v], r0_v, sem0)
        c1 = pltpu.async_copy(y_hbm.at[i1_v], r1_v, sem1)
        c0.wait()
        c1.wait()

        def row(r, carry):
            for c in range(D // 16):
                sl = pl.ds(c * 16, 16)
                r0_v[r, sl] = r0_v[r, sl] + r1_v[r, sl]
            return carry

        lax.fori_loop(0, TPW, row, 0)
        pltpu.sync_copy(r0_v, out_hbm.at[pl.ds(base, TPW)])

    return scatter_sc, gather_sc, combine_sc


def kernel(x, Wg, bg, W1, b1, W2, b2):
    xf = x.reshape(T, D)
    logits = xf @ Wg + bg
    pos0, pos1, w0, w1, g, blk, lo, hi, lbal = _router(logits)
    pos0 = pos0.reshape(-1)
    pos1 = pos1.reshape(-1)

    scatter_sc, gather_sc, combine_sc = _sc_kernels()
    tok = jnp.arange(T, dtype=jnp.int32)
    ptok, pwgt = scatter_sc(pos0, pos1, w0.reshape(-1), w1.reshape(-1), tok)
    xs = gather_sc(ptok, xf)

    y = _ffn(g.reshape(-1), blk.reshape(-1), lo.reshape(-1), hi.reshape(-1),
             xs, W1, b1, W2, b2, pwgt.reshape(TOT, 1))

    out = combine_sc(y, pos0, pos1).reshape(x.shape)
    return out, lbal[0, 0]

# --- scband reference (transcript-rebuilt; emitter-appended) ---
"""Pipeline reference for scband-sparse-mo-eblock-30356828848188 (READ-ONLY COPY).

The authoritative reference and input builder live on the scoring server;
editing this copy changes nothing except your own understanding.
"""

import jax, jax.numpy as jnp
import numpy as np

D_MODEL = 768
HIDDEN = 768
NUM_EXPERTS = 64
TOP_K = 2
BATCH = 1
SEQ = 2048


def setup_inputs(seed: int = 0) -> dict:
    key = jax.random.key(seed)
    ks = jax.random.split(key, 8)
    x = jax.random.normal(ks[0], (BATCH, SEQ, D_MODEL), dtype=jnp.float32)
    Wg = jax.random.normal(ks[1], (D_MODEL, NUM_EXPERTS), dtype=jnp.float32) * 0.02
    bg = jnp.zeros((NUM_EXPERTS,), dtype=jnp.float32)
    W1 = jax.random.normal(ks[2], (NUM_EXPERTS, D_MODEL, HIDDEN), dtype=jnp.float32) * 0.02
    b1 = jnp.zeros((NUM_EXPERTS, HIDDEN), dtype=jnp.float32)
    W2 = jax.random.normal(ks[3], (NUM_EXPERTS, HIDDEN, D_MODEL), dtype=jnp.float32) * 0.02
    b2 = jnp.zeros((NUM_EXPERTS, D_MODEL), dtype=jnp.float32)
    return {"x": x, "Wg": Wg, "bg": bg, "W1": W1, "b1": b1, "W2": W2, "b2": b2}


def _load_balancing_loss(gate_logits, num_experts, top_k):
    # Switch/Mixtral-style auxiliary load-balancing loss.
    probs = jax.nn.softmax(gate_logits, axis=-1)
    _, selected = jax.lax.top_k(gate_logits, top_k)
    expert_mask = jax.nn.one_hot(selected, num_experts, dtype=jnp.float32)  # [T, k, E]
    # fraction of routing slots assigned to each expert
    f = jnp.mean(jnp.sum(expert_mask, axis=1), axis=0) / top_k  # [E]
    p = jnp.mean(probs, axis=0)  # [E]
    return num_experts * jnp.sum(f * p)


def reference(x, Wg, bg, W1, b1, W2, b2):
    B, S, D = x.shape
    x_flat = x.reshape(-1, D)
    gate_logits = x_flat @ Wg + bg  # [T, E]
    l_bal = _load_balancing_loss(gate_logits, NUM_EXPERTS, TOP_K)
    routing_vals, selected_experts = jax.lax.top_k(gate_logits, TOP_K)  # [T, k]
    routing_weights = jax.nn.softmax(routing_vals, axis=-1)  # [T, k]
    final_output = jnp.zeros_like(x_flat)
    for i in range(NUM_EXPERTS):
        # combined routing weight for expert i per token (0.0 if not selected)
        w_i = jnp.sum(routing_weights * (selected_experts == i).astype(routing_weights.dtype), axis=-1)  # [T]
        h = jax.nn.relu(x_flat @ W1[i] + b1[i])
        expert_out = h @ W2[i] + b2[i]
        final_output = final_output + expert_out * w_i[:, None]
    return final_output.reshape(B, S, D), l_bal

if __name__ == "__main__":
    import jax
    _d = setup_inputs()
    print(jax.jit(kernel)(*tuple(_d.values())))

</pallas_src>

<mosaic_0001>
#map = affine_map<(d0, d1) -> (0)>
#map1 = affine_map<(d0, d1) -> (0, 0)>
module attributes {stable_mosaic.version = 14 : i64} {
  func.func @gather_sc(%arg0: i32, %arg1: i32, %arg2: memref<4096xi32, #tpu.memory_space<hbm>>, %arg3: memref<2048x768xf32, #tpu.memory_space<hbm>>, %arg4: memref<4096x768xf32, #tpu.memory_space<hbm>>, %arg5: memref<128xi32, #tpu.memory_space<vmem>>, %arg6: memref<128x768xf32, #tpu.memory_space<vmem>>, %arg7: memref<!tpu.dma_semaphore, #tpu.memory_space<semaphore_mem>>) attributes {dimension_semantics = [#tpu.dimension_semantics<core_parallel>, #tpu.dimension_semantics<subcore_parallel>], iteration_bounds = array<i64: 2, 16>, scalar_prefetch = 0 : i64, scratch_operands = 3 : i64, tpu.core_type = #tpu.core_type<sc_vector_subcore>, window_params = [{transform_indices = #map}, {transform_indices = #map1}, {transform_indices = #map1}]} {
    %mul3A = arith.constant 2 : i32
    %mul3A_0 = arith.muli %arg1, %mul3A : i32
    %add3A = arith.addi %mul3A_0, %arg0 : i32
    %mul3A_1 = arith.constant 128 : i32
    %mul3A_2 = arith.muli %add3A, %mul3A_1 : i32
    "tpu.region"() ({
      %run_scoped3A = tpu.sem_alloc : memref<!tpu.dma_semaphore, #tpu.memory_space<semaphore_mem>>
      %dma_start3A_7 = tpu.memref_slice %arg2[%mul3A_2] : memref<4096xi32, #tpu.memory_space<hbm>> -> memref<128xi32, #tpu.memory_space<hbm>>
      %dma_start3A_8 = tpu.memref_slice %arg2[%mul3A_2] : memref<4096xi32, #tpu.memory_space<hbm>> -> memref<128xi32, #tpu.memory_space<hbm>>
      tpu.enqueue_dma source(%dma_start3A_8 : memref<128xi32, #tpu.memory_space<hbm>>) target(%arg5 : memref<128xi32, #tpu.memory_space<vmem>>) target_semaphore(%run_scoped3A : memref<!tpu.dma_semaphore, #tpu.memory_space<semaphore_mem>>)
      %dma_wait3A_9 = tpu.memref_slice %arg2[%mul3A_2] : memref<4096xi32, #tpu.memory_space<hbm>> -> memref<128xi32, #tpu.memory_space<hbm>>
      %dma_wait3A_10 = tpu.memref_slice %arg2[%mul3A_2] : memref<4096xi32, #tpu.memory_space<hbm>> -> memref<128xi32, #tpu.memory_space<hbm>>
      tpu.wait_dma2 semaphore(%run_scoped3A : memref<!tpu.dma_semaphore, #tpu.memory_space<semaphore_mem>>) src(%dma_wait3A_10 : memref<128xi32, #tpu.memory_space<hbm>>) dst(%arg5 : memref<128xi32, #tpu.memory_space<vmem>>)
      tpu.yield
    }) : () -> ()
    %dma_start3A = arith.constant 0 : i32
    %dma_start3A_3 = arith.constant 0 : i32
    %dma_start3A_4 = tpu.memref_slice %arg3[%dma_start3A, %dma_start3A_3] : memref<2048x768xf32, #tpu.memory_space<hbm>> -> memref<2048x768xf32, #tpu.memory_space<hbm>>
    tpu.enqueue_indirect_dma source(%dma_start3A_4 : memref<2048x768xf32, #tpu.memory_space<hbm>>) target(%arg6 : memref<128x768xf32, #tpu.memory_space<vmem>>) offsets(%arg5 : memref<128xi32, #tpu.memory_space<vmem>>) semaphore(%arg7 : memref<!tpu.dma_semaphore, #tpu.memory_space<semaphore_mem>>)
    %dma_wait3A = arith.constant 0 : i32
    %dma_wait3A_5 = arith.constant 0 : i32
    %dma_wait3A_6 = tpu.memref_slice %arg3[%dma_wait3A, %dma_wait3A_5] : memref<2048x768xf32, #tpu.memory_space<hbm>> -> memref<2048x768xf32, #tpu.memory_space<hbm>>
    tpu.wait_indirect_dma semaphore(%arg7 : memref<!tpu.dma_semaphore, #tpu.memory_space<semaphore_mem>>) src(%dma_wait3A_6 : memref<2048x768xf32, #tpu.memory_space<hbm>>) dst(%arg6 : memref<128x768xf32, #tpu.memory_space<vmem>>)
    "tpu.region"() ({
      %run_scoped3A = tpu.sem_alloc : memref<!tpu.dma_semaphore, #tpu.memory_space<semaphore_mem>>
      %dma_start3A_7 = arith.constant 0 : i32
      %dma_start3A_8 = tpu.memref_slice %arg4[%mul3A_2, %dma_start3A_7] : memref<4096x768xf32, #tpu.memory_space<hbm>> -> memref<128x768xf32, #tpu.memory_space<hbm>>
      %dma_start3A_9 = arith.constant 0 : i32
      %dma_start3A_10 = tpu.memref_slice %arg4[%mul3A_2, %dma_start3A_9] : memref<4096x768xf32, #tpu.memory_space<hbm>> -> memref<128x768xf32, #tpu.memory_space<hbm>>
      tpu.enqueue_dma source(%arg6 : memref<128x768xf32, #tpu.memory_space<vmem>>) target(%dma_start3A_10 : memref<128x768xf32, #tpu.memory_space<hbm>>) target_semaphore(%run_scoped3A : memref<!tpu.dma_semaphore, #tpu.memory_space<semaphore_mem>>)
      %dma_wait3A_11 = arith.constant 0 : i32
      %dma_wait3A_12 = tpu.memref_slice %arg4[%mul3A_2, %dma_wait3A_11] : memref<4096x768xf32, #tpu.memory_space<hbm>> -> memref<128x768xf32, #tpu.memory_space<hbm>>
      %dma_wait3A_13 = arith.constant 0 : i32
      %dma_wait3A_14 = tpu.memref_slice %arg4[%mul3A_2, %dma_wait3A_13] : memref<4096x768xf32, #tpu.memory_space<hbm>> -> memref<128x768xf32, #tpu.memory_space<hbm>>
      tpu.wait_dma2 semaphore(%run_scoped3A : memref<!tpu.dma_semaphore, #tpu.memory_space<semaphore_mem>>) src(%arg6 : memref<128x768xf32, #tpu.memory_space<vmem>>) dst(%dma_wait3A_14 : memref<128x768xf32, #tpu.memory_space<hbm>>)
      tpu.yield
    }) : () -> ()
    return
  }
}

#map = affine_map<(d0, d1) -> (0, 0)>
#map1 = affine_map<(d0, d1) -> (0)>
module attributes {stable_mosaic.version = 14 : i64} {
  func.func @combine_sc(%arg0: i32, %arg1: i32, %arg2: memref<4096x768xf32, #tpu.memory_space<hbm>>, %arg3: memref<2048xi32, #tpu.memory_space<hbm>>, %arg4: memref<2048xi32, #tpu.memory_space<hbm>>, %arg5: memref<2048x768xf32, #tpu.memory_space<hbm>>, %arg6: memref<64xi32, #tpu.memory_space<vmem>>, %arg7: memref<64xi32, #tpu.memory_space<vmem>>, %arg8: memref<64x768xf32, #tpu.memory_space<vmem>>, %arg9: memref<64x768xf32, #tpu.memory_space<vmem>>, %arg10: memref<!tpu.dma_semaphore, #tpu.memory_space<semaphore_mem>>, %arg11: memref<!tpu.dma_semaphore, #tpu.memory_space<semaphore_mem>>) attributes {dimension_semantics = [#tpu.dimension_semantics<core_parallel>, #tpu.dimension_semantics<subcore_parallel>], iteration_bounds = array<i64: 2, 16>, scalar_prefetch = 0 : i64, scratch_operands = 6 : i64, tpu.core_type = #tpu.core_type<sc_vector_subcore>, window_params = [{transform_indices = #map}, {transform_indices = #map1}, {transform_indices = #map1}, {transform_indices = #map}]} {
    %mul3A = arith.constant 2 : i32
    %mul3A_0 = arith.muli %arg1, %mul3A : i32
    %add3A = arith.addi %mul3A_0, %arg0 : i32
    %mul3A_1 = arith.constant 64 : i32
    %mul3A_2 = arith.muli %add3A, %mul3A_1 : i32
    "tpu.region"() ({
      %run_scoped3A = tpu.sem_alloc : memref<!tpu.dma_semaphore, #tpu.memory_space<semaphore_mem>>
      %dma_start3A_18 = tpu.memref_slice %arg3[%mul3A_2] : memref<2048xi32, #tpu.memory_space<hbm>> -> memref<64xi32, #tpu.memory_space<hbm>>
      %dma_start3A_19 = tpu.memref_slice %arg3[%mul3A_2] : memref<2048xi32, #tpu.memory_space<hbm>> -> memref<64xi32, #tpu.memory_space<hbm>>
      tpu.enqueue_dma source(%dma_start3A_19 : memref<64xi32, #tpu.memory_space<hbm>>) target(%arg6 : memref<64xi32, #tpu.memory_space<vmem>>) target_semaphore(%run_scoped3A : memref<!tpu.dma_semaphore, #tpu.memory_space<semaphore_mem>>)
      %dma_wait3A_20 = tpu.memref_slice %arg3[%mul3A_2] : memref<2048xi32, #tpu.memory_space<hbm>> -> memref<64xi32, #tpu.memory_space<hbm>>
      %dma_wait3A_21 = tpu.memref_slice %arg3[%mul3A_2] : memref<2048xi32, #tpu.memory_space<hbm>> -> memref<64xi32, #tpu.memory_space<hbm>>
      tpu.wait_dma2 semaphore(%run_scoped3A : memref<!tpu.dma_semaphore, #tpu.memory_space<semaphore_mem>>) src(%dma_wait3A_21 : memref<64xi32, #tpu.memory_space<hbm>>) dst(%arg6 : memref<64xi32, #tpu.memory_space<vmem>>)
      tpu.yield
    }) : () -> ()
    "tpu.region"() ({
      %run_scoped3A = tpu.sem_alloc : memref<!tpu.dma_semaphore, #tpu.memory_space<semaphore_mem>>
      %dma_start3A_18 = tpu.memref_slice %arg4[%mul3A_2] : memref<2048xi32, #tpu.memory_space<hbm>> -> memref<64xi32, #tpu.memory_space<hbm>>
      %dma_start3A_19 = tpu.memref_slice %arg4[%mul3A_2] : memref<2048xi32, #tpu.memory_space<hbm>> -> memref<64xi32, #tpu.memory_space<hbm>>
      tpu.enqueue_dma source(%dma_start3A_19 : memref<64xi32, #tpu.memory_space<hbm>>) target(%arg7 : memref<64xi32, #tpu.memory_space<vmem>>) target_semaphore(%run_scoped3A : memref<!tpu.dma_semaphore, #tpu.memory_space<semaphore_mem>>)
      %dma_wait3A_20 = tpu.memref_slice %arg4[%mul3A_2] : memref<2048xi32, #tpu.memory_space<hbm>> -> memref<64xi32, #tpu.memory_space<hbm>>
      %dma_wait3A_21 = tpu.memref_slice %arg4[%mul3A_2] : memref<2048xi32, #tpu.memory_space<hbm>> -> memref<64xi32, #tpu.memory_space<hbm>>
      tpu.wait_dma2 semaphore(%run_scoped3A : memref<!tpu.dma_semaphore, #tpu.memory_space<semaphore_mem>>) src(%dma_wait3A_21 : memref<64xi32, #tpu.memory_space<hbm>>) dst(%arg7 : memref<64xi32, #tpu.memory_space<vmem>>)
      tpu.yield
    }) : () -> ()
    %dma_start3A = arith.constant 0 : i32
    %dma_start3A_3 = arith.constant 0 : i32
    %dma_start3A_4 = tpu.memref_slice %arg2[%dma_start3A, %dma_start3A_3] : memref<4096x768xf32, #tpu.memory_space<hbm>> -> memref<4096x768xf32, #tpu.memory_space<hbm>>
    tpu.enqueue_indirect_dma source(%dma_start3A_4 : memref<4096x768xf32, #tpu.memory_space<hbm>>) target(%arg8 : memref<64x768xf32, #tpu.memory_space<vmem>>) offsets(%arg6 : memref<64xi32, #tpu.memory_space<vmem>>) semaphore(%arg10 : memref<!tpu.dma_semaphore, #tpu.memory_space<semaphore_mem>>)
    %dma_start3A_5 = arith.constant 0 : i32
    %dma_start3A_6 = arith.constant 0 : i32
    %dma_start3A_7 = tpu.memref_slice %arg2[%dma_start3A_5, %dma_start3A_6] : memref<4096x768xf32, #tpu.memory_space<hbm>> -> memref<4096x768xf32, #tpu.memory_space<hbm>>
    tpu.enqueue_indirect_dma source(%dma_start3A_7 : memref<4096x768xf32, #tpu.memory_space<hbm>>) target(%arg9 : memref<64x768xf32, #tpu.memory_space<vmem>>) offsets(%arg7 : memref<64xi32, #tpu.memory_space<vmem>>) semaphore(%arg11 : memref<!tpu.dma_semaphore, #tpu.memory_space<semaphore_mem>>)
    %dma_wait3A = arith.constant 0 : i32
    %dma_wait3A_8 = arith.constant 0 : i32
    %dma_wait3A_9 = tpu.memref_slice %arg2[%dma_wait3A, %dma_wait3A_8] : memref<4096x768xf32, #tpu.memory_space<hbm>> -> memref<4096x768xf32, #tpu.memory_space<hbm>>
    tpu.wait_indirect_dma semaphore(%arg10 : memref<!tpu.dma_semaphore, #tpu.memory_space<semaphore_mem>>) src(%dma_wait3A_9 : memref<4096x768xf32, #tpu.memory_space<hbm>>) dst(%arg8 : memref<64x768xf32, #tpu.memory_space<vmem>>)
    %dma_wait3A_10 = arith.constant 0 : i32
    %dma_wait3A_11 = arith.constant 0 : i32
    %dma_wait3A_12 = tpu.memref_slice %arg2[%dma_wait3A_10, %dma_wait3A_11] : memref<4096x768xf32, #tpu.memory_space<hbm>> -> memref<4096x768xf32, #tpu.memory_space<hbm>>
    tpu.wait_indirect_dma semaphore(%arg11 : memref<!tpu.dma_semaphore, #tpu.memory_space<semaphore_mem>>) src(%dma_wait3A_12 : memref<4096x768xf32, #tpu.memory_space<hbm>>) dst(%arg9 : memref<64x768xf32, #tpu.memory_space<vmem>>)
    %scan3A = arith.constant 0 : i32
    %scan3A_13 = arith.constant 0 : i32
    %scan3A_14 = arith.constant 64 : i32
    %scan3A_15 = arith.addi %scan3A_13, %scan3A_14 : i32
    %scan3A_16 = arith.constant 1 : i32
    scf.for %scan3A_18 = %scan3A_13 to %scan3A_15 step %scan3A_16  : i32 {
      %get3A = arith.index_cast %scan3A_18 : i32 to index
      %get3A_19 = arith.constant 0 : index
      %get3A_20 = tpu.vector_load %arg8[%get3A, %get3A_19] {strides = array<i32>} : memref<64x768xf32, #tpu.memory_space<vmem>>, vector<1x16xf32>,
      %get3A_21 = vector.shape_cast %get3A_20 : vector<1x16xf32> to vector<16xf32>
      %get3A_22 = arith.index_cast %scan3A_18 : i32 to index
      %get3A_23 = arith.constant 0 : index
      %get3A_24 = tpu.vector_load %arg9[%get3A_22, %get3A_23] {strides = array<i32>} : memref<64x768xf32, #tpu.memory_space<vmem>>, vector<1x16xf32>,
      %get3A_25 = vector.shape_cast %get3A_24 : vector<1x16xf32> to vector<16xf32>
      %add3A_26 = arith.addf %get3A_21, %get3A_25 : vector<16xf32>
      %swap3A = arith.index_cast %scan3A_18 : i32 to index
      %swap3A_27 = arith.constant 0 : index
      %swap3A_28 = tpu.vector_load %arg8[%swap3A, %swap3A_27] {strides = array<i32>} : memref<64x768xf32, #tpu.memory_space<vmem>>, vector<1x16xf32>,
      %swap3A_29 = vector.shape_cast %swap3A_28 : vector<1x16xf32> to vector<16xf32>
      %swap3A_30 = vector.shape_cast %add3A_26 : vector<16xf32> to vector<1x16xf32>
      tpu.vector_store %arg8[%swap3A, %swap3A_27], %swap3A_30 {strides = array<i32>} : memref<64x768xf32, #tpu.memory_space<vmem>>, vector<1x16xf32>,
      %get3A_31 = arith.index_cast %scan3A_18 : i32 to index
      %get3A_32 = arith.constant 16 : index
      %get3A_33 = tpu.vector_load %arg8[%get3A_31, %get3A_32] {strides = array<i32>} : memref<64x768xf32, #tpu.memory_space<vmem>>, vector<1x16xf32>,
      %get3A_34 = vector.shape_cast %get3A_33 : vector<1x16xf32> to vector<16xf32>
      %get3A_35 = arith.index_cast %scan3A_18 : i32 to index
      %get3A_36 = arith.constant 16 : index
      %get3A_37 = tpu.vector_load %arg9[%get3A_35, %get3A_36] {strides = array<i32>} : memref<64x768xf32, #tpu.memory_space<vmem>>, vector<1x16xf32>,
      %get3A_38 = vector.shape_cast %get3A_37 : vector<1x16xf32> to vector<16xf32>
      %add3A_39 = arith.addf %get3A_34, %get3A_38 : vector<16xf32>
      %swap3A_40 = arith.index_cast %scan3A_18 : i32 to index
      %swap3A_41 = arith.constant 16 : index
      %swap3A_42 = tpu.vector_load %arg8[%swap3A_40, %swap3A_41] {strides = array<i32>} : memref<64x768xf32, #tpu.memory_space<vmem>>, vector<1x16xf32>,
      %swap3A_43 = vector.shape_cast %swap3A_42 : vector<1x16xf32> to vector<16xf32>
      %swap3A_44 = vector.shape_cast %add3A_39 : vector<16xf32> to vector<1x16xf32>
      tpu.vector_store %arg8[%swap3A_40, %swap3A_41], %swap3A_44 {strides = array<i32>} : memref<64x768xf32, #tpu.memory_space<vmem>>, vector<1x16xf32>,
      %get3A_45 = arith.index_cast %scan3A_18 : i32 to index
      %get3A_46 = arith.constant 32 : index
      %get3A_47 = tpu.vector_load %arg8[%get3A_45, %get3A_46] {strides = array<i32>} : memref<64x768xf32, #tpu.memory_space<vmem>>, vector<1x16xf32>,
      %get3A_48 = vector.shape_cast %get3A_47 : vector<1x16xf32> to vector<16xf32>
      %get3A_49 = arith.index_cast %scan3A_18 : i32 to index
      %get3A_50 = arith.constant 32 : index
      %get3A_51 = tpu.vector_load %arg9[%get3A_49, %get3A_50] {strides = array<i32>} : memref<64x768xf32, #tpu.memory_space<vmem>>, vector<1x16xf32>,
      %get3A_52 = vector.shape_cast %get3A_51 : vector<1x16xf32> to vector<16xf32>
      %add3A_53 = arith.addf %get3A_48, %get3A_52 : vector<16xf32>
      %swap3A_54 = arith.index_cast %scan3A_18 : i32 to index
      %swap3A_55 = arith.constant 32 : index
      %swap3A_56 = tpu.vector_load %arg8[%swap3A_54, %swap3A_55] {strides = array<i32>} : memref<64x768xf32, #tpu.memory_space<vmem>>, vector<1x16xf32>,
      %swap3A_57 = vector.shape_cast %swap3A_56 : vector<1x16xf32> to vector<16xf32>
      %swap3A_58 = vector.shape_cast %add3A_53 : vector<16xf32> to vector<1x16xf32>
      tpu.vector_store %arg8[%swap3A_54, %swap3A_55], %swap3A_58 {strides = array<i32>} : memref<64x768xf32, #tpu.memory_space<vmem>>, vector<1x16xf32>,
      %get3A_59 = arith.index_cast %scan3A_18 : i32 to index
      %get3A_60 = arith.constant 48 : index
      %get3A_61 = tpu.vector_load %arg8[%get3A_59, %get3A_60] {strides = array<i32>} : memref<64x768xf32, #tpu.memory_space<vmem>>, vector<1x16xf32>,
      %get3A_62 = vector.shape_cast %get3A_61 : vector<1x16xf32> to vector<16xf32>
      %get3A_63 = arith.index_cast %scan3A_18 : i32 to index
      %get3A_64 = arith.constant 48 : index
      %get3A_65 = tpu.vector_load %arg9[%get3A_63, %get3A_64] {strides = array<i32>} : memref<64x768xf32, #tpu.memory_space<vmem>>, vector<1x16xf32>,
      %get3A_66 = vector.shape_cast %get3A_65 : vector<1x16xf32> to vector<16xf32>
      %add3A_67 = arith.addf %get3A_62, %get3A_66 : vector<16xf32>
      %swap3A_68 = arith.index_cast %scan3A_18 : i32 to index
      %swap3A_69 = arith.constant 48 : index
      %swap3A_70 = tpu.vector_load %arg8[%swap3A_68, %swap3A_69] {strides = array<i32>} : memref<64x768xf32, #tpu.memory_space<vmem>>, vector<1x16xf32>,
      %swap3A_71 = vector.shape_cast %swap3A_70 : vector<1x16xf32> to vector<16xf32>
      %swap3A_72 = vector.shape_cast %add3A_67 : vector<16xf32> to vector<1x16xf32>
      tpu.vector_store %arg8[%swap3A_68, %swap3A_69], %swap3A_72 {strides = array<i32>} : memref<64x768xf32, #tpu.memory_space<vmem>>, vector<1x16xf32>,
      %get3A_73 = arith.index_cast %scan3A_18 : i32 to index
      %get3A_74 = arith.constant 64 : index
      %get3A_75 = tpu.vector_load %arg8[%get3A_73, %get3A_74] {strides = array<i32>} : memref<64x768xf32, #tpu.memory_space<vmem>>, vector<1x16xf32>,
      %get3A_76 = vector.shape_cast %get3A_75 : vector<1x16xf32> to vector<16xf32>
      %get3A_77 = arith.index_cast %scan3A_18 : i32 to index
      %get3A_78 = arith.constant 64 : index
      %get3A_79 = tpu.vector_load %arg9[%get3A_77, %get3A_78] {strides = array<i32>} : memref<64x768xf32, #tpu.memory_space<vmem>>, vector<1x16xf32>,
      %get3A_80 = vector.shape_cast %get3A_79 : vector<1x16xf32> to vector<16xf32>
      %add3A_81 = arith.addf %get3A_76, %get3A_80 : vector<16xf32>
      %swap3A_82 = arith.index_cast %scan3A_18 : i32 to index
      %swap3A_83 = arith.constant 64 : index
      %swap3A_84 = tpu.vector_load %arg8[%swap3A_82, %swap3A_83] {strides = array<i32>} : memref<64x768xf32, #tpu.memory_space<vmem>>, vector<1x16xf32>,
      %swap3A_85 = vector.shape_cast %swap3A_84 : vector<1x16xf32> to vector<16xf32>
      %swap3A_86 = vector.shape_cast %add3A_81 : vector<16xf32> to vector<1x16xf32>
      tpu.vector_store %arg8[%swap3A_82, %swap3A_83], %swap3A_86 {strides = array<i32>} : memref<64x768xf32, #tpu.memory_space<vmem>>, vector<1x16xf32>,
      %get3A_87 = arith.index_cast %scan3A_18 : i32 to index
      %get3A_88 = arith.constant 80 : index
      %get3A_89 = tpu.vector_load %arg8[%get3A_87, %get3A_88] {strides = array<i32>} : memref<64x768xf32, #tpu.memory_space<vmem>>, vector<1x16xf32>,
      %get3A_90 = vector.shape_cast %get3A_89 : vector<1x16xf32> to vector<16xf32>
      %get3A_91 = arith.index_cast %scan3A_18 : i32 to index
      %get3A_92 = arith.constant 80 : index
      %get3A_93 = tpu.vector_load %arg9[%get3A_91, %get3A_92] {strides = array<i32>} : memref<64x768xf32, #tpu.memory_space<vmem>>, vector<1x16xf32>,
      %get3A_94 = vector.shape_cast %get3A_93 : vector<1x16xf32> to vector<16xf32>
      %add3A_95 = arith.addf %get3A_90, %get3A_94 : vector<16xf32>
      %swap3A_96 = arith.index_cast %scan3A_18 : i32 to index
      %swap3A_97 = arith.constant 80 : index
      %swap3A_98 = tpu.vector_load %arg8[%swap3A_96, %swap3A_97] {strides = array<i32>} : memref<64x768xf32, #tpu.memory_space<vmem>>, vector<1x16xf32>,
      %swap3A_99 = vector.shape_cast %swap3A_98 : vector<1x16xf32> to vector<16xf32>
      %swap3A_100 = vector.shape_cast %add3A_95 : vector<16xf32> to vector<1x16xf32>
      tpu.vector_store %arg8[%swap3A_96, %swap3A_97], %swap3A_100 {strides = array<i32>} : memref<64x768xf32, #tpu.memory_space<vmem>>, vector<1x16xf32>,
      %get3A_101 = arith.index_cast %scan3A_18 : i32 to index
      %get3A_102 = arith.constant 96 : index
      %get3A_103 = tpu.vector_load %arg8[%get3A_101, %get3A_102] {strides = array<i32>} : memref<64x768xf32, #tpu.memory_space<vmem>>, vector<1x16xf32>,
      %get3A_104 = vector.shape_cast %get3A_103 : vector<1x16xf32> to vector<16xf32>
      %get3A_105 = arith.index_cast %scan3A_18 : i32 to index
      %get3A_106 = arith.constant 96 : index
      %get3A_107 = tpu.vector_load %arg9[%get3A_105, %get3A_106] {strides = array<i32>} : memref<64x768xf32, #tpu.memory_space<vmem>>, vector<1x16xf32>,
      %get3A_108 = vector.shape_cast %get3A_107 : vector<1x16xf32> to vector<16xf32>
      %add3A_109 = arith.addf %get3A_104, %get3A_108 : vector<16xf32>
      %swap3A_110 = arith.index_cast %scan3A_18 : i32 to index
      %swap3A_111 = arith.constant 96 : index
      %swap3A_112 = tpu.vector_load %arg8[%swap3A_110, %swap3A_111] {strides = array<i32>} : memref<64x768xf32, #tpu.memory_space<vmem>>, vector<1x16xf32>,
      %swap3A_113 = vector.shape_cast %swap3A_112 : vector<1x16xf32> to vector<16xf32>
      %swap3A_114 = vector.shape_cast %add3A_109 : vector<16xf32> to vector<1x16xf32>
      tpu.vector_store %arg8[%swap3A_110, %swap3A_111], %swap3A_114 {strides = array<i32>} : memref<64x768xf32, #tpu.memory_space<vmem>>, vector<1x16xf32>,
      %get3A_115 = arith.index_cast %scan3A_18 : i32 to index
      %get3A_116 = arith.constant 112 : index
      %get3A_117 = tpu.vector_load %arg8[%get3A_115, %get3A_116] {strides = array<i32>} : memref<64x768xf32, #tpu.memory_space<vmem>>, vector<1x16xf32>,
      %get3A_118 = vector.shape_cast %get3A_117 : vector<1x16xf32> to vector<16xf32>
      %get3A_119 = arith.index_cast %scan3A_18 : i32 to index
      %get3A_120 = arith.constant 112 : index
      %get3A_121 = tpu.vector_load %arg9[%get3A_119, %get3A_120] {strides = array<i32>} : memref<64x768xf32, #tpu.memory_space<vmem>>, vector<1x16xf32>,
      %get3A_122 = vector.shape_cast %get3A_121 : vector<1x16xf32> to vector<16xf32>
      %add3A_123 = arith.addf %get3A_118, %get3A_122 : vector<16xf32>
      %swap3A_124 = arith.index_cast %scan3A_18 : i32 to index
      %swap3A_125 = arith.constant 112 : index
      %swap3A_126 = tpu.vector_load %arg8[%swap3A_124, %swap3A_125] {strides = array<i32>} : memref<64x768xf32, #tpu.memory_space<vmem>>, vector<1x16xf32>,
      %swap3A_127 = vector.shape_cast %swap3A_126 : vector<1x16xf32> to vector<16xf32>
      %swap3A_128 = vector.shape_cast %add3A_123 : vector<16xf32> to vector<1x16xf32>
      tpu.vector_store %arg8[%swap3A_124, %swap3A_125], %swap3A_128 {strides = array<i32>} : memref<64x768xf32, #tpu.memory_space<vmem>>, vector<1x16xf32>,
      %get3A_129 = arith.index_cast %scan3A_18 : i32 to index
      %get3A_130 = arith.constant 128 : index
      %get3A_131 = tpu.vector_load %arg8[%get3A_129, %get3A_130] {strides = array<i32>} : memref<64x768xf32, #tpu.memory_space<vmem>>, vector<1x16xf32>,
      %get3A_132 = vector.shape_cast %get3A_131 : vector<1x16xf32> to vector<16xf32>
      %get3A_133 = arith.index_cast %scan3A_18 : i32 to index
      %get3A_134 = arith.constant 128 : index
      %get3A_135 = tpu.vector_load %arg9[%get3A_133, %get3A_134] {strides = array<i32>} : memref<64x768xf32, #tpu.memory_space<vmem>>, vector<1x16xf32>,
      %get3A_136 = vector.shape_cast %get3A_135 : vector<1x16xf32> to vector<16xf32>
      %add3A_137 = arith.addf %get3A_132, %get3A_136 : vector<16xf32>
      %swap3A_138 = arith.index_cast %scan3A_18 : i32 to index
      %swap3A_139 = arith.constant 128 : index
      %swap3A_140 = tpu.vector_load %arg8[%swap3A_138, %swap3A_139] {strides = array<i32>} : memref<64x768xf32, #tpu.memory_space<vmem>>, vector<1x16xf32>,
      %swap3A_141 = vector.shape_cast %swap3A_140 : vector<1x16xf32> to vector<16xf32>
      %swap3A_142 = vector.shape_cast %add3A_137 : vector<16xf32> to vector<1x16xf32>
      tpu.vector_store %arg8[%swap3A_138, %swap3A_139], %swap3A_142 {strides = array<i32>} : memref<64x768xf32, #tpu.memory_space<vmem>>, vector<1x16xf32>,
      %get3A_143 = arith.index_cast %scan3A_18 : i32 to index
      %get3A_144 = arith.constant 144 : index
      %get3A_145 = tpu.vector_load %arg8[%get3A_143, %get3A_144] {strides = array<i32>} : memref<64x768xf32, #tpu.memory_space<vmem>>, vector<1x16xf32>,
      %get3A_146 = vector.shape_cast %get3A_145 : vector<1x16xf32> to vector<16xf32>
      %get3A_147 = arith.index_cast %scan3A_18 : i32 to index
      %get3A_148 = arith.constant 144 : index
      %get3A_149 = tpu.vector_load %arg9[%get3A_147, %get3A_148] {strides = array<i32>} : memref<64x768xf32, #tpu.memory_space<vmem>>, vector<1x16xf32>,
      %get3A_150 = vector.shape_cast %get3A_149 : vector<1x16xf32> to vector<16xf32>
      %add3A_151 = arith.addf %get3A_146, %get3A_150 : vector<16xf32>
      %swap3A_152 = arith.index_cast %scan3A_18 : i32 to index
      %swap3A_153 = arith.constant 144 : index
      %swap3A_154 = tpu.vector_load %arg8[%swap3A_152, %swap3A_153] {strides = array<i32>} : memref<64x768xf32, #tpu.memory_space<vmem>>, vector<1x16xf32>,
      %swap3A_155 = vector.shape_cast %swap3A_154 : vector<1x16xf32> to vector<16xf32>
      %swap3A_156 = vector.shape_cast %add3A_151 : vector<16xf32> to vector<1x16xf32>
      tpu.vector_store %arg8[%swap3A_152, %swap3A_153], %swap3A_156 {strides = array<i32>} : memref<64x768xf32, #tpu.memory_space<vmem>>, vector<1x16xf32>,
      %get3A_157 = arith.index_cast %scan3A_18 : i32 to index
      %get3A_158 = arith.constant 160 : index
      %get3A_159 = tpu.vector_load %arg8[%get3A_157, %get3A_158] {strides = array<i32>} : memref<64x768xf32, #tpu.memory_space<vmem>>, vector<1x16xf32>,
      %get3A_160 = vector.shape_cast %get3A_159 : vector<1x16xf32> to vector<16xf32>
      %get3A_161 = arith.index_cast %scan3A_18 : i32 to index
      %get3A_162 = arith.constant 160 : index
      %get3A_163 = tpu.vector_load %arg9[%get3A_161, %get3A_162] {strides = array<i32>} : memref<64x768xf32, #tpu.memory_space<vmem>>, vector<1x16xf32>,
      %get3A_164 = vector.shape_cast %get3A_163 : vector<1x16xf32> to vector<16xf32>
      %add3A_165 = arith.addf %get3A_160, %get3A_164 : vector<16xf32>
      %swap3A_166 = arith.index_cast %scan3A_18 : i32 to index
      %swap3A_167 = arith.constant 160 : index
      %swap3A_168 = tpu.vector_load %arg8[%swap3A_166, %swap3A_167] {strides = array<i32>} : memref<64x768xf32, #tpu.memory_space<vmem>>, vector<1x16xf32>,
      %swap3A_169 = vector.shape_cast %swap3A_168 : vector<1x16xf32> to vector<16xf32>
      %swap3A_170 = vector.shape_cast %add3A_165 : vector<16xf32> to vector<1x16xf32>
      tpu.vector_store %arg8[%swap3A_166, %swap3A_167], %swap3A_170 {strides = array<i32>} : memref<64x768xf32, #tpu.memory_space<vmem>>, vector<1x16xf32>,
      %get3A_171 = arith.index_cast %scan3A_18 : i32 to index
      %get3A_172 = arith.constant 176 : index
      %get3A_173 = tpu.vector_load %arg8[%get3A_171, %get3A_172] {strides = array<i32>} : memref<64x768xf32, #tpu.memory_space<vmem>>, vector<1x16xf32>,
      %get3A_174 = vector.shape_cast %get3A_173 : vector<1x16xf32> to vector<16xf32>
      %get3A_175 = arith.index_cast %scan3A_18 : i32 to index
      %get3A_176 = arith.constant 176 : index
      %get3A_177 = tpu.vector_load %arg9[%get3A_175, %get3A_176] {strides = array<i32>} : memref<64x768xf32, #tpu.memory_space<vmem>>, vector<1x16xf32>,
      %get3A_178 = vector.shape_cast %get3A_177 : vector<1x16xf32> to vector<16xf32>
      %add3A_179 = arith.addf %get3A_174, %get3A_178 : vector<16xf32>
      %swap3A_180 = arith.index_cast %scan3A_18 : i32 to index
      %swap3A_181 = arith.constant 176 : index
      %swap3A_182 = tpu.vector_load %arg8[%swap3A_180, %swap3A_181] {strides = array<i32>} : memref<64x768xf32, #tpu.memory_space<vmem>>, vector<1x16xf32>,
      %swap3A_183 = vector.shape_cast %swap3A_182 : vector<1x16xf32> to vector<16xf32>
      %swap3A_184 = vector.shape_cast %add3A_179 : vector<16xf32> to vector<1x16xf32>
      tpu.vector_store %arg8[%swap3A_180, %swap3A_181], %swap3A_184 {strides = array<i32>} : memref<64x768xf32, #tpu.memory_space<vmem>>, vector<1x16xf32>,
      %get3A_185 = arith.index_cast %scan3A_18 : i32 to index
      %get3A_186 = arith.constant 192 : index
      %get3A_187 = tpu.vector_load %arg8[%get3A_185, %get3A_186] {strides = array<i32>} : memref<64x768xf32, #tpu.memory_space<vmem>>, vector<1x16xf32>,
      %get3A_188 = vector.shape_cast %get3A_187 : vector<1x16xf32> to vector<16xf32>
      %get3A_189 = arith.index_cast %scan3A_18 : i32 to index
      %get3A_190 = arith.constant 192 : index
      %get3A_191 = tpu.vector_load %arg9[%get3A_189, %get3A_190] {strides = array<i32>} : memref<64x768xf32, #tpu.memory_space<vmem>>, vector<1x16xf32>,
      %get3A_192 = vector.shape_cast %get3A_191 : vector<1x16xf32> to vector<16xf32>
      %add3A_193 = arith.addf %get3A_188, %get3A_192 : vector<16xf32>
      %swap3A_194 = arith.index_cast %scan3A_18 : i32 to index
      %swap3A_195 = arith.constant 192 : index
      %swap3A_196 = tpu.vector_load %arg8[%swap3A_194, %swap3A_195] {strides = array<i32>} : memref<64x768xf32, #tpu.memory_space<vmem>>, vector<1x16xf32>,
      %swap3A_197 = vector.shape_cast %swap3A_196 : vector<1x16xf32> to vector<16xf32>
      %swap3A_198 = vector.shape_cast %add3A_193 : vector<16xf32> to vector<1x16xf32>
      tpu.vector_store %arg8[%swap3A_194, %swap3A_195], %swap3A_198 {strides = array<i32>} : memref<64x768xf32, #tpu.memory_space<vmem>>, vector<1x16xf32>,
      %get3A_199 = arith.index_cast %scan3A_18 : i32 to index
      %get3A_200 = arith.constant 208 : index
      %get3A_201 = tpu.vector_load %arg8[%get3A_199, %get3A_200] {strides = array<i32>} : memref<64x768xf32, #tpu.memory_space<vmem>>, vector<1x16xf32>,
      %get3A_202 = vector.shape_cast %get3A_201 : vector<1x16xf32> to vector<16xf32>
      %get3A_203 = arith.index_cast %scan3A_18 : i32 to index
      %get3A_204 = arith.constant 208 : index
      %get3A_205 = tpu.vector_load %arg9[%get3A_203, %get3A_204] {strides = array<i32>} : memref<64x768xf32, #tpu.memory_space<vmem>>, vector<1x16xf32>,
      %get3A_206 = vector.shape_cast %get3A_205 : vector<1x16xf32> to vector<16xf32>
      %add3A_207 = arith.addf %get3A_202, %get3A_206 : vector<16xf32>
      %swap3A_208 = arith.index_cast %scan3A_18 : i32 to index
      %swap3A_209 = arith.constant 208 : index
      %swap3A_210 = tpu.vector_load %arg8[%swap3A_208, %swap3A_209] {strides = array<i32>} : memref<64x768xf32, #tpu.memory_space<vmem>>, vector<1x16xf32>,
      %swap3A_211 = vector.shape_cast %swap3A_210 : vector<1x16xf32> to vector<16xf32>
      %swap3A_212 = vector.shape_cast %add3A_207 : vector<16xf32> to vector<1x16xf32>
      tpu.vector_store %arg8[%swap3A_208, %swap3A_209], %swap3A_212 {strides = array<i32>} : memref<64x768xf32, #tpu.memory_space<vmem>>, vector<1x16xf32>,
      %get3A_213 = arith.index_cast %scan3A_18 : i32 to index
      %get3A_214 = arith.constant 224 : index
      %get3A_215 = tpu.vector_load %arg8[%get3A_213, %get3A_214] {strides = array<i32>} : memref<64x768xf32, #tpu.memory_space<vmem>>, vector<1x16xf32>,
      %get3A_216 = vector.shape_cast %get3A_215 : vector<1x16xf32> to vector<16xf32>
      %get3A_217 = arith.index_cast %scan3A_18 : i32 to index
      %get3A_218 = arith.constant 224 : index
      %get3A_219 = tpu.vector_load %arg9[%get3A_217, %get3A_218] {strides = array<i32>} : memref<64x768xf32, #tpu.memory_space<vmem>>, vector<1x16xf32>,
      %get3A_220 = vector.shape_cast %get3A_219 : vector<1x16xf32> to vector<16xf32>
      %add3A_221 = arith.addf %get3A_216, %get3A_220 : vector<16xf32>
      %swap3A_222 = arith.index_cast %scan3A_18 : i32 to index
      %swap3A_223 = arith.constant 224 : index
      %swap3A_224 = tpu.vector_load %arg8[%swap3A_222, %swap3A_223] {strides = array<i32>} : memref<64x768xf32, #tpu.memory_space<vmem>>, vector<1x16xf32>,
      %swap3A_225 = vector.shape_cast %swap3A_224 : vector<1x16xf32> to vector<16xf32>
      %swap3A_226 = vector.shape_cast %add3A_221 : vector<16xf32> to vector<1x16xf32>
      tpu.vector_store %arg8[%swap3A_222, %swap3A_223], %swap3A_226 {strides = array<i32>} : memref<64x768xf32, #tpu.memory_space<vmem>>, vector<1x16xf32>,
      %get3A_227 = arith.index_cast %scan3A_18 : i32 to index
      %get3A_228 = arith.constant 240 : index
      %get3A_229 = tpu.vector_load %arg8[%get3A_227, %get3A_228] {strides = array<i32>} : memref<64x768xf32, #tpu.memory_space<vmem>>, vector<1x16xf32>,
      %get3A_230 = vector.shape_cast %get3A_229 : vector<1x16xf32> to vector<16xf32>
      %get3A_231 = arith.index_cast %scan3A_18 : i32 to index
      %get3A_232 = arith.constant 240 : index
      %get3A_233 = tpu.vector_load %arg9[%get3A_231, %get3A_232] {strides = array<i32>} : memref<64x768xf32, #tpu.memory_space<vmem>>, vector<1x16xf32>,
      %get3A_234 = vector.shape_cast %get3A_233 : vector<1x16xf32> to vector<16xf32>
      %add3A_235 = arith.addf %get3A_230, %get3A_234 : vector<16xf32>
      %swap3A_236 = arith.index_cast %scan3A_18 : i32 to index
      %swap3A_237 = arith.constant 240 : index
      %swap3A_238 = tpu.vector_load %arg8[%swap3A_236, %swap3A_237] {strides = array<i32>} : memref<64x768xf32, #tpu.memory_space<vmem>>, vector<1x16xf32>,
      %swap3A_239 = vector.shape_cast %swap3A_238 : vector<1x16xf32> to vector<16xf32>
      %swap3A_240 = vector.shape_cast %add3A_235 : vector<16xf32> to vector<1x16xf32>
      tpu.vector_store %arg8[%swap3A_236, %swap3A_237], %swap3A_240 {strides = array<i32>} : memref<64x768xf32, #tpu.memory_space<vmem>>, vector<1x16xf32>,
      %get3A_241 = arith.index_cast %scan3A_18 : i32 to index
      %get3A_242 = arith.constant 256 : index
      %get3A_243 = tpu.vector_load %arg8[%get3A_241, %get3A_242] {strides = array<i32>} : memref<64x768xf32, #tpu.memory_space<vmem>>, vector<1x16xf32>,
      %get3A_244 = vector.shape_cast %get3A_243 : vector<1x16xf32> to vector<16xf32>
      %get3A_245 = arith.index_cast %scan3A_18 : i32 to index
      %get3A_246 = arith.constant 256 : index
      %get3A_247 = tpu.vector_load %arg9[%get3A_245, %get3A_246] {strides = array<i32>} : memref<64x768xf32, #tpu.memory_space<vmem>>, vector<1x16xf32>,
      %get3A_248 = vector.shape_cast %get3A_247 : vector<1x16xf32> to vector<16xf32>
      %add3A_249 = arith.addf %get3A_244, %get3A_248 : vector<16xf32>
      %swap3A_250 = arith.index_cast %scan3A_18 : i32 to index
      %swap3A_251 = arith.constant 256 : index
      %swap3A_252 = tpu.vector_load %arg8[%swap3A_250, %swap3A_251] {strides = array<i32>} : memref<64x768xf32, #tpu.memory_space<vmem>>, vector<1x16xf32>,
      %swap3A_253 = vector.shape_cast %swap3A_252 : vector<1x16xf32> to vector<16xf32>
      %swap3A_254 = vector.shape_cast %add3A_249 : vector<16xf32> to vector<1x16xf32>
      tpu.vector_store %arg8[%swap3A_250, %swap3A_251], %swap3A_254 {strides = array<i32>} : memref<64x768xf32, #tpu.memory_space<vmem>>, vector<1x16xf32>,
      %get3A_255 = arith.index_cast %scan3A_18 : i32 to index
      %get3A_256 = arith.constant 272 : index
      %get3A_257 = tpu.vector_load %arg8[%get3A_255, %get3A_256] {strides = array<i32>} : memref<64x768xf32, #tpu.memory_space<vmem>>, vector<1x16xf32>,
      %get3A_258 = vector.shape_cast %get3A_257 : vector<1x16xf32> to vector<16xf32>
      %get3A_259 = arith.index_cast %scan3A_18 : i32 to index
      %get3A_260 = arith.constant 272 : index
      %get3A_261 = tpu.vector_load %arg9[%get3A_259, %get3A_260] {strides = array<i32>} : memref<64x768xf32, #tpu.memory_space<vmem>>, vector<1x16xf32>,
      %get3A_262 = vector.shape_cast %get3A_261 : vector<1x16xf32> to vector<16xf32>
      %add3A_263 = arith.addf %get3A_258, %get3A_262 : vector<16xf32>
      %swap3A_264 = arith.index_cast %scan3A_18 : i32 to index
      %swap3A_265 = arith.constant 272 : index
      %swap3A_266 = tpu.vector_load %arg8[%swap3A_264, %swap3A_265] {strides = array<i32>} : memref<64x768xf32, #tpu.memory_space<vmem>>, vector<1x16xf32>,
      %swap3A_267 = vector.shape_cast %swap3A_266 : vector<1x16xf32> to vector<16xf32>
      %swap3A_268 = vector.shape_cast %add3A_263 : vector<16xf32> to vector<1x16xf32>
      tpu.vector_store %arg8[%swap3A_264, %swap3A_265], %swap3A_268 {strides = array<i32>} : memref<64x768xf32, #tpu.memory_space<vmem>>, vector<1x16xf32>,
      %get3A_269 = arith.index_cast %scan3A_18 : i32 to index
      %get3A_270 = arith.constant 288 : index
      %get3A_271 = tpu.vector_load %arg8[%get3A_269, %get3A_270] {strides = array<i32>} : memref<64x768xf32, #tpu.memory_space<vmem>>, vector<1x16xf32>,
      %get3A_272 = vector.shape_cast %get3A_271 : vector<1x16xf32> to vector<16xf32>
      %get3A_273 = arith.index_cast %scan3A_18 : i32 to index
      %get3A_274 = arith.constant 288 : index
      %get3A_275 = tpu.vector_load %arg9[%get3A_273, %get3A_274] {strides = array<i32>} : memref<64x768xf32, #tpu.memory_space<vmem>>, vector<1x16xf32>,
      %get3A_276 = vector.shape_cast %get3A_275 : vector<1x16xf32> to vector<16xf32>
      %add3A_277 = arith.addf %get3A_272, %get3A_276 : vector<16xf32>
      %swap3A_278 = arith.index_cast %scan3A_18 : i32 to index
      %swap3A_279 = arith.constant 288 : index
      %swap3A_280 = tpu.vector_load %arg8[%swap3A_278, %swap3A_279] {strides = array<i32>} : memref<64x768xf32, #tpu.memory_space<vmem>>, vector<1x16xf32>,
      %swap3A_281 = vector.shape_cast %swap3A_280 : vector<1x16xf32> to vector<16xf32>
      %swap3A_282 = vector.shape_cast %add3A_277 : vector<16xf32> to vector<1x16xf32>
      tpu.vector_store %arg8[%swap3A_278, %swap3A_279], %swap3A_282 {strides = array<i32>} : memref<64x768xf32, #tpu.memory_space<vmem>>, vector<1x16xf32>,
      %get3A_283 = arith.index_cast %scan3A_18 : i32 to index
      %get3A_284 = arith.constant 304 : index
      %get3A_285 = tpu.vector_load %arg8[%get3A_283, %get3A_284] {strides = array<i32>} : memref<64x768xf32, #tpu.memory_space<vmem>>, vector<1x16xf32>,
      %get3A_286 = vector.shape_cast %get3A_285 : vector<1x16xf32> to vector<16xf32>
      %get3A_287 = arith.index_cast %scan3A_18 : i32 to index
      %get3A_288 = arith.constant 304 : index
      %get3A_289 = tpu.vector_load %arg9[%get3A_287, %get3A_288] {strides = array<i32>} : memref<64x768xf32, #tpu.memory_space<vmem>>, vector<1x16xf32>,
      %get3A_290 = vector.shape_cast %get3A_289 : vector<1x16xf32> to vector<16xf32>
      %add3A_291 = arith.addf %get3A_286, %get3A_290 : vector<16xf32>
      %swap3A_292 = arith.index_cast %scan3A_18 : i32 to index
      %swap3A_293 = arith.constant 304 : index
      %swap3A_294 = tpu.vector_load %arg8[%swap3A_292, %swap3A_293] {strides = array<i32>} : memref<64x768xf32, #tpu.memory_space<vmem>>, vector<1x16xf32>,
      %swap3A_295 = vector.shape_cast %swap3A_294 : vector<1x16xf32> to vector<16xf32>
      %swap3A_296 = vector.shape_cast %add3A_291 : vector<16xf32> to vector<1x16xf32>
      tpu.vector_store %arg8[%swap3A_292, %swap3A_293], %swap3A_296 {strides = array<i32>} : memref<64x768xf32, #tpu.memory_space<vmem>>, vector<1x16xf32>,
      %get3A_297 = arith.index_cast %scan3A_18 : i32 to index
      %get3A_298 = arith.constant 320 : index
      %get3A_299 = tpu.vector_load %arg8[%get3A_297, %get3A_298] {strides = array<i32>} : memref<64x768xf32, #tpu.memory_space<vmem>>, vector<1x16xf32>,
      %get3A_300 = vector.shape_cast %get3A_299 : vector<1x16xf32> to vector<16xf32>
      %get3A_301 = arith.index_cast %scan3A_18 : i32 to index
      %get3A_302 = arith.constant 320 : index
      %get3A_303 = tpu.vector_load %arg9[%get3A_301, %get3A_302] {strides = array<i32>} : memref<64x768xf32, #tpu.memory_space<vmem>>, vector<1x16xf32>,
      %get3A_304 = vector.shape_cast %get3A_303 : vector<1x16xf32> to vector<16xf32>
      %add3A_305 = arith.addf %get3A_300, %get3A_304 : vector<16xf32>
      %swap3A_306 = arith.index_cast %scan3A_18 : i32 to index
      %swap3A_307 = arith.constant 320 : index
      %swap3A_308 = tpu.vector_load %arg8[%swap3A_306, %swap3A_307] {strides = array<i32>} : memref<64x768xf32, #tpu.memory_space<vmem>>, vector<1x16xf32>,
      %swap3A_309 = vector.shape_cast %swap3A_308 : vector<1x16xf32> to vector<16xf32>
      %swap3A_310 = vector.shape_cast %add3A_305 : vector<16xf32> to vector<1x16xf32>
      tpu.vector_store %arg8[%swap3A_306, %swap3A_307], %swap3A_310 {strides = array<i32>} : memref<64x768xf32, #tpu.memory_space<vmem>>, vector<1x16xf32>,
      %get3A_311 = arith.index_cast %scan3A_18 : i32 to index
      %get3A_312 = arith.constant 336 : index
      %get3A_313 = tpu.vector_load %arg8[%get3A_311, %get3A_312] {strides = array<i32>} : memref<64x768xf32, #tpu.memory_space<vmem>>, vector<1x16xf32>,
      %get3A_314 = vector.shape_cast %get3A_313 : vector<1x16xf32> to vector<16xf32>
      %get3A_315 = arith.index_cast %scan3A_18 : i32 to index
      %get3A_316 = arith.constant 336 : index
      %get3A_317 = tpu.vector_load %arg9[%get3A_315, %get3A_316] {strides = array<i32>} : memref<64x768xf32, #tpu.memory_space<vmem>>, vector<1x16xf32>,
      %get3A_318 = vector.shape_cast %get3A_317 : vector<1x16xf32> to vector<16xf32>
      %add3A_319 = arith.addf %get3A_314, %get3A_318 : vector<16xf32>
      %swap3A_320 = arith.index_cast %scan3A_18 : i32 to index
      %swap3A_321 = arith.constant 336 : index
      %swap3A_322 = tpu.vector_load %arg8[%swap3A_320, %swap3A_321] {strides = array<i32>} : memref<64x768xf32, #tpu.memory_space<vmem>>, vector<1x16xf32>,
      %swap3A_323 = vector.shape_cast %swap3A_322 : vector<1x16xf32> to vector<16xf32>
      %swap3A_324 = vector.shape_cast %add3A_319 : vector<16xf32> to vector<1x16xf32>
      tpu.vector_store %arg8[%swap3A_320, %swap3A_321], %swap3A_324 {strides = array<i32>} : memref<64x768xf32, #tpu.memory_space<vmem>>, vector<1x16xf32>,
      %get3A_325 = arith.index_cast %scan3A_18 : i32 to index
      %get3A_326 = arith.constant 352 : index
      %get3A_327 = tpu.vector_load %arg8[%get3A_325, %get3A_326] {strides = array<i32>} : memref<64x768xf32, #tpu.memory_space<vmem>>, vector<1x16xf32>,
      %get3A_328 = vector.shape_cast %get3A_327 : vector<1x16xf32> to vector<16xf32>
      %get3A_329 = arith.index_cast %scan3A_18 : i32 to index
      %get3A_330 = arith.constant 352 : index
      %get3A_331 = tpu.vector_load %arg9[%get3A_329, %get3A_330] {strides = array<i32>} : memref<64x768xf32, #tpu.memory_space<vmem>>, vector<1x16xf32>,
      %get3A_332 = vector.shape_cast %get3A_331 : vector<1x16xf32> to vector<16xf32>
      %add3A_333 = arith.addf %get3A_328, %get3A_332 : vector<16xf32>
      %swap3A_334 = arith.index_cast %scan3A_18 : i32 to index
      %swap3A_335 = arith.constant 352 : index
      %swap3A_336 = tpu.vector_load %arg8[%swap3A_334, %swap3A_335] {strides = array<i32>} : memref<64x768xf32, #tpu.memory_space<vmem>>, vector<1x16xf32>,
      %swap3A_337 = vector.shape_cast %swap3A_336 : vector<1x16xf32> to vector<16xf32>
      %swap3A_338 = vector.shape_cast %add3A_333 : vector<16xf32> to vector<1x16xf32>
      tpu.vector_store %arg8[%swap3A_334, %swap3A_335], %swap3A_338 {strides = array<i32>} : memref<64x768xf32, #tpu.memory_space<vmem>>, vector<1x16xf32>,
      %get3A_339 = arith.index_cast %scan3A_18 : i32 to index
      %get3A_340 = arith.constant 368 : index
      %get3A_341 = tpu.vector_load %arg8[%get3A_339, %get3A_340] {strides = array<i32>} : memref<64x768xf32, #tpu.memory_space<vmem>>, vector<1x16xf32>,
      %get3A_342 = vector.shape_cast %get3A_341 : vector<1x16xf32> to vector<16xf32>
      %get3A_343 = arith.index_cast %scan3A_18 : i32 to index
      %get3A_344 = arith.constant 368 : index
      %get3A_345 = tpu.vector_load %arg9[%get3A_343, %get3A_344] {strides = array<i32>} : memref<64x768xf32, #tpu.memory_space<vmem>>, vector<1x16xf32>,
      %get3A_346 = vector.shape_cast %get3A_345 : vector<1x16xf32> to vector<16xf32>
      %add3A_347 = arith.addf %get3A_342, %get3A_346 : vector<16xf32>
      %swap3A_348 = arith.index_cast %scan3A_18 : i32 to index
      %swap3A_349 = arith.constant 368 : index
      %swap3A_350 = tpu.vector_load %arg8[%swap3A_348, %swap3A_349] {strides = array<i32>} : memref<64x768xf32, #tpu.memory_space<vmem>>, vector<1x16xf32>,
      %swap3A_351 = vector.shape_cast %swap3A_350 : vector<1x16xf32> to vector<16xf32>
      %swap3A_352 = vector.shape_cast %add3A_347 : vector<16xf32> to vector<1x16xf32>
      tpu.vector_store %arg8[%swap3A_348, %swap3A_349], %swap3A_352 {strides = array<i32>} : memref<64x768xf32, #tpu.memory_space<vmem>>, vector<1x16xf32>,
      %get3A_353 = arith.index_cast %scan3A_18 : i32 to index
      %get3A_354 = arith.constant 384 : index
      %get3A_355 = tpu.vector_load %arg8[%get3A_353, %get3A_354] {strides = array<i32>} : memref<64x768xf32, #tpu.memory_space<vmem>>, vector<1x16xf32>,
      %get3A_356 = vector.shape_cast %get3A_355 : vector<1x16xf32> to vector<16xf32>
      %get3A_357 = arith.index_cast %scan3A_18 : i32 to index
      %get3A_358 = arith.constant 384 : index
      %get3A_359 = tpu.vector_load %arg9[%get3A_357, %get3A_358] {strides = array<i32>} : memref<64x768xf32, #tpu.memory_space<vmem>>, vector<1x16xf32>,
      %get3A_360 = vector.shape_cast %get3A_359 : vector<1x16xf32> to vector<16xf32>
      %add3A_361 = arith.addf %get3A_356, %get3A_360 : vector<16xf32>
      %swap3A_362 = arith.index_cast %scan3A_18 : i32 to index
      %swap3A_363 = arith.constant 384 : index
      %swap3A_364 = tpu.vector_load %arg8[%swap3A_362, %swap3A_363] {strides = array<i32>} : memref<64x768xf32, #tpu.memory_space<vmem>>, vector<1x16xf32>,
      %swap3A_365 = vector.shape_cast %swap3A_364 : vector<1x16xf32> to vector<16xf32>
      %swap3A_366 = vector.shape_cast %add3A_361 : vector<16xf32> to vector<1x16xf32>
      tpu.vector_store %arg8[%swap3A_362, %swap3A_363], %swap3A_366 {strides = array<i32>} : memref<64x768xf32, #tpu.memory_space<vmem>>, vector<1x16xf32>,
      %get3A_367 = arith.index_cast %scan3A_18 : i32 to index
      %get3A_368 = arith.constant 400 : index
      %get3A_369 = tpu.vector_load %arg8[%get3A_367, %get3A_368] {strides = array<i32>} : memref<64x768xf32, #tpu.memory_space<vmem>>, vector<1x16xf32>,
      %get3A_370 = vector.shape_cast %get3A_369 : vector<1x16xf32> to vector<16xf32>
      %get3A_371 = arith.index_cast %scan3A_18 : i32 to index
      %get3A_372 = arith.constant 400 : index
      %get3A_373 = tpu.vector_load %arg9[%get3A_371, %get3A_372] {strides = array<i32>} : memref<64x768xf32, #tpu.memory_space<vmem>>, vector<1x16xf32>,
      %get3A_374 = vector.shape_cast %get3A_373 : vector<1x16xf32> to vector<16xf32>
      %add3A_375 = arith.addf %get3A_370, %get3A_374 : vector<16xf32>
      %swap3A_376 = arith.index_cast %scan3A_18 : i32 to index
      %swap3A_377 = arith.constant 400 : index
      %swap3A_378 = tpu.vector_load %arg8[%swap3A_376, %swap3A_377] {strides = array<i32>} : memref<64x768xf32, #tpu.memory_space<vmem>>, vector<1x16xf32>,
      %swap3A_379 = vector.shape_cast %swap3A_378 : vector<1x16xf32> to vector<16xf32>
      %swap3A_380 = vector.shape_cast %add3A_375 : vector<16xf32> to vector<1x16xf32>
      tpu.vector_store %arg8[%swap3A_376, %swap3A_377], %swap3A_380 {strides = array<i32>} : memref<64x768xf32, #tpu.memory_space<vmem>>, vector<1x16xf32>,
      %get3A_381 = arith.index_cast %scan3A_18 : i32 to index
      %get3A_382 = arith.constant 416 : index
      %get3A_383 = tpu.vector_load %arg8[%get3A_381, %get3A_382] {strides = array<i32>} : memref<64x768xf32, #tpu.memory_space<vmem>>, vector<1x16xf32>,
      %get3A_384 = vector.shape_cast %get3A_383 : vector<1x16xf32> to vector<16xf32>
      %get3A_385 = arith.index_cast %scan3A_18 : i32 to index
      %get3A_386 = arith.constant 416 : index
      %get3A_387 = tpu.vector_load %arg9[%get3A_385, %get3A_386] {strides = array<i32>} : memref<64x768xf32, #tpu.memory_space<vmem>>, vector<1x16xf32>,
      %get3A_388 = vector.shape_cast %get3A_387 : vector<1x16xf32> to vector<16xf32>
      %add3A_389 = arith.addf %get3A_384, %get3A_388 : vector<16xf32>
      %swap3A_390 = arith.index_cast %scan3A_18 : i32 to index
      %swap3A_391 = arith.constant 416 : index
      %swap3A_392 = tpu.vector_load %arg8[%swap3A_390, %swap3A_391] {strides = array<i32>} : memref<64x768xf32, #tpu.memory_space<vmem>>, vector<1x16xf32>,
      %swap3A_393 = vector.shape_cast %swap3A_392 : vector<1x16xf32> to vector<16xf32>
      %swap3A_394 = vector.shape_cast %add3A_389 : vector<16xf32> to vector<1x16xf32>
      tpu.vector_store %arg8[%swap3A_390, %swap3A_391], %swap3A_394 {strides = array<i32>} : memref<64x768xf32, #tpu.memory_space<vmem>>, vector<1x16xf32>,
      %get3A_395 = arith.index_cast %scan3A_18 : i32 to index
      %get3A_396 = arith.constant 432 : index
      %get3A_397 = tpu.vector_load %arg8[%get3A_395, %get3A_396] {strides = array<i32>} : memref<64x768xf32, #tpu.memory_space<vmem>>, vector<1x16xf32>,
      %get3A_398 = vector.shape_cast %get3A_397 : vector<1x16xf32> to vector<16xf32>
      %get3A_399 = arith.index_cast %scan3A_18 : i32 to index
      %get3A_400 = arith.constant 432 : index
      %get3A_401 = tpu.vector_load %arg9[%get3A_399, %get3A_400] {strides = array<i32>} : memref<64x768xf32, #tpu.memory_space<vmem>>, vector<1x16xf32>,
      %get3A_402 = vector.shape_cast %get3A_401 : vector<1x16xf32> to vector<16xf32>
      %add3A_403 = arith.addf %get3A_398, %get3A_402 : vector<16xf32>
      %swap3A_404 = arith.index_cast %scan3A_18 : i32 to index
      %swap3A_405 = arith.constant 432 : index
      %swap3A_406 = tpu.vector_load %arg8[%swap3A_404, %swap3A_405] {strides = array<i32>} : memref<64x768xf32, #tpu.memory_space<vmem>>, vector<1x16xf32>,
      %swap3A_407 = vector.shape_cast %swap3A_406 : vector<1x16xf32> to vector<16xf32>
      %swap3A_408 = vector.shape_cast %add3A_403 : vector<16xf32> to vector<1x16xf32>
      tpu.vector_store %arg8[%swap3A_404, %swap3A_405], %swap3A_408 {strides = array<i32>} : memref<64x768xf32, #tpu.memory_space<vmem>>, vector<1x16xf32>,
      %get3A_409 = arith.index_cast %scan3A_18 : i32 to index
      %get3A_410 = arith.constant 448 : index
      %get3A_411 = tpu.vector_load %arg8[%get3A_409, %get3A_410] {strides = array<i32>} : memref<64x768xf32, #tpu.memory_space<vmem>>, vector<1x16xf32>,
      %get3A_412 = vector.shape_cast %get3A_411 : vector<1x16xf32> to vector<16xf32>
      %get3A_413 = arith.index_cast %scan3A_18 : i32 to index
      %get3A_414 = arith.constant 448 : index
      %get3A_415 = tpu.vector_load %arg9[%get3A_413, %get3A_414] {strides = array<i32>} : memref<64x768xf32, #tpu.memory_space<vmem>>, vector<1x16xf32>,
      %get3A_416 = vector.shape_cast %get3A_415 : vector<1x16xf32> to vector<16xf32>
      %add3A_417 = arith.addf %get3A_412, %get3A_416 : vector<16xf32>
      %swap3A_418 = arith.index_cast %scan3A_18 : i32 to index
      %swap3A_419 = arith.constant 448 : index
      %swap3A_420 = tpu.vector_load %arg8[%swap3A_418, %swap3A_419] {strides = array<i32>} : memref<64x768xf32, #tpu.memory_space<vmem>>, vector<1x16xf32>,
      %swap3A_421 = vector.shape_cast %swap3A_420 : vector<1x16xf32> to vector<16xf32>
      %swap3A_422 = vector.shape_cast %add3A_417 : vector<16xf32> to vector<1x16xf32>
      tpu.vector_store %arg8[%swap3A_418, %swap3A_419], %swap3A_422 {strides = array<i32>} : memref<64x768xf32, #tpu.memory_space<vmem>>, vector<1x16xf32>,
      %get3A_423 = arith.index_cast %scan3A_18 : i32 to index
      %get3A_424 = arith.constant 464 : index
      %get3A_425 = tpu.vector_load %arg8[%get3A_423, %get3A_424] {strides = array<i32>} : memref<64x768xf32, #tpu.memory_space<vmem>>, vector<1x16xf32>,
      %get3A_426 = vector.shape_cast %get3A_425 : vector<1x16xf32> to vector<16xf32>
      %get3A_427 = arith.index_cast %scan3A_18 : i32 to index
      %get3A_428 = arith.constant 464 : index
      %get3A_429 = tpu.vector_load %arg9[%get3A_427, %get3A_428] {strides = array<i32>} : memref<64x768xf32, #tpu.memory_space<vmem>>, vector<1x16xf32>,
      %get3A_430 = vector.shape_cast %get3A_429 : vector<1x16xf32> to vector<16xf32>
      %add3A_431 = arith.addf %get3A_426, %get3A_430 : vector<16xf32>
      %swap3A_432 = arith.index_cast %scan3A_18 : i32 to index
      %swap3A_433 = arith.constant 464 : index
      %swap3A_434 = tpu.vector_load %arg8[%swap3A_432, %swap3A_433] {strides = array<i32>} : memref<64x768xf32, #tpu.memory_space<vmem>>, vector<1x16xf32>,
      %swap3A_435 = vector.shape_cast %swap3A_434 : vector<1x16xf32> to vector<16xf32>
      %swap3A_436 = vector.shape_cast %add3A_431 : vector<16xf32> to vector<1x16xf32>
      tpu.vector_store %arg8[%swap3A_432, %swap3A_433], %swap3A_436 {strides = array<i32>} : memref<64x768xf32, #tpu.memory_space<vmem>>, vector<1x16xf32>,
      %get3A_437 = arith.index_cast %scan3A_18 : i32 to index
      %get3A_438 = arith.constant 480 : index
      %get3A_439 = tpu.vector_load %arg8[%get3A_437, %get3A_438] {strides = array<i32>} : memref<64x768xf32, #tpu.memory_space<vmem>>, vector<1x16xf32>,
      %get3A_440 = vector.shape_cast %get3A_439 : vector<1x16xf32> to vector<16xf32>
      %get3A_441 = arith.index_cast %scan3A_18 : i32 to index
      %get3A_442 = arith.constant 480 : index
      %get3A_443 = tpu.vector_load %arg9[%get3A_441, %get3A_442] {strides = array<i32>} : memref<64x768xf32, #tpu.memory_space<vmem>>, vector<1x16xf32>,
      %get3A_444 = vector.shape_cast %get3A_443 : vector<1x16xf32> to vector<16xf32>
      %add3A_445 = arith.addf %get3A_440, %get3A_444 : vector<16xf32>
      %swap3A_446 = arith.index_cast %scan3A_18 : i32 to index
      %swap3A_447 = arith.constant 480 : index
      %swap3A_448 = tpu.vector_load %arg8[%swap3A_446, %swap3A_447] {strides = array<i32>} : memref<64x768xf32, #tpu.memory_space<vmem>>, vector<1x16xf32>,
      %swap3A_449 = vector.shape_cast %swap3A_448 : vector<1x16xf32> to vector<16xf32>
      %swap3A_450 = vector.shape_cast %add3A_445 : vector<16xf32> to vector<1x16xf32>
      tpu.vector_store %arg8[%swap3A_446, %swap3A_447], %swap3A_450 {strides = array<i32>} : memref<64x768xf32, #tpu.memory_space<vmem>>, vector<1x16xf32>,
      %get3A_451 = arith.index_cast %scan3A_18 : i32 to index
      %get3A_452 = arith.constant 496 : index
      %get3A_453 = tpu.vector_load %arg8[%get3A_451, %get3A_452] {strides = array<i32>} : memref<64x768xf32, #tpu.memory_space<vmem>>, vector<1x16xf32>,
      %get3A_454 = vector.shape_cast %get3A_453 : vector<1x16xf32> to vector<16xf32>
      %get3A_455 = arith.index_cast %scan3A_18 : i32 to index
      %get3A_456 = arith.constant 496 : index
      %get3A_457 = tpu.vector_load %arg9[%get3A_455, %get3A_456] {strides = array<i32>} : memref<64x768xf32, #tpu.memory_space<vmem>>, vector<1x16xf32>,
      %get3A_458 = vector.shape_cast %get3A_457 : vector<1x16xf32> to vector<16xf32>
      %add3A_459 = arith.addf %get3A_454, %get3A_458 : vector<16xf32>
      %swap3A_460 = arith.index_cast %scan3A_18 : i32 to index
      %swap3A_461 = arith.constant 496 : index
      %swap3A_462 = tpu.vector_load %arg8[%swap3A_460, %swap3A_461] {strides = array<i32>} : memref<64x768xf32, #tpu.memory_space<vmem>>, vector<1x16xf32>,
      %swap3A_463 = vector.shape_cast %swap3A_462 : vector<1x16xf32> to vector<16xf32>
      %swap3A_464 = vector.shape_cast %add3A_459 : vector<16xf32> to vector<1x16xf32>
      tpu.vector_store %arg8[%swap3A_460, %swap3A_461], %swap3A_464 {strides = array<i32>} : memref<64x768xf32, #tpu.memory_space<vmem>>, vector<1x16xf32>,
      %get3A_465 = arith.index_cast %scan3A_18 : i32 to index
      %get3A_466 = arith.constant 512 : index
      %get3A_467 = tpu.vector_load %arg8[%get3A_465, %get3A_466] {strides = array<i32>} : memref<64x768xf32, #tpu.memory_space<vmem>>, vector<1x16xf32>,
      %get3A_468 = vector.shape_cast %get3A_467 : vector<1x16xf32> to vector<16xf32>
      %get3A_469 = arith.index_cast %scan3A_18 : i32 to index
      %get3A_470 = arith.constant 512 : index
      %get3A_471 = tpu.vector_load %arg9[%get3A_469, %get3A_470] {strides = array<i32>} : memref<64x768xf32, #tpu.memory_space<vmem>>, vector<1x16xf32>,
      %get3A_472 = vector.shape_cast %get3A_471 : vector<1x16xf32> to vector<16xf32>
      %add3A_473 = arith.addf %get3A_468, %get3A_472 : vector<16xf32>
      %swap3A_474 = arith.index_cast %scan3A_18 : i32 to index
      %swap3A_475 = arith.constant 512 : index
      %swap3A_476 = tpu.vector_load %arg8[%swap3A_474, %swap3A_475] {strides = array<i32>} : memref<64x768xf32, #tpu.memory_space<vmem>>, vector<1x16xf32>,
      %swap3A_477 = vector.shape_cast %swap3A_476 : vector<1x16xf32> to vector<16xf32>
      %swap3A_478 = vector.shape_cast %add3A_473 : vector<16xf32> to vector<1x16xf32>
      tpu.vector_store %arg8[%swap3A_474, %swap3A_475], %swap3A_478 {strides = array<i32>} : memref<64x768xf32, #tpu.memory_space<vmem>>, vector<1x16xf32>,
      %get3A_479 = arith.index_cast %scan3A_18 : i32 to index
      %get3A_480 = arith.constant 528 : index
      %get3A_481 = tpu.vector_load %arg8[%get3A_479, %get3A_480] {strides = array<i32>} : memref<64x768xf32, #tpu.memory_space<vmem>>, vector<1x16xf32>,
      %get3A_482 = vector.shape_cast %get3A_481 : vector<1x16xf32> to vector<16xf32>
      %get3A_483 = arith.index_cast %scan3A_18 : i32 to index
      %get3A_484 = arith.constant 528 : index
      %get3A_485 = tpu.vector_load %arg9[%get3A_483, %get3A_484] {strides = array<i32>} : memref<64x768xf32, #tpu.memory_space<vmem>>, vector<1x16xf32>,
      %get3A_486 = vector.shape_cast %get3A_485 : vector<1x16xf32> to vector<16xf32>
      %add3A_487 = arith.addf %get3A_482, %get3A_486 : vector<16xf32>
      %swap3A_488 = arith.index_cast %scan3A_18 : i32 to index
      %swap3A_489 = arith.constant 528 : index
      %swap3A_490 = tpu.vector_load %arg8[%swap3A_488, %swap3A_489] {strides = array<i32>} : memref<64x768xf32, #tpu.memory_space<vmem>>, vector<1x16xf32>,
      %swap3A_491 = vector.shape_cast %swap3A_490 : vector<1x16xf32> to vector<16xf32>
      %swap3A_492 = vector.shape_cast %add3A_487 : vector<16xf32> to vector<1x16xf32>
      tpu.vector_store %arg8[%swap3A_488, %swap3A_489], %swap3A_492 {strides = array<i32>} : memref<64x768xf32, #tpu.memory_space<vmem>>, vector<1x16xf32>,
      %get3A_493 = arith.index_cast %scan3A_18 : i32 to index
      %get3A_494 = arith.constant 544 : index
      %get3A_495 = tpu.vector_load %arg8[%get3A_493, %get3A_494] {strides = array<i32>} : memref<64x768xf32, #tpu.memory_space<vmem>>, vector<1x16xf32>,
      %get3A_496 = vector.shape_cast %get3A_495 : vector<1x16xf32> to vector<16xf32>
      %get3A_497 = arith.index_cast %scan3A_18 : i32 to index
      %get3A_498 = arith.constant 544 : index
      %get3A_499 = tpu.vector_load %arg9[%get3A_497, %get3A_498] {strides = array<i32>} : memref<64x768xf32, #tpu.memory_space<vmem>>, vector<1x16xf32>,
      %get3A_500 = vector.shape_cast %get3A_499 : vector<1x16xf32> to vector<16xf32>
      %add3A_501 = arith.addf %get3A_496, %get3A_500 : vector<16xf32>
      %swap3A_502 = arith.index_cast %scan3A_18 : i32 to index
      %swap3A_503 = arith.constant 544 : index
      %swap3A_504 = tpu.vector_load %arg8[%swap3A_502, %swap3A_503] {strides = array<i32>} : memref<64x768xf32, #tpu.memory_space<vmem>>, vector<1x16xf32>,
      %swap3A_505 = vector.shape_cast %swap3A_504 : vector<1x16xf32> to vector<16xf32>
      %swap3A_506 = vector.shape_cast %add3A_501 : vector<16xf32> to vector<1x16xf32>
      tpu.vector_store %arg8[%swap3A_502, %swap3A_503], %swap3A_506 {strides = array<i32>} : memref<64x768xf32, #tpu.memory_space<vmem>>, vector<1x16xf32>,
      %get3A_507 = arith.index_cast %scan3A_18 : i32 to index
      %get3A_508 = arith.constant 560 : index
      %get3A_509 = tpu.vector_load %arg8[%get3A_507, %get3A_508] {strides = array<i32>} : memref<64x768xf32, #tpu.memory_space<vmem>>, vector<1x16xf32>,
      %get3A_510 = vector.shape_cast %get3A_509 : vector<1x16xf32> to vector<16xf32>
      %get3A_511 = arith.index_cast %scan3A_18 : i32 to index
      %get3A_512 = arith.constant 560 : index
      %get3A_513 = tpu.vector_load %arg9[%get3A_511, %get3A_512] {strides = array<i32>} : memref<64x768xf32, #tpu.memory_space<vmem>>, vector<1x16xf32>,
      %get3A_514 = vector.shape_cast %get3A_513 : vector<1x16xf32> to vector<16xf32>
      %add3A_515 = arith.addf %get3A_510, %get3A_514 : vector<16xf32>
      %swap3A_516 = arith.index_cast %scan3A_18 : i32 to index
      %swap3A_517 = arith.constant 560 : index
      %swap3A_518 = tpu.vector_load %arg8[%swap3A_516, %swap3A_517] {strides = array<i32>} : memref<64x768xf32, #tpu.memory_space<vmem>>, vector<1x16xf32>,
      %swap3A_519 = vector.shape_cast %swap3A_518 : vector<1x16xf32> to vector<16xf32>
      %swap3A_520 = vector.shape_cast %add3A_515 : vector<16xf32> to vector<1x16xf32>
      tpu.vector_store %arg8[%swap3A_516, %swap3A_517], %swap3A_520 {strides = array<i32>} : memref<64x768xf32, #tpu.memory_space<vmem>>, vector<1x16xf32>,
      %get3A_521 = arith.index_cast %scan3A_18 : i32 to index
      %get3A_522 = arith.constant 576 : index
      %get3A_523 = tpu.vector_load %arg8[%get3A_521, %get3A_522] {strides = array<i32>} : memref<64x768xf32, #tpu.memory_space<vmem>>, vector<1x16xf32>,
      %get3A_524 = vector.shape_cast %get3A_523 : vector<1x16xf32> to vector<16xf32>
      %get3A_525 = arith.index_cast %scan3A_18 : i32 to index
      %get3A_526 = arith.constant 576 : index
      %get3A_527 = tpu.vector_load %arg9[%get3A_525, %get3A_526] {strides = array<i32>} : memref<64x768xf32, #tpu.memory_space<vmem>>, vector<1x16xf32>,
      %get3A_528 = vector.shape_cast %get3A_527 : vector<1x16xf32> to vector<16xf32>
      %add3A_529 = arith.addf %get3A_524, %get3A_528 : vector<16xf32>
      %swap3A_530 = arith.index_cast %scan3A_18 : i32 to index
      %swap3A_531 = arith.constant 576 : index
      %swap3A_532 = tpu.vector_load %arg8[%swap3A_530, %swap3A_531] {strides = array<i32>} : memref<64x768xf32, #tpu.memory_space<vmem>>, vector<1x16xf32>,
      %swap3A_533 = vector.shape_cast %swap3A_532 : vector<1x16xf32> to vector<16xf32>
      %swap3A_534 = vector.shape_cast %add3A_529 : vector<16xf32> to vector<1x16xf32>
      tpu.vector_store %arg8[%swap3A_530, %swap3A_531], %swap3A_534 {strides = array<i32>} : memref<64x768xf32, #tpu.memory_space<vmem>>, vector<1x16xf32>,
      %get3A_535 = arith.index_cast %scan3A_18 : i32 to index
      %get3A_536 = arith.constant 592 : index
      %get3A_537 = tpu.vector_load %arg8[%get3A_535, %get3A_536] {strides = array<i32>} : memref<64x768xf32, #tpu.memory_space<vmem>>, vector<1x16xf32>,
      %get3A_538 = vector.shape_cast %get3A_537 : vector<1x16xf32> to vector<16xf32>
      %get3A_539 = arith.index_cast %scan3A_18 : i32 to index
      %get3A_540 = arith.constant 592 : index
      %get3A_541 = tpu.vector_load %arg9[%get3A_539, %get3A_540] {strides = array<i32>} : memref<64x768xf32, #tpu.memory_space<vmem>>, vector<1x16xf32>,
      %get3A_542 = vector.shape_cast %get3A_541 : vector<1x16xf32> to vector<16xf32>
      %add3A_543 = arith.addf %get3A_538, %get3A_542 : vector<16xf32>
      %swap3A_544 = arith.index_cast %scan3A_18 : i32 to index
      %swap3A_545 = arith.constant 592 : index
      %swap3A_546 = tpu.vector_load %arg8[%swap3A_544, %swap3A_545] {strides = array<i32>} : memref<64x768xf32, #tpu.memory_space<vmem>>, vector<1x16xf32>,
      %swap3A_547 = vector.shape_cast %swap3A_546 : vector<1x16xf32> to vector<16xf32>
      %swap3A_548 = vector.shape_cast %add3A_543 : vector<16xf32> to vector<1x16xf32>
      tpu.vector_store %arg8[%swap3A_544, %swap3A_545], %swap3A_548 {strides = array<i32>} : memref<64x768xf32, #tpu.memory_space<vmem>>, vector<1x16xf32>,
      %get3A_549 = arith.index_cast %scan3A_18 : i32 to index
      %get3A_550 = arith.constant 608 : index
      %get3A_551 = tpu.vector_load %arg8[%get3A_549, %get3A_550] {strides = array<i32>} : memref<64x768xf32, #tpu.memory_space<vmem>>, vector<1x16xf32>,
      %get3A_552 = vector.shape_cast %get3A_551 : vector<1x16xf32> to vector<16xf32>
      %get3A_553 = arith.index_cast %scan3A_18 : i32 to index
      %get3A_554 = arith.constant 608 : index
      %get3A_555 = tpu.vector_load %arg9[%get3A_553, %get3A_554] {strides = array<i32>} : memref<64x768xf32, #tpu.memory_space<vmem>>, vector<1x16xf32>,
      %get3A_556 = vector.shape_cast %get3A_555 : vector<1x16xf32> to vector<16xf32>
      %add3A_557 = arith.addf %get3A_552, %get3A_556 : vector<16xf32>
      %swap3A_558 = arith.index_cast %scan3A_18 : i32 to index
      %swap3A_559 = arith.constant 608 : index
      %swap3A_560 = tpu.vector_load %arg8[%swap3A_558, %swap3A_559] {strides = array<i32>} : memref<64x768xf32, #tpu.memory_space<vmem>>, vector<1x16xf32>,
      %swap3A_561 = vector.shape_cast %swap3A_560 : vector<1x16xf32> to vector<16xf32>
      %swap3A_562 = vector.shape_cast %add3A_557 : vector<16xf32> to vector<1x16xf32>
      tpu.vector_store %arg8[%swap3A_558, %swap3A_559], %swap3A_562 {strides = array<i32>} : memref<64x768xf32, #tpu.memory_space<vmem>>, vector<1x16xf32>,
      %get3A_563 = arith.index_cast %scan3A_18 : i32 to index
      %get3A_564 = arith.constant 624 : index
      %get3A_565 = tpu.vector_load %arg8[%get3A_563, %get3A_564] {strides = array<i32>} : memref<64x768xf32, #tpu.memory_space<vmem>>, vector<1x16xf32>,
      %get3A_566 = vector.shape_cast %get3A_565 : vector<1x16xf32> to vector<16xf32>
      %get3A_567 = arith.index_cast %scan3A_18 : i32 to index
      %get3A_568 = arith.constant 624 : index
      %get3A_569 = tpu.vector_load %arg9[%get3A_567, %get3A_568] {strides = array<i32>} : memref<64x768xf32, #tpu.memory_space<vmem>>, vector<1x16xf32>,
      %get3A_570 = vector.shape_cast %get3A_569 : vector<1x16xf32> to vector<16xf32>
      %add3A_571 = arith.addf %get3A_566, %get3A_570 : vector<16xf32>
      %swap3A_572 = arith.index_cast %scan3A_18 : i32 to index
      %swap3A_573 = arith.constant 624 : index
      %swap3A_574 = tpu.vector_load %arg8[%swap3A_572, %swap3A_573] {strides = array<i32>} : memref<64x768xf32, #tpu.memory_space<vmem>>, vector<1x16xf32>,
      %swap3A_575 = vector.shape_cast %swap3A_574 : vector<1x16xf32> to vector<16xf32>
      %swap3A_576 = vector.shape_cast %add3A_571 : vector<16xf32> to vector<1x16xf32>
      tpu.vector_store %arg8[%swap3A_572, %swap3A_573], %swap3A_576 {strides = array<i32>} : memref<64x768xf32, #tpu.memory_space<vmem>>, vector<1x16xf32>,
      %get3A_577 = arith.index_cast %scan3A_18 : i32 to index
      %get3A_578 = arith.constant 640 : index
      %get3A_579 = tpu.vector_load %arg8[%get3A_577, %get3A_578] {strides = array<i32>} : memref<64x768xf32, #tpu.memory_space<vmem>>, vector<1x16xf32>,
      %get3A_580 = vector.shape_cast %get3A_579 : vector<1x16xf32> to vector<16xf32>
      %get3A_581 = arith.index_cast %scan3A_18 : i32 to index
      %get3A_582 = arith.constant 640 : index
      %get3A_583 = tpu.vector_load %arg9[%get3A_581, %get3A_582] {strides = array<i32>} : memref<64x768xf32, #tpu.memory_space<vmem>>, vector<1x16xf32>,
      %get3A_584 = vector.shape_cast %get3A_583 : vector<1x16xf32> to vector<16xf32>
      %add3A_585 = arith.addf %get3A_580, %get3A_584 : vector<16xf32>
      %swap3A_586 = arith.index_cast %scan3A_18 : i32 to index
      %swap3A_587 = arith.constant 640 : index
      %swap3A_588 = tpu.vector_load %arg8[%swap3A_586, %swap3A_587] {strides = array<i32>} : memref<64x768xf32, #tpu.memory_space<vmem>>, vector<1x16xf32>,
      %swap3A_589 = vector.shape_cast %swap3A_588 : vector<1x16xf32> to vector<16xf32>
      %swap3A_590 = vector.shape_cast %add3A_585 : vector<16xf32> to vector<1x16xf32>
      tpu.vector_store %arg8[%swap3A_586, %swap3A_587], %swap3A_590 {strides = array<i32>} : memref<64x768xf32, #tpu.memory_space<vmem>>, vector<1x16xf32>,
      %get3A_591 = arith.index_cast %scan3A_18 : i32 to index
      %get3A_592 = arith.constant 656 : index
      %get3A_593 = tpu.vector_load %arg8[%get3A_591, %get3A_592] {strides = array<i32>} : memref<64x768xf32, #tpu.memory_space<vmem>>, vector<1x16xf32>,
      %get3A_594 = vector.shape_cast %get3A_593 : vector<1x16xf32> to vector<16xf32>
      %get3A_595 = arith.index_cast %scan3A_18 : i32 to index
      %get3A_596 = arith.constant 656 : index
      %get3A_597 = tpu.vector_load %arg9[%get3A_595, %get3A_596] {strides = array<i32>} : memref<64x768xf32, #tpu.memory_space<vmem>>, vector<1x16xf32>,
      %get3A_598 = vector.shape_cast %get3A_597 : vector<1x16xf32> to vector<16xf32>
      %add3A_599 = arith.addf %get3A_594, %get3A_598 : vector<16xf32>
      %swap3A_600 = arith.index_cast %scan3A_18 : i32 to index
      %swap3A_601 = arith.constant 656 : index
      %swap3A_602 = tpu.vector_load %arg8[%swap3A_600, %swap3A_601] {strides = array<i32>} : memref<64x768xf32, #tpu.memory_space<vmem>>, vector<1x16xf32>,
      %swap3A_603 = vector.shape_cast %swap3A_602 : vector<1x16xf32> to vector<16xf32>
      %swap3A_604 = vector.shape_cast %add3A_599 : vector<16xf32> to vector<1x16xf32>
      tpu.vector_store %arg8[%swap3A_600, %swap3A_601], %swap3A_604 {strides = array<i32>} : memref<64x768xf32, #tpu.memory_space<vmem>>, vector<1x16xf32>,
      %get3A_605 = arith.index_cast %scan3A_18 : i32 to index
      %get3A_606 = arith.constant 672 : index
      %get3A_607 = tpu.vector_load %arg8[%get3A_605, %get3A_606] {strides = array<i32>} : memref<64x768xf32, #tpu.memory_space<vmem>>, vector<1x16xf32>,
      %get3A_608 = vector.shape_cast %get3A_607 : vector<1x16xf32> to vector<16xf32>
      %get3A_609 = arith.index_cast %scan3A_18 : i32 to index
      %get3A_610 = arith.constant 672 : index
      %get3A_611 = tpu.vector_load %arg9[%get3A_609, %get3A_610] {strides = array<i32>} : memref<64x768xf32, #tpu.memory_space<vmem>>, vector<1x16xf32>,
      %get3A_612 = vector.shape_cast %get3A_611 : vector<1x16xf32> to vector<16xf32>
      %add3A_613 = arith.addf %get3A_608, %get3A_612 : vector<16xf32>
      %swap3A_614 = arith.index_cast %scan3A_18 : i32 to index
      %swap3A_615 = arith.constant 672 : index
      %swap3A_616 = tpu.vector_load %arg8[%swap3A_614, %swap3A_615] {strides = array<i32>} : memref<64x768xf32, #tpu.memory_space<vmem>>, vector<1x16xf32>,
      %swap3A_617 = vector.shape_cast %swap3A_616 : vector<1x16xf32> to vector<16xf32>
      %swap3A_618 = vector.shape_cast %add3A_613 : vector<16xf32> to vector<1x16xf32>
      tpu.vector_store %arg8[%swap3A_614, %swap3A_615], %swap3A_618 {strides = array<i32>} : memref<64x768xf32, #tpu.memory_space<vmem>>, vector<1x16xf32>,
      %get3A_619 = arith.index_cast %scan3A_18 : i32 to index
      %get3A_620 = arith.constant 688 : index
      %get3A_621 = tpu.vector_load %arg8[%get3A_619, %get3A_620] {strides = array<i32>} : memref<64x768xf32, #tpu.memory_space<vmem>>, vector<1x16xf32>,
      %get3A_622 = vector.shape_cast %get3A_621 : vector<1x16xf32> to vector<16xf32>
      %get3A_623 = arith.index_cast %scan3A_18 : i32 to index
      %get3A_624 = arith.constant 688 : index
      %get3A_625 = tpu.vector_load %arg9[%get3A_623, %get3A_624] {strides = array<i32>} : memref<64x768xf32, #tpu.memory_space<vmem>>, vector<1x16xf32>,
      %get3A_626 = vector.shape_cast %get3A_625 : vector<1x16xf32> to vector<16xf32>
      %add3A_627 = arith.addf %get3A_622, %get3A_626 : vector<16xf32>
      %swap3A_628 = arith.index_cast %scan3A_18 : i32 to index
      %swap3A_629 = arith.constant 688 : index
      %swap3A_630 = tpu.vector_load %arg8[%swap3A_628, %swap3A_629] {strides = array<i32>} : memref<64x768xf32, #tpu.memory_space<vmem>>, vector<1x16xf32>,
      %swap3A_631 = vector.shape_cast %swap3A_630 : vector<1x16xf32> to vector<16xf32>
      %swap3A_632 = vector.shape_cast %add3A_627 : vector<16xf32> to vector<1x16xf32>
      tpu.vector_store %arg8[%swap3A_628, %swap3A_629], %swap3A_632 {strides = array<i32>} : memref<64x768xf32, #tpu.memory_space<vmem>>, vector<1x16xf32>,
      %get3A_633 = arith.index_cast %scan3A_18 : i32 to index
      %get3A_634 = arith.constant 704 : index
      %get3A_635 = tpu.vector_load %arg8[%get3A_633, %get3A_634] {strides = array<i32>} : memref<64x768xf32, #tpu.memory_space<vmem>>, vector<1x16xf32>,
      %get3A_636 = vector.shape_cast %get3A_635 : vector<1x16xf32> to vector<16xf32>
      %get3A_637 = arith.index_cast %scan3A_18 : i32 to index
      %get3A_638 = arith.constant 704 : index
      %get3A_639 = tpu.vector_load %arg9[%get3A_637, %get3A_638] {strides = array<i32>} : memref<64x768xf32, #tpu.memory_space<vmem>>, vector<1x16xf32>,
      %get3A_640 = vector.shape_cast %get3A_639 : vector<1x16xf32> to vector<16xf32>
      %add3A_641 = arith.addf %get3A_636, %get3A_640 : vector<16xf32>
      %swap3A_642 = arith.index_cast %scan3A_18 : i32 to index
      %swap3A_643 = arith.constant 704 : index
      %swap3A_644 = tpu.vector_load %arg8[%swap3A_642, %swap3A_643] {strides = array<i32>} : memref<64x768xf32, #tpu.memory_space<vmem>>, vector<1x16xf32>,
      %swap3A_645 = vector.shape_cast %swap3A_644 : vector<1x16xf32> to vector<16xf32>
      %swap3A_646 = vector.shape_cast %add3A_641 : vector<16xf32> to vector<1x16xf32>
      tpu.vector_store %arg8[%swap3A_642, %swap3A_643], %swap3A_646 {strides = array<i32>} : memref<64x768xf32, #tpu.memory_space<vmem>>, vector<1x16xf32>,
      %get3A_647 = arith.index_cast %scan3A_18 : i32 to index
      %get3A_648 = arith.constant 720 : index
      %get3A_649 = tpu.vector_load %arg8[%get3A_647, %get3A_648] {strides = array<i32>} : memref<64x768xf32, #tpu.memory_space<vmem>>, vector<1x16xf32>,
      %get3A_650 = vector.shape_cast %get3A_649 : vector<1x16xf32> to vector<16xf32>
      %get3A_651 = arith.index_cast %scan3A_18 : i32 to index
      %get3A_652 = arith.constant 720 : index
      %get3A_653 = tpu.vector_load %arg9[%get3A_651, %get3A_652] {strides = array<i32>} : memref<64x768xf32, #tpu.memory_space<vmem>>, vector<1x16xf32>,
      %get3A_654 = vector.shape_cast %get3A_653 : vector<1x16xf32> to vector<16xf32>
      %add3A_655 = arith.addf %get3A_650, %get3A_654 : vector<16xf32>
      %swap3A_656 = arith.index_cast %scan3A_18 : i32 to index
      %swap3A_657 = arith.constant 720 : index
      %swap3A_658 = tpu.vector_load %arg8[%swap3A_656, %swap3A_657] {strides = array<i32>} : memref<64x768xf32, #tpu.memory_space<vmem>>, vector<1x16xf32>,
      %swap3A_659 = vector.shape_cast %swap3A_658 : vector<1x16xf32> to vector<16xf32>
      %swap3A_660 = vector.shape_cast %add3A_655 : vector<16xf32> to vector<1x16xf32>
      tpu.vector_store %arg8[%swap3A_656, %swap3A_657], %swap3A_660 {strides = array<i32>} : memref<64x768xf32, #tpu.memory_space<vmem>>, vector<1x16xf32>,
      %get3A_661 = arith.index_cast %scan3A_18 : i32 to index
      %get3A_662 = arith.constant 736 : index
      %get3A_663 = tpu.vector_load %arg8[%get3A_661, %get3A_662] {strides = array<i32>} : memref<64x768xf32, #tpu.memory_space<vmem>>, vector<1x16xf32>,
      %get3A_664 = vector.shape_cast %get3A_663 : vector<1x16xf32> to vector<16xf32>
      %get3A_665 = arith.index_cast %scan3A_18 : i32 to index
      %get3A_666 = arith.constant 736 : index
      %get3A_667 = tpu.vector_load %arg9[%get3A_665, %get3A_666] {strides = array<i32>} : memref<64x768xf32, #tpu.memory_space<vmem>>, vector<1x16xf32>,
      %get3A_668 = vector.shape_cast %get3A_667 : vector<1x16xf32> to vector<16xf32>
      %add3A_669 = arith.addf %get3A_664, %get3A_668 : vector<16xf32>
      %swap3A_670 = arith.index_cast %scan3A_18 : i32 to index
      %swap3A_671 = arith.constant 736 : index
      %swap3A_672 = tpu.vector_load %arg8[%swap3A_670, %swap3A_671] {strides = array<i32>} : memref<64x768xf32, #tpu.memory_space<vmem>>, vector<1x16xf32>,
      %swap3A_673 = vector.shape_cast %swap3A_672 : vector<1x16xf32> to vector<16xf32>
      %swap3A_674 = vector.shape_cast %add3A_669 : vector<16xf32> to vector<1x16xf32>
      tpu.vector_store %arg8[%swap3A_670, %swap3A_671], %swap3A_674 {strides = array<i32>} : memref<64x768xf32, #tpu.memory_space<vmem>>, vector<1x16xf32>,
      %get3A_675 = arith.index_cast %scan3A_18 : i32 to index
      %get3A_676 = arith.constant 752 : index
      %get3A_677 = tpu.vector_load %arg8[%get3A_675, %get3A_676] {strides = array<i32>} : memref<64x768xf32, #tpu.memory_space<vmem>>, vector<1x16xf32>,
      %get3A_678 = vector.shape_cast %get3A_677 : vector<1x16xf32> to vector<16xf32>
      %get3A_679 = arith.index_cast %scan3A_18 : i32 to index
      %get3A_680 = arith.constant 752 : index
      %get3A_681 = tpu.vector_load %arg9[%get3A_679, %get3A_680] {strides = array<i32>} : memref<64x768xf32, #tpu.memory_space<vmem>>, vector<1x16xf32>,
      %get3A_682 = vector.shape_cast %get3A_681 : vector<1x16xf32> to vector<16xf32>
      %add3A_683 = arith.addf %get3A_678, %get3A_682 : vector<16xf32>
      %swap3A_684 = arith.index_cast %scan3A_18 : i32 to index
      %swap3A_685 = arith.constant 752 : index
      %swap3A_686 = tpu.vector_load %arg8[%swap3A_684, %swap3A_685] {strides = array<i32>} : memref<64x768xf32, #tpu.memory_space<vmem>>, vector<1x16xf32>,
      %swap3A_687 = vector.shape_cast %swap3A_686 : vector<1x16xf32> to vector<16xf32>
      %swap3A_688 = vector.shape_cast %add3A_683 : vector<16xf32> to vector<1x16xf32>
      tpu.vector_store %arg8[%swap3A_684, %swap3A_685], %swap3A_688 {strides = array<i32>} : memref<64x768xf32, #tpu.memory_space<vmem>>, vector<1x16xf32>,
    }
    %scan3A_17 = arith.constant 64 : i32
    "tpu.region"() ({
      %run_scoped3A = tpu.sem_alloc : memref<!tpu.dma_semaphore, #tpu.memory_space<semaphore_mem>>
      %dma_start3A_18 = arith.constant 0 : i32
      %dma_start3A_19 = tpu.memref_slice %arg5[%mul3A_2, %dma_start3A_18] : memref<2048x768xf32, #tpu.memory_space<hbm>> -> memref<64x768xf32, #tpu.memory_space<hbm>>
      %dma_start3A_20 = arith.constant 0 : i32
      %dma_start3A_21 = tpu.memref_slice %arg5[%mul3A_2, %dma_start3A_20] : memref<2048x768xf32, #tpu.memory_space<hbm>> -> memref<64x768xf32, #tpu.memory_space<hbm>>
      tpu.enqueue_dma source(%arg8 : memref<64x768xf32, #tpu.memory_space<vmem>>) target(%dma_start3A_21 : memref<64x768xf32, #tpu.memory_space<hbm>>) target_semaphore(%run_scoped3A : memref<!tpu.dma_semaphore, #tpu.memory_space<semaphore_mem>>)
      %dma_wait3A_22 = arith.constant 0 : i32
      %dma_wait3A_23 = tpu.memref_slice %arg5[%mul3A_2, %dma_wait3A_22] : memref<2048x768xf32, #tpu.memory_space<hbm>> -> memref<64x768xf32, #tpu.memory_space<hbm>>
      %dma_wait3A_24 = arith.constant 0 : i32
      %dma_wait3A_25 = tpu.memref_slice %arg5[%mul3A_2, %dma_wait3A_24] : memref<2048x768xf32, #tpu.memory_space<hbm>> -> memref<64x768xf32, #tpu.memory_space<hbm>>
      tpu.wait_dma2 semaphore(%run_scoped3A : memref<!tpu.dma_semaphore, #tpu.memory_space<semaphore_mem>>) src(%arg8 : memref<64x768xf32, #tpu.memory_space<vmem>>) dst(%dma_wait3A_25 : memref<64x768xf32, #tpu.memory_space<hbm>>)
      tpu.yield
    }) : () -> ()
    return
  }
}

#map = affine_map<(d0, d1) -> (0)>
module attributes {stable_mosaic.version = 14 : i64} {
  func.func @scatter_sc(%arg0: i32, %arg1: i32, %arg2: memref<2048xi32, #tpu.memory_space<hbm>>, %arg3: memref<2048xi32, #tpu.memory_space<hbm>>, %arg4: memref<2048xf32, #tpu.memory_space<hbm>>, %arg5: memref<2048xf32, #tpu.memory_space<hbm>>, %arg6: memref<2048xi32, #tpu.memory_space<hbm>>, %arg7: memref<4096xi32, #tpu.memory_space<hbm>>, %arg8: memref<4096xf32, #tpu.memory_space<hbm>>, %arg9: memref<128xi32, #tpu.memory_space<vmem>>, %arg10: memref<128xi32, #tpu.memory_space<vmem>>, %arg11: memref<128xf32, #tpu.memory_space<vmem>>, %arg12: memref<!tpu.dma_semaphore, #tpu.memory_space<semaphore_mem>>, %arg13: memref<!tpu.dma_semaphore, #tpu.memory_space<semaphore_mem>>, %arg14: memref<!tpu.dma_semaphore, #tpu.memory_space<semaphore_mem>>, %arg15: memref<!tpu.dma_semaphore, #tpu.memory_space<semaphore_mem>>, %arg16: memref<!tpu.dma_semaphore, #tpu.memory_space<semaphore_mem>>) attributes {dimension_semantics = [#tpu.dimension_semantics<core_parallel>, #tpu.dimension_semantics<subcore_parallel>], iteration_bounds = array<i64: 2, 16>, scalar_prefetch = 0 : i64, scratch_operands = 8 : i64, tpu.core_type = #tpu.core_type<sc_vector_subcore>, window_params = [{transform_indices = #map}, {transform_indices = #map}, {transform_indices = #map}, {transform_indices = #map}, {transform_indices = #map}, {transform_indices = #map}, {transform_indices = #map}]} {
    %mul3A = arith.constant 2 : i32
    %mul3A_0 = arith.muli %arg1, %mul3A : i32
    %add3A = arith.addi %mul3A_0, %arg0 : i32
    %jit3A = arith.constant 2 : i32
    %div3A = arith.divsi %add3A, %jit3A : i32
    %sign3A = arith.constant 0 : i32
    %sign3A_1 = arith.cmpi sgt, %add3A, %sign3A : i32
    %sign3A_2 = arith.extui %sign3A_1 : i1 to i32
    %sign3A_3 = arith.constant 0 : i32
    %sign3A_4 = arith.cmpi slt, %add3A, %sign3A_3 : i32
    %sign3A_5 = arith.extui %sign3A_4 : i1 to i32
    %sign3A_6 = arith.subi %sign3A_2, %sign3A_5 : i32
    %sign3A_7 = arith.constant 0 : i32
    %sign3A_8 = arith.cmpi sgt, %jit3A, %sign3A_7 : i32
    %sign3A_9 = arith.extui %sign3A_8 : i1 to i32
    %sign3A_10 = arith.constant 0 : i32
    %sign3A_11 = arith.cmpi slt, %jit3A, %sign3A_10 : i32
    %sign3A_12 = arith.extui %sign3A_11 : i1 to i32
    %sign3A_13 = arith.subi %sign3A_9, %sign3A_12 : i32
    %ne3A = arith.cmpi ne, %sign3A_6, %sign3A_13 : i32
    %rem3A = arith.remsi %add3A, %jit3A : i32
    %ne3A_14 = arith.constant 0 : i32
    %ne3A_15 = arith.cmpi ne, %rem3A, %ne3A_14 : i32
    %and3A = arith.andi %ne3A, %ne3A_15 : i1
    %sub3A = arith.constant 1 : i32
    %sub3A_16 = arith.subi %div3A, %sub3A : i32
    %select_n3A = arith.select %and3A, %sub3A_16, %div3A : i32
    %mul3A_17 = arith.constant 128 : i32
    %mul3A_18 = arith.muli %select_n3A, %mul3A_17 : i32
    %dma_start3A = tpu.memref_slice %arg6[%mul3A_18] : memref<2048xi32, #tpu.memory_space<hbm>> -> memref<128xi32, #tpu.memory_space<hbm>>
    %dma_start3A_19 = tpu.memref_slice %arg6[%mul3A_18] : memref<2048xi32, #tpu.memory_space<hbm>> -> memref<128xi32, #tpu.memory_space<hbm>>
    tpu.enqueue_dma source(%dma_start3A_19 : memref<128xi32, #tpu.memory_space<hbm>>) target(%arg10 : memref<128xi32, #tpu.memory_space<vmem>>) target_semaphore(%arg12 : memref<!tpu.dma_semaphore, #tpu.memory_space<semaphore_mem>>)
    %jit3A_20 = arith.constant 2 : i32
    %eq3A = arith.constant 0 : i32
    %eq3A_21 = arith.cmpi eq, %jit3A_20, %eq3A : i32
    %jit3A_22 = arith.constant 1 : i32
    %select_n3A_23 = arith.select %eq3A_21, %jit3A_22, %jit3A_20 : i32
    %rem3A_24 = arith.remsi %add3A, %select_n3A_23 : i32
    %ne3A_25 = arith.constant 0 : i32
    %ne3A_26 = arith.cmpi ne, %rem3A_24, %ne3A_25 : i32
    %lt3A = arith.constant 0 : i32
    %lt3A_27 = arith.cmpi slt, %rem3A_24, %lt3A : i32
    %lt3A_28 = arith.constant 0 : i32
    %lt3A_29 = arith.cmpi slt, %select_n3A_23, %lt3A_28 : i32
    %ne3A_30 = arith.xori %lt3A_27, %lt3A_29 : i1
    %and3A_31 = arith.andi %ne3A_30, %ne3A_26 : i1
    %add3A_32 = arith.addi %rem3A_24, %select_n3A_23 : i32
    %select_n3A_33 = arith.select %and3A_31, %add3A_32, %rem3A_24 : i32
    %eq3A_34 = arith.constant 0 : i32
    %eq3A_35 = arith.cmpi eq, %select_n3A_33, %eq3A_34 : i32
    %convert_element_type3A = arith.extui %eq3A_35 : i1 to i32
    %cond3A = arith.constant 0 : i32
    %cond3A_36 = arith.cmpi ne, %convert_element_type3A, %cond3A : i32
    scf.if %cond3A_36 {
      %dma_start3A_71 = tpu.memref_slice %arg2[%mul3A_18] : memref<2048xi32, #tpu.memory_space<hbm>> -> memref<128xi32, #tpu.memory_space<hbm>>
      %dma_start3A_72 = tpu.memref_slice %arg2[%mul3A_18] : memref<2048xi32, #tpu.memory_space<hbm>> -> memref<128xi32, #tpu.memory_space<hbm>>
      tpu.enqueue_dma source(%dma_start3A_72 : memref<128xi32, #tpu.memory_space<hbm>>) target(%arg9 : memref<128xi32, #tpu.memory_space<vmem>>) target_semaphore(%arg13 : memref<!tpu.dma_semaphore, #tpu.memory_space<semaphore_mem>>)
      %dma_start3A_73 = tpu.memref_slice %arg4[%mul3A_18] : memref<2048xf32, #tpu.memory_space<hbm>> -> memref<128xf32, #tpu.memory_space<hbm>>
      %dma_start3A_74 = tpu.memref_slice %arg4[%mul3A_18] : memref<2048xf32, #tpu.memory_space<hbm>> -> memref<128xf32, #tpu.memory_space<hbm>>
      tpu.enqueue_dma source(%dma_start3A_74 : memref<128xf32, #tpu.memory_space<hbm>>) target(%arg11 : memref<128xf32, #tpu.memory_space<vmem>>) target_semaphore(%arg14 : memref<!tpu.dma_semaphore, #tpu.memory_space<semaphore_mem>>)
    } else {
    }
    %jit3A_37 = arith.constant 2 : i32
    %eq3A_38 = arith.constant 0 : i32
    %eq3A_39 = arith.cmpi eq, %jit3A_37, %eq3A_38 : i32
    %jit3A_40 = arith.constant 1 : i32
    %select_n3A_41 = arith.select %eq3A_39, %jit3A_40, %jit3A_37 : i32
    %rem3A_42 = arith.remsi %add3A, %select_n3A_41 : i32
    %ne3A_43 = arith.constant 0 : i32
    %ne3A_44 = arith.cmpi ne, %rem3A_42, %ne3A_43 : i32
    %lt3A_45 = arith.constant 0 : i32
    %lt3A_46 = arith.cmpi slt, %rem3A_42, %lt3A_45 : i32
    %lt3A_47 = arith.constant 0 : i32
    %lt3A_48 = arith.cmpi slt, %select_n3A_41, %lt3A_47 : i32
    %ne3A_49 = arith.xori %lt3A_46, %lt3A_48 : i1
    %and3A_50 = arith.andi %ne3A_49, %ne3A_44 : i1
    %add3A_51 = arith.addi %rem3A_42, %select_n3A_41 : i32
    %select_n3A_52 = arith.select %and3A_50, %add3A_51, %rem3A_42 : i32
    %eq3A_53 = arith.constant 1 : i32
    %eq3A_54 = arith.cmpi eq, %select_n3A_52, %eq3A_53 : i32
    %convert_element_type3A_55 = arith.extui %eq3A_54 : i1 to i32
    %cond3A_56 = arith.constant 0 : i32
    %cond3A_57 = arith.cmpi ne, %convert_element_type3A_55, %cond3A_56 : i32
    scf.if %cond3A_57 {
      %dma_start3A_71 = tpu.memref_slice %arg3[%mul3A_18] : memref<2048xi32, #tpu.memory_space<hbm>> -> memref<128xi32, #tpu.memory_space<hbm>>
      %dma_start3A_72 = tpu.memref_slice %arg3[%mul3A_18] : memref<2048xi32, #tpu.memory_space<hbm>> -> memref<128xi32, #tpu.memory_space<hbm>>
      tpu.enqueue_dma source(%dma_start3A_72 : memref<128xi32, #tpu.memory_space<hbm>>) target(%arg9 : memref<128xi32, #tpu.memory_space<vmem>>) target_semaphore(%arg13 : memref<!tpu.dma_semaphore, #tpu.memory_space<semaphore_mem>>)
      %dma_start3A_73 = tpu.memref_slice %arg5[%mul3A_18] : memref<2048xf32, #tpu.memory_space<hbm>> -> memref<128xf32, #tpu.memory_space<hbm>>
      %dma_start3A_74 = tpu.memref_slice %arg5[%mul3A_18] : memref<2048xf32, #tpu.memory_space<hbm>> -> memref<128xf32, #tpu.memory_space<hbm>>
      tpu.enqueue_dma source(%dma_start3A_74 : memref<128xf32, #tpu.memory_space<hbm>>) target(%arg11 : memref<128xf32, #tpu.memory_space<vmem>>) target_semaphore(%arg14 : memref<!tpu.dma_semaphore, #tpu.memory_space<semaphore_mem>>)
    } else {
    }
    %dma_wait3A = tpu.memref_slice %arg6[%mul3A_18] : memref<2048xi32, #tpu.memory_space<hbm>> -> memref<128xi32, #tpu.memory_space<hbm>>
    %dma_wait3A_58 = tpu.memref_slice %arg6[%mul3A_18] : memref<2048xi32, #tpu.memory_space<hbm>> -> memref<128xi32, #tpu.memory_space<hbm>>
    tpu.wait_dma2 semaphore(%arg12 : memref<!tpu.dma_semaphore, #tpu.memory_space<semaphore_mem>>) src(%dma_wait3A_58 : memref<128xi32, #tpu.memory_space<hbm>>) dst(%arg10 : memref<128xi32, #tpu.memory_space<vmem>>)
    %dma_wait3A_59 = tpu.memref_slice %arg2[%mul3A_18] : memref<2048xi32, #tpu.memory_space<hbm>> -> memref<128xi32, #tpu.memory_space<hbm>>
    %dma_wait3A_60 = tpu.memref_slice %arg2[%mul3A_18] : memref<2048xi32, #tpu.memory_space<hbm>> -> memref<128xi32, #tpu.memory_space<hbm>>
    tpu.wait_dma2 semaphore(%arg13 : memref<!tpu.dma_semaphore, #tpu.memory_space<semaphore_mem>>) src(%dma_wait3A_60 : memref<128xi32, #tpu.memory_space<hbm>>) dst(%arg9 : memref<128xi32, #tpu.memory_space<vmem>>)
    %dma_wait3A_61 = tpu.memref_slice %arg4[%mul3A_18] : memref<2048xf32, #tpu.memory_space<hbm>> -> memref<128xf32, #tpu.memory_space<hbm>>
    %dma_wait3A_62 = tpu.memref_slice %arg4[%mul3A_18] : memref<2048xf32, #tpu.memory_space<hbm>> -> memref<128xf32, #tpu.memory_space<hbm>>
    tpu.wait_dma2 semaphore(%arg14 : memref<!tpu.dma_semaphore, #tpu.memory_space<semaphore_mem>>) src(%dma_wait3A_62 : memref<128xf32, #tpu.memory_space<hbm>>) dst(%arg11 : memref<128xf32, #tpu.memory_space<vmem>>)
    %dma_start3A_63 = arith.constant 0 : i32
    %dma_start3A_64 = tpu.memref_slice %arg7[%dma_start3A_63] : memref<4096xi32, #tpu.memory_space<hbm>> -> memref<4096xi32, #tpu.memory_space<hbm>>
    tpu.enqueue_indirect_dma source(%arg10 : memref<128xi32, #tpu.memory_space<vmem>>) target(%dma_start3A_64 : memref<4096xi32, #tpu.memory_space<hbm>>) offsets(%arg9 : memref<128xi32, #tpu.memory_space<vmem>>) semaphore(%arg15 : memref<!tpu.dma_semaphore, #tpu.memory_space<semaphore_mem>>)
    %dma_start3A_65 = arith.constant 0 : i32
    %dma_start3A_66 = tpu.memref_slice %arg8[%dma_start3A_65] : memref<4096xf32, #tpu.memory_space<hbm>> -> memref<4096xf32, #tpu.memory_space<hbm>>
    tpu.enqueue_indirect_dma source(%arg11 : memref<128xf32, #tpu.memory_space<vmem>>) target(%dma_start3A_66 : memref<4096xf32, #tpu.memory_space<hbm>>) offsets(%arg9 : memref<128xi32, #tpu.memory_space<vmem>>) semaphore(%arg16 : memref<!tpu.dma_semaphore, #tpu.memory_space<semaphore_mem>>)
    %dma_wait3A_67 = arith.constant 0 : i32
    %dma_wait3A_68 = tpu.memref_slice %arg7[%dma_wait3A_67] : memref<4096xi32, #tpu.memory_space<hbm>> -> memref<4096xi32, #tpu.memory_space<hbm>>
    tpu.wait_indirect_dma semaphore(%arg15 : memref<!tpu.dma_semaphore, #tpu.memory_space<semaphore_mem>>) src(%arg10 : memref<128xi32, #tpu.memory_space<vmem>>) dst(%dma_wait3A_68 : memref<4096xi32, #tpu.memory_space<hbm>>)
    %dma_wait3A_69 = arith.constant 0 : i32
    %dma_wait3A_70 = tpu.memref_slice %arg8[%dma_wait3A_69] : memref<4096xf32, #tpu.memory_space<hbm>> -> memref<4096xf32, #tpu.memory_space<hbm>>
    tpu.wait_indirect_dma semaphore(%arg16 : memref<!tpu.dma_semaphore, #tpu.memory_space<semaphore_mem>>) src(%arg11 : memref<128xf32, #tpu.memory_space<vmem>>) dst(%dma_wait3A_70 : memref<4096xf32, #tpu.memory_space<hbm>>)
    return
  }
}

module attributes {stable_mosaic.version = 14 : i64} {
  func.func @_router_body(%arg0: memref<2048x64xf32, #tpu.memory_space<vmem>>, %arg1: memref<2048x1xi32, #tpu.memory_space<vmem>>, %arg2: memref<2048x1xi32, #tpu.memory_space<vmem>>, %arg3: memref<2048x1xf32, #tpu.memory_space<vmem>>, %arg4: memref<2048x1xf32, #tpu.memory_space<vmem>>, %arg5: memref<96x1xi32, #tpu.memory_space<vmem>>, %arg6: memref<96x1xi32, #tpu.memory_space<vmem>>, %arg7: memref<96x1xi32, #tpu.memory_space<vmem>>, %arg8: memref<96x1xi32, #tpu.memory_space<vmem>>, %arg9: memref<1x1xf32, #tpu.memory_space<vmem>>, %arg10: memref<2048x64xf32, #tpu.memory_space<vmem>>, %arg11: memref<2048x64xf32, #tpu.memory_space<vmem>>) attributes {dimension_semantics = [], scalar_prefetch = 0 : i64, scratch_operands = 2 : i64, tpu.core_type = #tpu.core_type<tc>} {
    %get3A = arith.constant 0 : index
    %get3A_0 = arith.constant 0 : index
    %get3A_1 = vector.load %arg0[%get3A, %get3A_0] : memref<2048x64xf32, #tpu.memory_space<vmem>>, vector<2048x64xf32>
    %reduce_max3A = arith.constant dense<0xFF800000> : vector<2048xf32>
    %reduce_max3A_2 = vector.multi_reduction <maximumf>, %get3A_1, %reduce_max3A [1] : vector<2048x64xf32> to vector<2048xf32>
    %broadcast_in_dim3A = vector.shape_cast %reduce_max3A_2 : vector<2048xf32> to vector<2048x1xf32>
    %sub3A = vector.broadcast %broadcast_in_dim3A : vector<2048x1xf32> to vector<2048x64xf32>
    %sub3A_3 = arith.subf %get3A_1, %sub3A : vector<2048x64xf32>
    %exp3A = math.exp %sub3A_3 : vector<2048x64xf32>
    %reduce_sum3A = arith.constant dense<0.000000e+00> : vector<2048xf32>
    %reduce_sum3A_4 = vector.multi_reduction <add>, %exp3A, %reduce_sum3A [1] : vector<2048x64xf32> to vector<2048xf32>
    %broadcast_in_dim3A_5 = vector.shape_cast %reduce_sum3A_4 : vector<2048xf32> to vector<2048x1xf32>
    %div3A = vector.broadcast %broadcast_in_dim3A_5 : vector<2048x1xf32> to vector<2048x64xf32>
    %div3A_6 = arith.divf %exp3A, %div3A : vector<2048x64xf32>
    %reduce_sum3A_7 = arith.constant dense<0.000000e+00> : vector<64xf32>
    %reduce_sum3A_8 = vector.multi_reduction <add>, %div3A_6, %reduce_sum3A_7 [0] : vector<2048x64xf32> to vector<64xf32>
    %broadcast_in_dim3A_9 = vector.shape_cast %reduce_sum3A_8 : vector<64xf32> to vector<1x64xf32>
    %div3A_10 = arith.constant 2.048000e+03 : f32
    %div3A_11 = vector.broadcast %div3A_10 : f32 to vector<1x64xf32>
    %div3A_12 = arith.divf %broadcast_in_dim3A_9, %div3A_11 : vector<1x64xf32>
    %iota3A = tpu.iota {dimensions = array<i32: 1>} : vector<2048x64xi32>
    %eq3A = vector.broadcast %broadcast_in_dim3A : vector<2048x1xf32> to vector<2048x64xf32>
    %eq3A_13 = arith.cmpf oeq, %get3A_1, %eq3A : vector<2048x64xf32>
    %jit3A = arith.constant 64 : i32
    %broadcast_in_dim3A_14 = vector.broadcast %jit3A : i32 to vector<2048x64xi32>
    %select_n3A = arith.select %eq3A_13, %iota3A, %broadcast_in_dim3A_14 : vector<2048x64xi1>, vector<2048x64xi32>
    %reduce_min3A = arith.constant dense<2147483647> : vector<2048xi32>
    %reduce_min3A_15 = vector.multi_reduction <minsi>, %select_n3A, %reduce_min3A [1] : vector<2048x64xi32> to vector<2048xi32>
    %broadcast_in_dim3A_16 = vector.shape_cast %reduce_min3A_15 : vector<2048xi32> to vector<2048x1xi32>
    %eq3A_17 = vector.broadcast %broadcast_in_dim3A_16 : vector<2048x1xi32> to vector<2048x64xi32>
    %eq3A_18 = arith.cmpi eq, %iota3A, %eq3A_17 : vector<2048x64xi32>
    %jit3A_19 = arith.constant 0xFF800000 : f32
    %broadcast_in_dim3A_20 = vector.broadcast %jit3A_19 : f32 to vector<2048x64xf32>
    %select_n3A_21 = arith.select %eq3A_18, %broadcast_in_dim3A_20, %get3A_1 : vector<2048x64xi1>, vector<2048x64xf32>
    %reduce_max3A_22 = arith.constant dense<0xFF800000> : vector<2048xf32>
    %reduce_max3A_23 = vector.multi_reduction <maximumf>, %select_n3A_21, %reduce_max3A_22 [1] : vector<2048x64xf32> to vector<2048xf32>
    %broadcast_in_dim3A_24 = vector.shape_cast %reduce_max3A_23 : vector<2048xf32> to vector<2048x1xf32>
    %eq3A_25 = vector.broadcast %broadcast_in_dim3A_24 : vector<2048x1xf32> to vector<2048x64xf32>
    %eq3A_26 = arith.cmpf oeq, %select_n3A_21, %eq3A_25 : vector<2048x64xf32>
    %jit3A_27 = arith.constant 64 : i32
    %broadcast_in_dim3A_28 = vector.broadcast %jit3A_27 : i32 to vector<2048x64xi32>
    %select_n3A_29 = arith.select %eq3A_26, %iota3A, %broadcast_in_dim3A_28 : vector<2048x64xi1>, vector<2048x64xi32>
    %reduce_min3A_30 = arith.constant dense<2147483647> : vector<2048xi32>
    %reduce_min3A_31 = vector.multi_reduction <minsi>, %select_n3A_29, %reduce_min3A_30 [1] : vector<2048x64xi32> to vector<2048xi32>
    %broadcast_in_dim3A_32 = vector.shape_cast %reduce_min3A_31 : vector<2048xi32> to vector<2048x1xi32>
    %eq3A_33 = vector.broadcast %broadcast_in_dim3A_32 : vector<2048x1xi32> to vector<2048x64xi32>
    %eq3A_34 = arith.cmpi eq, %iota3A, %eq3A_33 : vector<2048x64xi32>
    %sub3A_35 = arith.subf %broadcast_in_dim3A_24, %broadcast_in_dim3A : vector<2048x1xf32>
    %exp3A_36 = math.exp %sub3A_35 : vector<2048x1xf32>
    %add3A = arith.constant 1.000000e+00 : f32
    %add3A_37 = vector.broadcast %add3A : f32 to vector<2048x1xf32>
    %add3A_38 = arith.addf %add3A_37, %exp3A_36 : vector<2048x1xf32>
    %div3A_39 = arith.constant 1.000000e+00 : f32
    %div3A_40 = vector.broadcast %div3A_39 : f32 to vector<2048x1xf32>
    %div3A_41 = arith.divf %div3A_40, %add3A_38 : vector<2048x1xf32>
    %swap3A = arith.constant 0 : index
    %swap3A_42 = arith.constant 0 : index
    %swap3A_43 = vector.load %arg3[%swap3A, %swap3A_42] : memref<2048x1xf32, #tpu.memory_space<vmem>>, vector<2048x1xf32>
    tpu.vector_store %arg3[%swap3A, %swap3A_42], %div3A_41 {strides = array<i32>} : memref<2048x1xf32, #tpu.memory_space<vmem>>, vector<2048x1xf32>,
    %sub3A_44 = arith.constant 1.000000e+00 : f32
    %sub3A_45 = vector.broadcast %sub3A_44 : f32 to vector<2048x1xf32>
    %sub3A_46 = arith.subf %sub3A_45, %div3A_41 : vector<2048x1xf32>
    %swap3A_47 = arith.constant 0 : index
    %swap3A_48 = arith.constant 0 : index
    %swap3A_49 = vector.load %arg4[%swap3A_47, %swap3A_48] : memref<2048x1xf32, #tpu.memory_space<vmem>>, vector<2048x1xf32>
    tpu.vector_store %arg4[%swap3A_47, %swap3A_48], %sub3A_46 {strides = array<i32>} : memref<2048x1xf32, #tpu.memory_space<vmem>>, vector<2048x1xf32>,
    %convert_element_type3A = arith.extui %eq3A_18 : vector<2048x64xi1> to vector<2048x64xi32>
    %convert_element_type3A_50 = arith.sitofp %convert_element_type3A : vector<2048x64xi32> to vector<2048x64xf32>
    %convert_element_type3A_51 = arith.extui %eq3A_34 : vector<2048x64xi1> to vector<2048x64xi32>
    %convert_element_type3A_52 = arith.sitofp %convert_element_type3A_51 : vector<2048x64xi32> to vector<2048x64xf32>
    %swap3A_53 = arith.constant 0 : index
    %swap3A_54 = arith.constant 0 : index
    %swap3A_55 = vector.load %arg10[%swap3A_53, %swap3A_54] : memref<2048x64xf32, #tpu.memory_space<vmem>>, vector<2048x64xf32>
    tpu.vector_store %arg10[%swap3A_53, %swap3A_54], %convert_element_type3A_50 {strides = array<i32>} : memref<2048x64xf32, #tpu.memory_space<vmem>>, vector<2048x64xf32>,
    %swap3A_56 = arith.constant 0 : index
    %swap3A_57 = arith.constant 0 : index
    %swap3A_58 = vector.load %arg11[%swap3A_56, %swap3A_57] : memref<2048x64xf32, #tpu.memory_space<vmem>>, vector<2048x64xf32>
    tpu.vector_store %arg11[%swap3A_56, %swap3A_57], %convert_element_type3A_52 {strides = array<i32>} : memref<2048x64xf32, #tpu.memory_space<vmem>>, vector<2048x64xf32>,
    %reduce_sum3A_59 = arith.constant dense<0.000000e+00> : vector<64xf32>
    %reduce_sum3A_60 = vector.multi_reduction <add>, %convert_element_type3A_50, %reduce_sum3A_59 [0] : vector<2048x64xf32> to vector<64xf32>
    %broadcast_in_dim3A_61 = vector.shape_cast %reduce_sum3A_60 : vector<64xf32> to vector<1x64xf32>
    %reduce_sum3A_62 = arith.constant dense<0.000000e+00> : vector<64xf32>
    %reduce_sum3A_63 = vector.multi_reduction <add>, %convert_element_type3A_52, %reduce_sum3A_62 [0] : vector<2048x64xf32> to vector<64xf32>
    %broadcast_in_dim3A_64 = vector.shape_cast %reduce_sum3A_63 : vector<64xf32> to vector<1x64xf32>
    %add3A_65 = arith.addf %broadcast_in_dim3A_61, %broadcast_in_dim3A_64 : vector<1x64xf32>
    %div3A_66 = arith.constant 4.096000e+03 : f32
    %div3A_67 = vector.broadcast %div3A_66 : f32 to vector<1x64xf32>
    %div3A_68 = arith.divf %add3A_65, %div3A_67 : vector<1x64xf32>
    %mul3A = arith.mulf %div3A_68, %div3A_12 : vector<1x64xf32>
    %reduce_sum3A_69 = vector.shape_cast %mul3A : vector<1x64xf32> to vector<1x1x64xf32>
    %reduce_sum3A_70 = arith.constant dense<0.000000e+00> : vector<1xf32>
    %reduce_sum3A_71 = vector.multi_reduction <add>, %reduce_sum3A_69, %reduce_sum3A_70 [1, 2] : vector<1x1x64xf32> to vector<1xf32>
    %reduce_sum3A_72 = vector.shape_cast %reduce_sum3A_71 : vector<1xf32> to vector<1x1x1xf32>
    %reduce_sum3A_73 = vector.extract %reduce_sum3A_72[0, 0, 0] : f32 from vector<1x1x1xf32>
    %broadcast_in_dim3A_74 = vector.broadcast %reduce_sum3A_73 : f32 to vector<1x1xf32>
    %mul3A_75 = arith.constant 6.400000e+01 : f32
    %mul3A_76 = vector.broadcast %mul3A_75 : f32 to vector<1x1xf32>
    %mul3A_77 = arith.mulf %mul3A_76, %broadcast_in_dim3A_74 : vector<1x1xf32>
    %swap3A_78 = arith.constant 0 : index
    %swap3A_79 = arith.constant 0 : index
    %swap3A_80 = vector.load %arg9[%swap3A_78, %swap3A_79] : memref<1x1xf32, #tpu.memory_space<vmem>>, vector<1x1xf32>
    tpu.vector_store %arg9[%swap3A_78, %swap3A_79], %mul3A_77 {strides = array<i32>} : memref<1x1xf32, #tpu.memory_space<vmem>>, vector<1x1xf32>,
    %iota3A_81 = tpu.iota {dimensions = array<i32: 0>} : vector<64x64xi32>
    %iota3A_82 = tpu.iota {dimensions = array<i32: 1>} : vector<64x64xi32>
    %lt3A = arith.cmpi slt, %iota3A_81, %iota3A_82 : vector<64x64xi32>
    %convert_element_type3A_83 = arith.extui %lt3A : vector<64x64xi1> to vector<64x64xi32>
    %convert_element_type3A_84 = arith.sitofp %convert_element_type3A_83 : vector<64x64xi32> to vector<64x64xf32>
    %dot_general3A = arith.constant dense<0.000000e+00> : vector<1x64xf32>
    %dot_general3A_85 = tpu.matmul %add3A_65, %convert_element_type3A_84, %dot_general3A {dimension_numbers = #tpu.dot_dimension_numbers<[1], [0], [0], [1], [0, 0, 1, 1], [], []>, precision = #tpu.contract_precision<fp32>, transpose_lhs_hint = false} : vector<1x64xf32>, vector<64x64xf32>, vector<1x64xf32> -> vector<1x64xf32>
    %add3A_86 = arith.addf %dot_general3A_85, %add3A_65 : vector<1x64xf32>
    %mul3A_87 = arith.constant 7.812500e-03 : f32
    %mul3A_88 = vector.broadcast %mul3A_87 : f32 to vector<1x64xf32>
    %mul3A_89 = arith.mulf %dot_general3A_85, %mul3A_88 : vector<1x64xf32>
    %floor3A = math.floor %mul3A_89 : vector<1x64xf32>
    %sub3A_90 = arith.constant 1.000000e+00 : f32
    %sub3A_91 = vector.broadcast %sub3A_90 : f32 to vector<1x64xf32>
    %sub3A_92 = arith.subf %add3A_86, %sub3A_91 : vector<1x64xf32>
    %mul3A_93 = arith.constant 7.812500e-03 : f32
    %mul3A_94 = vector.broadcast %mul3A_93 : f32 to vector<1x64xf32>
    %mul3A_95 = arith.mulf %sub3A_92, %mul3A_94 : vector<1x64xf32>
    %floor3A_96 = math.floor %mul3A_95 : vector<1x64xf32>
    %gt3A = arith.constant 0.000000e+00 : f32
    %gt3A_97 = vector.broadcast %gt3A : f32 to vector<1x64xf32>
    %gt3A_98 = arith.cmpf ogt, %add3A_65, %gt3A_97 : vector<1x64xf32>
    %sub3A_99 = arith.subf %floor3A_96, %floor3A : vector<1x64xf32>
    %add3A_100 = arith.constant 1.000000e+00 : f32
    %add3A_101 = vector.broadcast %add3A_100 : f32 to vector<1x64xf32>
    %add3A_102 = arith.addf %sub3A_99, %add3A_101 : vector<1x64xf32>
    %jit3A_103 = arith.constant 0.000000e+00 : f32
    %broadcast_in_dim3A_104 = vector.broadcast %jit3A_103 : f32 to vector<1x64xf32>
    %select_n3A_105 = arith.select %gt3A_98, %add3A_102, %broadcast_in_dim3A_104 : vector<1x64xi1>, vector<1x64xf32>
    %dot_general3A_106 = arith.constant dense<0.000000e+00> : vector<1x64xf32>
    %dot_general3A_107 = tpu.matmul %select_n3A_105, %convert_element_type3A_84, %dot_general3A_106 {dimension_numbers = #tpu.dot_dimension_numbers<[1], [0], [0], [1], [0, 0, 1, 1], [], []>, precision = #tpu.contract_precision<fp32>, transpose_lhs_hint = false} : vector<1x64xf32>, vector<64x64xf32>, vector<1x64xf32> -> vector<1x64xf32>
    %add3A_108 = arith.addf %dot_general3A_107, %select_n3A_105 : vector<1x64xf32>
    %convert_element_type3A_109 = arith.fptosi %add3A_108 : vector<1x64xf32> to vector<1x64xi32>
    %reduce_sum3A_110 = vector.shape_cast %select_n3A_105 : vector<1x64xf32> to vector<1x1x64xf32>
    %reduce_sum3A_111 = arith.constant dense<0.000000e+00> : vector<1xf32>
    %reduce_sum3A_112 = vector.multi_reduction <add>, %reduce_sum3A_110, %reduce_sum3A_111 [1, 2] : vector<1x1x64xf32> to vector<1xf32>
    %reduce_sum3A_113 = vector.shape_cast %reduce_sum3A_112 : vector<1xf32> to vector<1x1x1xf32>
    %reduce_sum3A_114 = vector.extract %reduce_sum3A_113[0, 0, 0] : f32 from vector<1x1x1xf32>
    %broadcast_in_dim3A_115 = vector.broadcast %reduce_sum3A_114 : f32 to vector<1x1xf32>
    %convert_element_type3A_116 = arith.fptosi %broadcast_in_dim3A_115 : vector<1x1xf32> to vector<1x1xi32>
    %iota3A_117 = tpu.iota {dimensions = array<i32: 0>} : vector<96x64xi32>
    %sub3A_118 = arith.constant 1 : i32
    %sub3A_119 = vector.broadcast %sub3A_118 : i32 to vector<1x1xi32>
    %sub3A_120 = arith.subi %convert_element_type3A_116, %sub3A_119 : vector<1x1xi32>
    %min3A = vector.broadcast %sub3A_120 : vector<1x1xi32> to vector<96x64xi32>
    %min3A_121 = arith.minsi %iota3A_117, %min3A : vector<96x64xi32>
    %broadcast_in_dim3A_122 = vector.shape_cast %convert_element_type3A_109 : vector<1x64xi32> to vector<1x64xi32>
    %broadcast_in_dim3A_123 = vector.broadcast %broadcast_in_dim3A_122 : vector<1x64xi32> to vector<96x64xi32>
    %le3A = arith.cmpi sle, %broadcast_in_dim3A_123, %min3A_121 : vector<96x64xi32>
    %convert_element_type3A_124 = arith.extui %le3A : vector<96x64xi1> to vector<96x64xi32>
    %reduce_sum3A_125 = arith.constant dense<0> : vector<96xi32>
    %reduce_sum3A_126 = vector.multi_reduction <add>, %convert_element_type3A_124, %reduce_sum3A_125 [1] : vector<96x64xi32> to vector<96xi32>
    %broadcast_in_dim3A_127 = vector.shape_cast %reduce_sum3A_126 : vector<96xi32> to vector<96x1xi32>
    %iota3A_128 = tpu.iota {dimensions = array<i32: 1>} : vector<96x64xi32>
    %eq3A_129 = vector.broadcast %broadcast_in_dim3A_127 : vector<96x1xi32> to vector<96x64xi32>
    %eq3A_130 = arith.cmpi eq, %iota3A_128, %eq3A_129 : vector<96x64xi32>
    %convert_element_type3A_131 = arith.extui %eq3A_130 : vector<96x64xi1> to vector<96x64xi32>
    %convert_element_type3A_132 = arith.sitofp %convert_element_type3A_131 : vector<96x64xi32> to vector<96x64xf32>
    %mul3A_133 = vector.broadcast %dot_general3A_107 : vector<1x64xf32> to vector<96x64xf32>
    %mul3A_134 = arith.mulf %convert_element_type3A_132, %mul3A_133 : vector<96x64xf32>
    %reduce_sum3A_135 = arith.constant dense<0.000000e+00> : vector<96xf32>
    %reduce_sum3A_136 = vector.multi_reduction <add>, %mul3A_134, %reduce_sum3A_135 [1] : vector<96x64xf32> to vector<96xf32>
    %broadcast_in_dim3A_137 = vector.shape_cast %reduce_sum3A_136 : vector<96xf32> to vector<96x1xf32>
    %mul3A_138 = vector.broadcast %floor3A : vector<1x64xf32> to vector<96x64xf32>
    %mul3A_139 = arith.mulf %convert_element_type3A_132, %mul3A_138 : vector<96x64xf32>
    %reduce_sum3A_140 = arith.constant dense<0.000000e+00> : vector<96xf32>
    %reduce_sum3A_141 = vector.multi_reduction <add>, %mul3A_139, %reduce_sum3A_140 [1] : vector<96x64xf32> to vector<96xf32>
    %broadcast_in_dim3A_142 = vector.shape_cast %reduce_sum3A_141 : vector<96xf32> to vector<96x1xf32>
    %mul3A_143 = vector.broadcast %dot_general3A_85 : vector<1x64xf32> to vector<96x64xf32>
    %mul3A_144 = arith.mulf %convert_element_type3A_132, %mul3A_143 : vector<96x64xf32>
    %reduce_sum3A_145 = arith.constant dense<0.000000e+00> : vector<96xf32>
    %reduce_sum3A_146 = vector.multi_reduction <add>, %mul3A_144, %reduce_sum3A_145 [1] : vector<96x64xf32> to vector<96xf32>
    %broadcast_in_dim3A_147 = vector.shape_cast %reduce_sum3A_146 : vector<96xf32> to vector<96x1xf32>
    %mul3A_148 = vector.broadcast %add3A_86 : vector<1x64xf32> to vector<96x64xf32>
    %mul3A_149 = arith.mulf %convert_element_type3A_132, %mul3A_148 : vector<96x64xf32>
    %reduce_sum3A_150 = arith.constant dense<0.000000e+00> : vector<96xf32>
    %reduce_sum3A_151 = vector.multi_reduction <add>, %mul3A_149, %reduce_sum3A_150 [1] : vector<96x64xf32> to vector<96xf32>
    %broadcast_in_dim3A_152 = vector.shape_cast %reduce_sum3A_151 : vector<96xf32> to vector<96x1xf32>
    %iota3A_153 = tpu.iota {dimensions = array<i32: 0>} : vector<96x1xi32>
    %sub3A_154 = arith.constant 1 : i32
    %sub3A_155 = vector.broadcast %sub3A_154 : i32 to vector<1x1xi32>
    %sub3A_156 = arith.subi %convert_element_type3A_116, %sub3A_155 : vector<1x1xi32>
    %min3A_157 = vector.broadcast %sub3A_156 : vector<1x1xi32> to vector<96x1xi32>
    %min3A_158 = arith.minsi %iota3A_153, %min3A_157 : vector<96x1xi32>
    %convert_element_type3A_159 = arith.sitofp %min3A_158 : vector<96x1xi32> to vector<96x1xf32>
    %sub3A_160 = arith.subf %convert_element_type3A_159, %broadcast_in_dim3A_137 : vector<96x1xf32>
    %add3A_161 = arith.addf %broadcast_in_dim3A_142, %sub3A_160 : vector<96x1xf32>
    %mul3A_162 = arith.constant 1.280000e+02 : f32
    %mul3A_163 = vector.broadcast %mul3A_162 : f32 to vector<96x1xf32>
    %mul3A_164 = arith.mulf %add3A_161, %mul3A_163 : vector<96x1xf32>
    %sub3A_165 = arith.subf %broadcast_in_dim3A_147, %mul3A_164 : vector<96x1xf32>
    %max3A = arith.constant 0.000000e+00 : f32
    %max3A_166 = vector.broadcast %max3A : f32 to vector<96x1xf32>
    %max3A_167 = arith.maximumf %sub3A_165, %max3A_166 : vector<96x1xf32>
    %mul3A_168 = arith.constant 1.280000e+02 : f32
    %mul3A_169 = vector.broadcast %mul3A_168 : f32 to vector<96x1xf32>
    %mul3A_170 = arith.mulf %add3A_161, %mul3A_169 : vector<96x1xf32>
    %sub3A_171 = arith.subf %broadcast_in_dim3A_152, %mul3A_170 : vector<96x1xf32>
    %min3A_172 = arith.constant 1.280000e+02 : f32
    %min3A_173 = vector.broadcast %min3A_172 : f32 to vector<96x1xf32>
    %min3A_174 = arith.minimumf %sub3A_171, %min3A_173 : vector<96x1xf32>
    %iota3A_175 = tpu.iota {dimensions = array<i32: 0>} : vector<96x1xi32>
    %sub3A_176 = arith.constant 1 : i32
    %sub3A_177 = vector.broadcast %sub3A_176 : i32 to vector<1x1xi32>
    %sub3A_178 = arith.subi %convert_element_type3A_116, %sub3A_177 : vector<1x1xi32>
    %le3A_179 = vector.broadcast %sub3A_178 : vector<1x1xi32> to vector<96x1xi32>
    %le3A_180 = arith.cmpi sle, %iota3A_175, %le3A_179 : vector<96x1xi32>
    %jit3A_181 = arith.constant 0.000000e+00 : f32
    %broadcast_in_dim3A_182 = vector.broadcast %jit3A_181 : f32 to vector<96x1xf32>
    %select_n3A_183 = arith.select %le3A_180, %max3A_167, %broadcast_in_dim3A_182 : vector<96x1xi1>, vector<96x1xf32>
    %jit3A_184 = arith.constant 0.000000e+00 : f32
    %broadcast_in_dim3A_185 = vector.broadcast %jit3A_184 : f32 to vector<96x1xf32>
    %select_n3A_186 = arith.select %le3A_180, %min3A_174, %broadcast_in_dim3A_185 : vector<96x1xi1>, vector<96x1xf32>
    %swap3A_187 = arith.constant 0 : index
    %swap3A_188 = arith.constant 0 : index
    %swap3A_189 = vector.load %arg5[%swap3A_187, %swap3A_188] : memref<96x1xi32, #tpu.memory_space<vmem>>, vector<96x1xi32>
    tpu.vector_store %arg5[%swap3A_187, %swap3A_188], %broadcast_in_dim3A_127 {strides = array<i32>} : memref<96x1xi32, #tpu.memory_space<vmem>>, vector<96x1xi32>,
    %convert_element_type3A_190 = arith.fptosi %add3A_161 : vector<96x1xf32> to vector<96x1xi32>
    %swap3A_191 = arith.constant 0 : index
    %swap3A_192 = arith.constant 0 : index
    %swap3A_193 = vector.load %arg6[%swap3A_191, %swap3A_192] : memref<96x1xi32, #tpu.memory_space<vmem>>, vector<96x1xi32>
    tpu.vector_store %arg6[%swap3A_191, %swap3A_192], %convert_element_type3A_190 {strides = array<i32>} : memref<96x1xi32, #tpu.memory_space<vmem>>, vector<96x1xi32>,
    %convert_element_type3A_194 = arith.fptosi %select_n3A_183 : vector<96x1xf32> to vector<96x1xi32>
    %swap3A_195 = arith.constant 0 : index
    %swap3A_196 = arith.constant 0 : index
    %swap3A_197 = vector.load %arg7[%swap3A_195, %swap3A_196] : memref<96x1xi32, #tpu.memory_space<vmem>>, vector<96x1xi32>
    tpu.vector_store %arg7[%swap3A_195, %swap3A_196], %convert_element_type3A_194 {strides = array<i32>} : memref<96x1xi32, #tpu.memory_space<vmem>>, vector<96x1xi32>,
    %convert_element_type3A_198 = arith.fptosi %select_n3A_186 : vector<96x1xf32> to vector<96x1xi32>
    %swap3A_199 = arith.constant 0 : index
    %swap3A_200 = arith.constant 0 : index
    %swap3A_201 = vector.load %arg8[%swap3A_199, %swap3A_200] : memref<96x1xi32, #tpu.memory_space<vmem>>, vector<96x1xi32>
    tpu.vector_store %arg8[%swap3A_199, %swap3A_200], %convert_element_type3A_198 {strides = array<i32>} : memref<96x1xi32, #tpu.memory_space<vmem>>, vector<96x1xi32>,
    %iota3A_202 = tpu.iota {dimensions = array<i32: 1>} : vector<256x256xi32>
    %iota3A_203 = tpu.iota {dimensions = array<i32: 0>} : vector<256x256xi32>
    %lt3A_204 = arith.cmpi slt, %iota3A_202, %iota3A_203 : vector<256x256xi32>
    %convert_element_type3A_205 = arith.extui %lt3A_204 : vector<256x256xi1> to vector<256x256xi32>
    %convert_element_type3A_206 = arith.sitofp %convert_element_type3A_205 : vector<256x256xi32> to vector<256x256xf32>
    %add3A_207 = arith.addf %dot_general3A_85, %broadcast_in_dim3A_61 : vector<1x64xf32>
    %broadcast_in_dim3A_208 = arith.constant 0.000000e+00 : f32
    %broadcast_in_dim3A_209 = vector.broadcast %broadcast_in_dim3A_208 : f32 to vector<1x64xf32>
    %scan3A = arith.constant 0 : i32
    %scan3A_210 = arith.constant 8 : i32
    %scan3A_211 = arith.addi %scan3A, %scan3A_210 : i32
    %scan3A_212 = arith.constant 1 : i32
    %scan3A_213:2 = scf.for %scan3A_215 = %scan3A to %scan3A_211 step %scan3A_212 iter_args(%scan3A_216 = %broadcast_in_dim3A_209, %scan3A_217 = %broadcast_in_dim3A_209) -> (vector<1x64xf32>, vector<1x64xf32>)  : i32 {
      %mul3A_218 = arith.constant 256 : i32
      %mul3A_219 = arith.muli %scan3A_215, %mul3A_218 : i32
      %get3A_220 = arith.index_cast %mul3A_219 : i32 to index
      %get3A_221 = arith.constant 0 : index
      %get3A_222 = vector.load %arg10[%get3A_220, %get3A_221] : memref<2048x64xf32, #tpu.memory_space<vmem>>, vector<256x64xf32>
      %get3A_223 = arith.index_cast %mul3A_219 : i32 to index
      %get3A_224 = arith.constant 0 : index
      %get3A_225 = vector.load %arg11[%get3A_223, %get3A_224] : memref<2048x64xf32, #tpu.memory_space<vmem>>, vector<256x64xf32>
      %dot_general3A_226 = arith.constant dense<0.000000e+00> : vector<256x64xf32>
      %dot_general3A_227 = tpu.matmul %convert_element_type3A_206, %get3A_222, %dot_general3A_226 {dimension_numbers = #tpu.dot_dimension_numbers<[1], [0], [0], [1], [0, 0, 1, 1], [], []>, transpose_lhs_hint = false} : vector<256x256xf32>, vector<256x64xf32>, vector<256x64xf32> -> vector<256x64xf32>
      %add3A_228 = vector.broadcast %scan3A_216 : vector<1x64xf32> to vector<256x64xf32>
      %add3A_229 = arith.addf %dot_general3A_227, %add3A_228 : vector<256x64xf32>
      %dot_general3A_230 = arith.constant dense<0.000000e+00> : vector<256x64xf32>
      %dot_general3A_231 = tpu.matmul %convert_element_type3A_206, %get3A_225, %dot_general3A_230 {dimension_numbers = #tpu.dot_dimension_numbers<[1], [0], [0], [1], [0, 0, 1, 1], [], []>, transpose_lhs_hint = false} : vector<256x256xf32>, vector<256x64xf32>, vector<256x64xf32> -> vector<256x64xf32>
      %add3A_232 = vector.broadcast %scan3A_217 : vector<1x64xf32> to vector<256x64xf32>
      %add3A_233 = arith.addf %dot_general3A_231, %add3A_232 : vector<256x64xf32>
      %add3A_234 = vector.broadcast %dot_general3A_85 : vector<1x64xf32> to vector<256x64xf32>
      %add3A_235 = arith.addf %add3A_229, %add3A_234 : vector<256x64xf32>
      %mul3A_236 = arith.mulf %add3A_235, %get3A_222 : vector<256x64xf32>
      %reduce_sum3A_237 = arith.constant dense<0.000000e+00> : vector<256xf32>
      %reduce_sum3A_238 = vector.multi_reduction <add>, %mul3A_236, %reduce_sum3A_237 [1] : vector<256x64xf32> to vector<256xf32>
      %broadcast_in_dim3A_239 = vector.shape_cast %reduce_sum3A_238 : vector<256xf32> to vector<256x1xf32>
      %add3A_240 = vector.broadcast %add3A_207 : vector<1x64xf32> to vector<256x64xf32>
      %add3A_241 = arith.addf %add3A_233, %add3A_240 : vector<256x64xf32>
      %mul3A_242 = arith.mulf %add3A_241, %get3A_225 : vector<256x64xf32>
      %reduce_sum3A_243 = arith.constant dense<0.000000e+00> : vector<256xf32>
      %reduce_sum3A_244 = vector.multi_reduction <add>, %mul3A_242, %reduce_sum3A_243 [1] : vector<256x64xf32> to vector<256xf32>
      %broadcast_in_dim3A_245 = vector.shape_cast %reduce_sum3A_244 : vector<256xf32> to vector<256x1xf32>
      %convert_element_type3A_246 = arith.fptosi %broadcast_in_dim3A_239 : vector<256x1xf32> to vector<256x1xi32>
      %swap3A_247 = arith.index_cast %mul3A_219 : i32 to index
      %swap3A_248 = arith.constant 0 : index
      %swap3A_249 = vector.load %arg1[%swap3A_247, %swap3A_248] : memref<2048x1xi32, #tpu.memory_space<vmem>>, vector<256x1xi32>
      tpu.vector_store %arg1[%swap3A_247, %swap3A_248], %convert_element_type3A_246 {strides = array<i32>} : memref<2048x1xi32, #tpu.memory_space<vmem>>, vector<256x1xi32>,
      %convert_element_type3A_250 = arith.fptosi %broadcast_in_dim3A_245 : vector<256x1xf32> to vector<256x1xi32>
      %swap3A_251 = arith.index_cast %mul3A_219 : i32 to index
      %swap3A_252 = arith.constant 0 : index
      %swap3A_253 = vector.load %arg2[%swap3A_251, %swap3A_252] : memref<2048x1xi32, #tpu.memory_space<vmem>>, vector<256x1xi32>
      tpu.vector_store %arg2[%swap3A_251, %swap3A_252], %convert_element_type3A_250 {strides = array<i32>} : memref<2048x1xi32, #tpu.memory_space<vmem>>, vector<256x1xi32>,
      %reduce_sum3A_254 = arith.constant dense<0.000000e+00> : vector<64xf32>
      %reduce_sum3A_255 = vector.multi_reduction <add>, %get3A_222, %reduce_sum3A_254 [0] : vector<256x64xf32> to vector<64xf32>
      %broadcast_in_dim3A_256 = vector.shape_cast %reduce_sum3A_255 : vector<64xf32> to vector<1x64xf32>
      %add3A_257 = arith.addf %scan3A_216, %broadcast_in_dim3A_256 : vector<1x64xf32>
      %reduce_sum3A_258 = arith.constant dense<0.000000e+00> : vector<64xf32>
      %reduce_sum3A_259 = vector.multi_reduction <add>, %get3A_225, %reduce_sum3A_258 [0] : vector<256x64xf32> to vector<64xf32>
      %broadcast_in_dim3A_260 = vector.shape_cast %reduce_sum3A_259 : vector<64xf32> to vector<1x64xf32>
      %add3A_261 = arith.addf %scan3A_217, %broadcast_in_dim3A_260 : vector<1x64xf32>
      scf.yield %add3A_257, %add3A_261 : vector<1x64xf32>, vector<1x64xf32>
    }
    %scan3A_214 = arith.constant 8 : i32
    return
  }
}

module attributes {stable_mosaic.version = 14 : i64} {
  func.func @_ffn_body(%arg0: i32, %arg1: memref<96xi32, #tpu.memory_space<smem>>, %arg2: memref<96xi32, #tpu.memory_space<smem>>, %arg3: memref<96xi32, #tpu.memory_space<smem>>, %arg4: memref<96xi32, #tpu.memory_space<smem>>, %arg5: memref<128x768xf32, #tpu.memory_space<vmem>>, %arg6: memref<1x768x768xf32, #tpu.memory_space<vmem>>, %arg7: memref<1x1x768xf32, #tpu.memory_space<vmem>>, %arg8: memref<1x768x768xf32, #tpu.memory_space<vmem>>, %arg9: memref<1x1x768xf32, #tpu.memory_space<vmem>>, %arg10: memref<128x1xf32, #tpu.memory_space<vmem>>, %arg11: memref<128x768xf32, #tpu.memory_space<vmem>>, %arg12: memref<128x768xf32, #tpu.memory_space<vmem>>) attributes {dimension_semantics = [#tpu.dimension_semantics<arbitrary>], iteration_bounds = array<i64: 96>, scalar_prefetch = 4 : i64, scratch_operands = 1 : i64, tpu.core_type = #tpu.core_type<tc>, window_params = [{transform_indices = @transform_0, window_bounds = array<i64: 128, 768>}, {transform_indices = @transform_1, window_bounds = array<i64: 1, 768, 768>}, {transform_indices = @transform_2, window_bounds = array<i64: 1, 1, 768>}, {transform_indices = @transform_3, window_bounds = array<i64: 1, 768, 768>}, {transform_indices = @transform_4, window_bounds = array<i64: 1, 1, 768>}, {transform_indices = @transform_5, window_bounds = array<i64: 128, 1>}, {transform_indices = @transform_6, window_bounds = array<i64: 128, 768>}]} {
    %get3A = arith.index_cast %arg0 : i32 to index
    %get3A_0 = memref.load %arg3[%get3A] : memref<96xi32, #tpu.memory_space<smem>>
    %get3A_1 = arith.index_cast %arg0 : i32 to index
    %get3A_2 = memref.load %arg4[%get3A_1] : memref<96xi32, #tpu.memory_space<smem>>
    %lt3A = arith.cmpi slt, %get3A_0, %get3A_2 : i32
    %convert_element_type3A = arith.extui %lt3A : i1 to i32
    %cond3A = arith.constant 0 : i32
    %cond3A_3 = arith.cmpi ne, %convert_element_type3A, %cond3A : i32
    scf.if %cond3A_3 {
      %get3A_14 = arith.constant 0 : index
      %get3A_15 = arith.constant 0 : index
      %get3A_16 = vector.load %arg5[%get3A_14, %get3A_15] : memref<128x768xf32, #tpu.memory_space<vmem>>, vector<128x768xf32>
      %convert_element_type3A_17 = arith.truncf %get3A_16 : vector<128x768xf32> to vector<128x768xbf16>
      %get3A_18 = arith.constant 0 : index
      %get3A_19 = arith.constant 0 : index
      %get3A_20 = arith.constant 0 : index
      %get3A_21 = vector.load %arg6[%get3A_18, %get3A_19, %get3A_20] : memref<1x768x768xf32, #tpu.memory_space<vmem>>, vector<1x768x768xf32>
      %get3A_22 = vector.shape_cast %get3A_21 : vector<1x768x768xf32> to vector<768x768xf32>
      %convert_element_type3A_23 = arith.truncf %get3A_22 : vector<768x768xf32> to vector<768x768xbf16>
      %dot_general3A = arith.constant dense<0.000000e+00> : vector<128x768xf32>
      %dot_general3A_24 = tpu.matmul %convert_element_type3A_17, %convert_element_type3A_23, %dot_general3A {dimension_numbers = #tpu.dot_dimension_numbers<[1], [0], [0], [1], [0, 0, 1, 1], [], []>, transpose_lhs_hint = false} : vector<128x768xbf16>, vector<768x768xbf16>, vector<128x768xf32> -> vector<128x768xf32>
      %get3A_25 = arith.constant 0 : index
      %get3A_26 = arith.constant 0 : index
      %get3A_27 = arith.constant 0 : index
      %get3A_28 = vector.load %arg7[%get3A_25, %get3A_26, %get3A_27] : memref<1x1x768xf32, #tpu.memory_space<vmem>>, vector<1x1x768xf32>
      %get3A_29 = vector.shape_cast %get3A_28 : vector<1x1x768xf32> to vector<1x768xf32>
      %add3A_30 = vector.broadcast %get3A_29 : vector<1x768xf32> to vector<128x768xf32>
      %add3A_31 = arith.addf %dot_general3A_24, %add3A_30 : vector<128x768xf32>
      %max3A = arith.constant 0.000000e+00 : f32
      %max3A_32 = vector.broadcast %max3A : f32 to vector<128x768xf32>
      %max3A_33 = arith.maximumf %add3A_31, %max3A_32 : vector<128x768xf32>
      %convert_element_type3A_34 = arith.truncf %max3A_33 : vector<128x768xf32> to vector<128x768xbf16>
      %get3A_35 = arith.constant 0 : index
      %get3A_36 = arith.constant 0 : index
      %get3A_37 = arith.constant 0 : index
      %get3A_38 = vector.load %arg8[%get3A_35, %get3A_36, %get3A_37] : memref<1x768x768xf32, #tpu.memory_space<vmem>>, vector<1x768x768xf32>
      %get3A_39 = vector.shape_cast %get3A_38 : vector<1x768x768xf32> to vector<768x768xf32>
      %convert_element_type3A_40 = arith.truncf %get3A_39 : vector<768x768xf32> to vector<768x768xbf16>
      %dot_general3A_41 = arith.constant dense<0.000000e+00> : vector<128x768xf32>
      %dot_general3A_42 = tpu.matmul %convert_element_type3A_34, %convert_element_type3A_40, %dot_general3A_41 {dimension_numbers = #tpu.dot_dimension_numbers<[1], [0], [0], [1], [0, 0, 1, 1], [], []>, transpose_lhs_hint = false} : vector<128x768xbf16>, vector<768x768xbf16>, vector<128x768xf32> -> vector<128x768xf32>
      %get3A_43 = arith.constant 0 : index
      %get3A_44 = arith.constant 0 : index
      %get3A_45 = arith.constant 0 : index
      %get3A_46 = vector.load %arg9[%get3A_43, %get3A_44, %get3A_45] : memref<1x1x768xf32, #tpu.memory_space<vmem>>, vector<1x1x768xf32>
      %get3A_47 = vector.shape_cast %get3A_46 : vector<1x1x768xf32> to vector<1x768xf32>
      %add3A_48 = vector.broadcast %get3A_47 : vector<1x768xf32> to vector<128x768xf32>
      %add3A_49 = arith.addf %dot_general3A_42, %add3A_48 : vector<128x768xf32>
      %get3A_50 = arith.constant 0 : index
      %get3A_51 = arith.constant 0 : index
      %get3A_52 = vector.load %arg10[%get3A_50, %get3A_51] : memref<128x1xf32, #tpu.memory_space<vmem>>, vector<128x1xf32>
      %mul3A = vector.broadcast %get3A_52 : vector<128x1xf32> to vector<128x768xf32>
      %mul3A_53 = arith.mulf %add3A_49, %mul3A : vector<128x768xf32>
      %iota3A = tpu.iota {dimensions = array<i32: 0>} : vector<128x1xi32>
      %ge3A = vector.broadcast %get3A_0 : i32 to vector<128x1xi32>
      %ge3A_54 = arith.cmpi sge, %iota3A, %ge3A : vector<128x1xi32>
      %lt3A_55 = vector.broadcast %get3A_2 : i32 to vector<128x1xi32>
      %lt3A_56 = arith.cmpi slt, %iota3A, %lt3A_55 : vector<128x1xi32>
      %and3A = arith.andi %ge3A_54, %lt3A_56 : vector<128x1xi1>
      %get3A_57 = arith.constant 0 : index
      %get3A_58 = arith.constant 0 : index
      %get3A_59 = vector.load %arg12[%get3A_57, %get3A_58] : memref<128x768xf32, #tpu.memory_space<vmem>>, vector<128x768xf32>
      %broadcast_in_dim3A = vector.shape_cast %and3A : vector<128x1xi1> to vector<128x1xi1>
      %broadcast_in_dim3A_60 = vector.broadcast %broadcast_in_dim3A : vector<128x1xi1> to vector<128x768xi1>
      %select_n3A = arith.select %broadcast_in_dim3A_60, %mul3A_53, %get3A_59 : vector<128x768xi1>, vector<128x768xf32>
      %swap3A = arith.constant 0 : index
      %swap3A_61 = arith.constant 0 : index
      %swap3A_62 = vector.load %arg12[%swap3A, %swap3A_61] : memref<128x768xf32, #tpu.memory_space<vmem>>, vector<128x768xf32>
      tpu.vector_store %arg12[%swap3A, %swap3A_61], %select_n3A {strides = array<i32>} : memref<128x768xf32, #tpu.memory_space<vmem>>, vector<128x768xf32>,
    } else {
    }
    %eq3A = arith.constant 95 : i32
    %eq3A_4 = arith.cmpi eq, %arg0, %eq3A : i32
    %add3A = arith.constant 1 : i32
    %add3A_5 = arith.addi %arg0, %add3A : i32
    %min3A = arith.constant 95 : i32
    %min3A_6 = arith.minsi %add3A_5, %min3A : i32
    %get3A_7 = arith.index_cast %min3A_6 : i32 to index
    %get3A_8 = memref.load %arg2[%get3A_7] : memref<96xi32, #tpu.memory_space<smem>>
    %get3A_9 = arith.index_cast %arg0 : i32 to index
    %get3A_10 = memref.load %arg2[%get3A_9] : memref<96xi32, #tpu.memory_space<smem>>
    %ne3A = arith.cmpi ne, %get3A_8, %get3A_10 : i32
    %or3A = arith.ori %eq3A_4, %ne3A : i1
    %convert_element_type3A_11 = arith.extui %or3A : i1 to i32
    %cond3A_12 = arith.constant 0 : i32
    %cond3A_13 = arith.cmpi ne, %convert_element_type3A_11, %cond3A_12 : i32
    scf.if %cond3A_13 {
      %get3A_14 = arith.constant 0 : index
      %get3A_15 = arith.constant 0 : index
      %get3A_16 = vector.load %arg12[%get3A_14, %get3A_15] : memref<128x768xf32, #tpu.memory_space<vmem>>, vector<128x768xf32>
      %swap3A = arith.constant 0 : index
      %swap3A_17 = arith.constant 0 : index
      %swap3A_18 = vector.load %arg11[%swap3A, %swap3A_17] : memref<128x768xf32, #tpu.memory_space<vmem>>, vector<128x768xf32>
      tpu.vector_store %arg11[%swap3A, %swap3A_17], %get3A_16 {strides = array<i32>} : memref<128x768xf32, #tpu.memory_space<vmem>>, vector<128x768xf32>,
    } else {
    }
    return
  }
  func.func @transform_0(%arg0: i32, %arg1: memref<96xi32, #tpu.memory_space<smem>>, %arg2: memref<96xi32, #tpu.memory_space<smem>>, %arg3: memref<96xi32, #tpu.memory_space<smem>>, %arg4: memref<96xi32, #tpu.memory_space<smem>>) -> (i32, i32) {
    %get3A = arith.index_cast %arg0 : i32 to index
    %get3A_0 = memref.load %arg2[%get3A] : memref<96xi32, #tpu.memory_space<smem>>
    %c0_i32 = arith.constant 0 : i32
    %c0_i32_1 = arith.constant 0 : i32
    return %get3A_0, %c0_i32 : i32, i32
  }
  func.func @transform_1(%arg0: i32, %arg1: memref<96xi32, #tpu.memory_space<smem>>, %arg2: memref<96xi32, #tpu.memory_space<smem>>, %arg3: memref<96xi32, #tpu.memory_space<smem>>, %arg4: memref<96xi32, #tpu.memory_space<smem>>) -> (i32, i32, i32) {
    %get3A = arith.index_cast %arg0 : i32 to index
    %get3A_0 = memref.load %arg1[%get3A] : memref<96xi32, #tpu.memory_space<smem>>
    %c0_i32 = arith.constant 0 : i32
    %c0_i32_1 = arith.constant 0 : i32
    %c0_i32_2 = arith.constant 0 : i32
    return %get3A_0, %c0_i32, %c0_i32_1 : i32, i32, i32
  }
  func.func @transform_2(%arg0: i32, %arg1: memref<96xi32, #tpu.memory_space<smem>>, %arg2: memref<96xi32, #tpu.memory_space<smem>>, %arg3: memref<96xi32, #tpu.memory_space<smem>>, %arg4: memref<96xi32, #tpu.memory_space<smem>>) -> (i32, i32, i32) {
    %get3A = arith.index_cast %arg0 : i32 to index
    %get3A_0 = memref.load %arg1[%get3A] : memref<96xi32, #tpu.memory_space<smem>>
    %c0_i32 = arith.constant 0 : i32
    %c0_i32_1 = arith.constant 0 : i32
    %c0_i32_2 = arith.constant 0 : i32
    return %get3A_0, %c0_i32, %c0_i32_1 : i32, i32, i32
  }
  func.func @transform_3(%arg0: i32, %arg1: memref<96xi32, #tpu.memory_space<smem>>, %arg2: memref<96xi32, #tpu.memory_space<smem>>, %arg3: memref<96xi32, #tpu.memory_space<smem>>, %arg4: memref<96xi32, #tpu.memory_space<smem>>) -> (i32, i32, i32) {
    %get3A = arith.index_cast %arg0 : i32 to index
    %get3A_0 = memref.load %arg1[%get3A] : memref<96xi32, #tpu.memory_space<smem>>
    %c0_i32 = arith.constant 0 : i32
    %c0_i32_1 = arith.constant 0 : i32
    %c0_i32_2 = arith.constant 0 : i32
    return %get3A_0, %c0_i32, %c0_i32_1 : i32, i32, i32
  }
  func.func @transform_4(%arg0: i32, %arg1: memref<96xi32, #tpu.memory_space<smem>>, %arg2: memref<96xi32, #tpu.memory_space<smem>>, %arg3: memref<96xi32, #tpu.memory_space<smem>>, %arg4: memref<96xi32, #tpu.memory_space<smem>>) -> (i32, i32, i32) {
    %get3A = arith.index_cast %arg0 : i32 to index
    %get3A_0 = memref.load %arg1[%get3A] : memref<96xi32, #tpu.memory_space<smem>>
    %c0_i32 = arith.constant 0 : i32
    %c0_i32_1 = arith.constant 0 : i32
    %c0_i32_2 = arith.constant 0 : i32
    return %get3A_0, %c0_i32, %c0_i32_1 : i32, i32, i32
  }
  func.func @transform_5(%arg0: i32, %arg1: memref<96xi32, #tpu.memory_space<smem>>, %arg2: memref<96xi32, #tpu.memory_space<smem>>, %arg3: memref<96xi32, #tpu.memory_space<smem>>, %arg4: memref<96xi32, #tpu.memory_space<smem>>) -> (i32, i32) {
    %get3A = arith.index_cast %arg0 : i32 to index
    %get3A_0 = memref.load %arg2[%get3A] : memref<96xi32, #tpu.memory_space<smem>>
    %c0_i32 = arith.constant 0 : i32
    %c0_i32_1 = arith.constant 0 : i32
    return %get3A_0, %c0_i32 : i32, i32
  }
  func.func @transform_6(%arg0: i32, %arg1: memref<96xi32, #tpu.memory_space<smem>>, %arg2: memref<96xi32, #tpu.memory_space<smem>>, %arg3: memref<96xi32, #tpu.memory_space<smem>>, %arg4: memref<96xi32, #tpu.memory_space<smem>>) -> (i32, i32) {
    %get3A = arith.index_cast %arg0 : i32 to index
    %get3A_0 = memref.load %arg2[%get3A] : memref<96xi32, #tpu.memory_space<smem>>
    %c0_i32 = arith.constant 0 : i32
    %c0_i32_1 = arith.constant 0 : i32
    return %get3A_0, %c0_i32 : i32, i32
  }
}

</mosaic_0001>

<sc_bundles>
// kernel: kernel.10.cloned.1.call-start
scs
__scs_entry_jumppad:
0x0: {  	(pc) =	sbr.rel $0x88, $3  }
0x1: {  	(tag) =	ssettag $0x0;
	lr =	simm.s32 $0x1  }
0x2: {  	[smem:$0x3F9A] =	sst lr;
	_ =	strace $0xD0000000  }
0x3: {  	_ = 	snop  }
0x4: {  	_ = 	snop  }
0x5: {  	_ = 	snop  }
0x6: {  	_ = 	snop  }
0x7: {  	_ = 	snop  }
__scs_overlays_trampoline_lowered:
0x8: {  	[smem:$0x3FA9] =	sst s0  }
0x9: {  	[smem:$0x3FAA] =	sst s1  }
0xa: {  	[smem:$0x3FAB] =	sst s2  }
0xb: {  	[smem:$0x3FAC] =	sst s3  }
0xc: {  	[smem:$0x3FAD] =	sst s4  }
0xd: {  	[smem:$0x3FAE] =	sst s5  }
0xe: {  	[smem:$0x3FAF] =	sst s6  }
0xf: {  	[smem:$0x3FB0] =	sst s7  }
0x10: {  	[smem:$0x3FB1] =	sst s8  }
0x11: {  	[smem:$0x3FB2] =	sst s9;
	s0 =	simm.s32 @!p0 $0x0  }
0x12: {  	s1 =	sld [smem:$0x3F98];
	s0 =	simm.s32 @p0 $0x1  }
0x13: {  	[smem:$0x3FB3] =	sst s0;
	s0 =	simm.s32 @!p1 $0x0  }
0x14: {  	s2 =	sld [smem:$0x3F97];
	s0 =	simm.s32 @p1 $0x1  }
0x15: {  	[smem:$0x3FB4] =	sst s0;
	s0 =	simm.s32 @!p2 $0x0  }
0x16: {  	s3 =	sld [smem:$0x3FDB];
	s0 =	simm.s32 @p2 $0x1  }
0x17: {  	s4 =	simm.s32 $0x1BF5;
	[smem:$0x3FB6] =	sst s0  }
0x18: {  	s0 =	sld [smem:$0x3F99];
	_ =	swait.ge [sflag:s4], $0x0  }
0x19: {  	s7 =	sld [smem:$0x3F9A]  }
0x1a: {  	s8 =	sadd.s32 $0xFFFFE003, lr  }
0x1b: {  	s9 =	sadd.s32 $0xFFFFFEF7, lr;
	s5 =	simm.s32 $0xFFFFFFFF;
	p2 =	slt.u32 s8, $0xFFFFF086  }
0x1c: {  	p1 =	slt.u32 s9, $0xF7A;
	s5 =	simm.s32 @!p2 $0x0  }
0x1d: {  	s5 =	simm.s32 @p1 $0x1;
	p0 =	seq.s32 s7, s2  }
0x1e: {  	s7 =	smul.u32 @!p0 $0xF7A, s2;
	p2 =	seq.s32 @!p0 s5, $0x0  }
0x1f: {  	s9 =	smul.u32 $0xF7A, s1;
	s8 =	simm.s32 @!p0 $0x1BF5;
	p2 =	por !p2, p0  }
0x20: {  	[sflag:s8] =	ssyncset.s32 @!p0 $0xFFFFF086;
	s6 =	sadd.s32 @!p0 s3, s7;
	s7 =	simm.s32 @!p0 $0x108  }
0x21: {  	s3 =	sadd.s32 s3, s9;
	s6 =	sadd.s32 @!p0 $0x88, s6;
	s7 =	simm.s32 @p2 $0x1082  }
0x22: {  	[simem:s7], [sflag:s8] =	dma.local @!p0 [hbm:s6], $0xF7A  }
0x23: {  	s9 =	sor.u32 $0xD0000000, s2;
	s6 =	simm.s32 $0x108;
	_ =	swait.ge @!p0 [sflag:s8], $0x0  }
0x24: {  	s3 =	sadd.s32 $0x88, s3;
	s6 =	simm.s32 @!p1 $0x1082;
	[sflag:s4] =	ssyncset.s32 $0xFFFFF086  }
0x25: {  	[simem:s6], [sflag:s4] =	dma.local [hbm:s3], $0xF7A  }
0x26: {  	[smem:$0x3F9A] =	sst s1;
	(tag) =	ssettag s2;
	_ =	strace s9  }
0x27: {  	s1 =	sld [smem:$0x3FAA]  }
0x28: {  	s2 =	sld [smem:$0x3FAB]  }
0x29: {  	s4 =	sld [smem:$0x3FAD]  }
0x2a: {  	p0 =	seq.s32 s5, $0x0;
	s5 =	sld [smem:$0x3FAE]  }
0x2b: {  	s6 =	sld [smem:$0x3FAF]  }
0x2c: {  	s7 =	sld [smem:$0x3FB0]  }
0x2d: {  	s3 =	simm.s32 $0x108;
	s8 =	sld [smem:$0x3FB1]  }
0x2e: {  	s3 =	simm.s32 @!p0 $0x1082;
	s9 =	sld [smem:$0x3FB2]  }
0x2f: {  	lr =	sadd.s32 s0, s3;
	s0 =	sld [smem:$0x3FA9]  }
0x30: {  	s3 =	sld [smem:$0x3FAC]  }
0x31: {  	[smem:$0x3FB5] =	sst s10  }
0x32: {  	s10 =	sld [smem:$0x3FB3];
	_ =	sdelay $0x3  }
0x33: {  	p0 =	seq.s32 s10, $0x1;
	s10 =	sld [smem:$0x3FB5];
	_ =	sdelay $0x3  }
0x34: {  	[smem:$0x3FB5] =	sst s10  }
0x35: {  	s10 =	sld [smem:$0x3FB4];
	_ =	sdelay $0x3  }
0x36: {  	p1 =	seq.s32 s10, $0x1;
	s10 =	sld [smem:$0x3FB5];
	_ =	sdelay $0x3  }
0x37: {  	[smem:$0x3FB5] =	sst s10  }
0x38: {  	s10 =	sld [smem:$0x3FB6]  }
0x39: {  	_ = 	snop;
	(pc) =	sbr.ind lr, $3  }
0x3a: {  	_ = 	snop  }
0x3b: {  	_ = 	snop  }
0x3c: {  	p2 =	seq.s32 s10, $0x1;
	s10 =	sld [smem:$0x3FB5]  }
0x3d: {  	_ =	shalt  }
0x3e: {  	_ =	shalt  }
0x3f: {  	_ =	shalt  }
0x40: {  	_ =	shalt  }
0x41: {  	_ =	shalt  }
0x42: {  	_ =	shalt  }
0x43: {  	_ =	shalt  }
0x44: {  	_ =	shalt  }
0x45: {  	_ =	shalt  }
0x46: {  	_ =	shalt  }
0x47: {  	_ =	shalt  }
0x48: {  	_ =	shalt  }
0x49: {  	_ =	shalt  }
0x4a: {  	_ =	shalt  }
0x4b: {  	_ =	shalt  }
0x4c: {  	_ =	shalt  }
0x4d: {  	_ =	shalt  }
0x4e: {  	_ =	shalt  }
0x4f: {  	_ =	shalt  }
0x50: {  	_ =	shalt  }
0x51: {  	_ =	shalt  }
0x52: {  	_ =	shalt  }
0x53: {  	_ =	shalt  }
0x54: {  	_ =	shalt  }
0x55: {  	_ =	shalt  }
0x56: {  	_ =	shalt  }
0x57: {  	_ =	shalt  }
0x58: {  	_ =	shalt  }
0x59: {  	_ =	shalt  }
0x5a: {  	_ =	shalt  }
0x5b: {  	_ =	shalt  }
0x5c: {  	_ =	shalt  }
0x5d: {  	_ =	shalt  }
0x5e: {  	_ =	shalt  }
0x5f: {  	_ =	shalt  }
0x60: {  	_ =	shalt  }
0x61: {  	_ =	shalt  }
0x62: {  	_ =	shalt  }
0x63: {  	_ =	shalt  }
0x64: {  	_ =	shalt  }
0x65: {  	_ =	shalt  }
0x66: {  	_ =	shalt  }
0x67: {  	_ =	shalt  }
0x68: {  	_ =	shalt  }
0x69: {  	_ =	shalt  }
0x6a: {  	_ =	shalt  }
0x6b: {  	_ =	shalt  }
0x6c: {  	_ =	shalt  }
0x6d: {  	_ =	shalt  }
0x6e: {  	_ =	shalt  }
0x6f: {  	_ =	shalt  }
0x70: {  	_ =	shalt  }
0x71: {  	_ =	shalt  }
0x72: {  	_ =	shalt  }
0x73: {  	_ =	shalt  }
0x74: {  	_ =	shalt  }
0x75: {  	_ =	shalt  }
0x76: {  	_ =	shalt  }
0x77: {  	_ =	shalt  }
0x78: {  	_ =	shalt  }
0x79: {  	_ =	shalt  }
0x7a: {  	_ =	shalt  }
0x7b: {  	_ =	shalt  }
0x7c: {  	_ =	shalt  }
0x7d: {  	_ =	shalt  }
0x7e: {  	_ =	shalt  }
0x7f: {  	_ =	shalt  }
0x80: {  	_ =	shalt  }
0x81: {  	_ =	shalt  }
0x82: {  	_ =	shalt  }
0x83: {  	_ =	shalt  }
0x84: {  	_ =	shalt  }
0x85: {  	_ =	shalt  }
0x86: {  	_ =	shalt  }
0x87: {  	_ =	shalt  }
.Lfunc_end0:
.L_simem_size_0:
called_computation.1_lowered:
.L_overlay_start_0:
0x88: {  	s2 =	sld [smem:$0x3FD9]  }
0x89: {  	s3 =	sld [smem:$0x3FFE];
	_ =	sdelay $0x1  }
0x8a: {  	s1 =	srdreg.scid  }
0x8b: {  	s0 =	sand.u32 $0x1, s1  }
0x8c: {  	s14 =	sshll.u32 s0, $0xA;
	s2 =	sadd.s32 s3, s2  }
0x8d: {  	s2 =	sadd.s32 s2, s14  }
0x8e: {  	[smem:$0x3FC1] =	sst s2  }
0x8f: {  	_ = 	snop  }
0x90: {  	s2 =	sld [smem:$0x3FD0];
	_ =	sdelay $0x2  }
0x91: {  	s4 =	simm.s32 $0xA;
	s5 =	simm.s32 $0x10;
	s15 =	sld [smem:$0x3FC9]  }
0x92: {  	[smem:s5], [sflag:s4] =	dma.local [hbm:s2], $0x1  }
0x93: {  	_ =	swait.eq [sflag:s4], $0x1  }
0x94: {  	[sflag:s4] =	ssyncset.done $0x0  }
0x95: {  	[sflag:s4] =	ssyncadd.s32 $0xFFFFFFFF  }
0x96: {  	s16 =	sld [smem:$0x10];
	(tm) =	ssettm $0x1  }
0x97: {  	s17 =	sld [smem:$0x3FFB];
	_ =	sdelay $0x3  }
0x98: {  	_ =	strace s17  }
0x99: {  	s4 =	sld [smem:$0x3FFC];
	_ =	sdelay $0x3  }
0x9a: {  	_ =	strace s4  }
0x9b: {  	s4 =	sld [smem:$0x3FFD];
	_ =	sdelay $0x3  }
0x9c: {  	_ =	strace s4  }
0x9d: {  	_ =	strace $0x8FFFFFFF  }
0x9e: {  	s18 =	sld [smem:$0x3FDB];
	_ =	sdelay $0x1  }
0x9f: {  	s19 =	simm.s32 $_scs_section_size  }
0xa0: {  	s6 =	simm.s32 $_size__tile_overlayer_lowered;
	s7 =	simm.s32 $_tile_overlayer_lowered  }
0xa1: {  	s22 =	simm.s32 $0x1BFF;
	s21 =	sshll.u32 s7, $0x1;
	s4 =	sadd.s32 s19, s18  }
0xa2: {  	s8 =	simm.s32 $0x0;
	s20 =	sshll.u32 s6, $0x1;
	s6 =	sadd.s32 s21, s4  }
0xa3: {  	[timem:s8], [sflag:s22] =	dma.local [hbm:s6], s20  }
0xa4: {  	_ =	swait.ge [sflag:s22], s20  }
0xa5: {  	s5 =	ssub.s32 $0x0, s20;
	[sflag:s22] =	ssyncset.done $0x0  }
0xa6: {  	[sflag:s22] =	ssyncadd.s32 s5;
	_ =	sdelay $0x1  }
0xa7: {  	s23 =	simm.s32 $0x1B8B  }
0xa8: {  	_ =	swait.ge [sflag:s23], $0x1  }
0xa9: {  	[sflag:s23] =	ssyncset.done $0x0  }
0xaa: {  	s25 =	simm.s32 $0x1B8E;
	s24 =	sld [smem:$0x3FFE];
	[sflag:s23] =	ssyncadd.s32 $0xFFFFFFFF  }
0xab: {  	s26 =	simm.s32 $execute0_lowered;
	[smem:$0x3FD2] =	sst s25  }
0xac: {  	s6 =	sshll.u32 s26, $0x1;
	_ =	strace $0x80000049;
	[dreg:$0x1] =	wrdreg $0xFFFFFFFF  }
0xad: {  	s28 =	simm.s32 $_size_execute0_lowered;
	s4 =	sadd.s32 s4, s6;
	[dreg:$0x0] =	wrdreg $0x0  }
0xae: {  	s6 =	sshll.u32 s28, $0x1;
	[dreg:$0x2] =	wrdreg s4  }
0xaf: {  	[dreg:$0x3] =	wrdreg s6  }
0xb0: {  	[dreg:$0x4] =	wrdreg $0xC0  }
0xb1: {  	_ =	task [dreg:s8], $0x5FFFF  }
0xb2: {  	[dreg:$0x1] =	wrdreg $0xFFFFFFFF  }
0xb3: {  	[dreg:$0x0] =	wrdreg $0x60  }
0xb4: {  	[dreg:$0x2] =	wrdreg s16  }
0xb5: {  	[dreg:$0x3] =	wrdreg s15  }
0xb6: {  	[dreg:$0x4] =	wrdreg s24  }
0xb7: {  	[dreg:$0x5] =	wrdreg $0x9  }
0xb8: {  	_ =	task.clear_ibuf [dreg:s8], $0x6FFFF;
	_ =	strace $0x90000049  }
0xb9: {  	s29 =	simm.s32 $0x9;
	_ =	strace $0x8000004B  }
0xba: {  	_ =	swait.ge [sflag:s29], $0x1  }
0xbb: {  	[sflag:s29] =	ssyncadd.s32 $0xFFFFFFFF  }
0xbc: {  	_ =	strace $0x9000004B  }
0xbd: {  	_ =	sfence  }
0xbe: {  	s30 =	sld [smem:$0x0];
	_ =	sdelay $0x2  }
0xbf: {  	s31 =	sshll.u32 s1, $0xD;
	s1 =	sshrl.u32 s1, $0x2  }
0xc0: {  	s3 =	sand.u32 $0x4000, s31;
	s1 =	sadd.s32 s1, s30  }
0xc1: {  	s0 =	sor.u32 s3, s0;
	s1 =	sshll.u32 s1, $0x11  }
0xc2: {  	s0 =	sor.u32 s1, s0  }
0xc3: {  	s0 =	sadd.s32 $0x8F2B, s0  }
0xc4: {  	[sflag:s0] =	ssyncadd.remote.s32 $0x1  }
0xc5: {  	_ =	sfence.sel $0xFFFF  }
0xc6: {  	[dreg:$0x0] =	wrdreg $0xFFFFFFFF;
	(pc) =	sbr.abs _section_cstart, $3  }
0xc7: {  	[dreg:$0x1] =	wrdreg $0xFFFFFFFF  }
0xc8: {  	_ =	task.clear_ibuf [dreg:s8], $0x2FFFF;
	_ =	strace $0x9FFFFFFF  }
0xc9: {  	(tm) =	ssettm $0x7FFFFFFF  }
tec
execute0_lowered:
.L_overlay_start_1:
0x0: {  	(tag) =	ssettag $0x1  }
0x1: {  	s1 =	srdreg.scid  }
0x2: {  	s4 =	rddreg [dreg:$0x0];
	s0 =	stileid.u32;
	s1 =	sand.u32 $0x1, s1  }
0x3: {  	s2 =	rddreg [dreg:$0x1];
	s3 =	sshll.u32 s0, $0x5;
	s5 =	sshll.u32 s1, $0x4  }
0x4: {  	s6 =	rddreg [dreg:$0x2];
	s5 =	sor.u32 s5, s3;
	s3 =	simm.s32 $0x0  }
0x5: {  	[smem:$0x7FF] =	sst s3;
	s4 =	sadd.s32 s4, s5  }
0x6: {  	s24 =	simm.s32 $0x880;
	_ =	strace $0x8000004A;
	[dreg:$0x4] =	wrdreg s4  }
0x7: {  	s25 =	simm.s32 $0x1080;
	[dreg:$0x6] =	wrdreg s24  }
0x8: {  	s26 =	simm.s32 $0x1880;
	[dreg:$0x7] =	wrdreg s25  }
0x9: {  	s0 =	simm.s32 $0x2080;
	[dreg:$0x8] =	wrdreg s26  }
0xa: {  	s7 =	smul.u32 $0x300, s5;
	s5 =	simm.s32 $0x2880;
	[dreg:$0x9] =	wrdreg s0  }
0xb: {  	s8 =	simm.s32 $0x4080;
	[dreg:$0xa] =	wrdreg s5  }
0xc: {  	s9 =	simm.s32 $0x4880;
	[dreg:$0xd] =	wrdreg s8  }
0xd: {  	s10 =	simm.s32 $0x5080;
	[dreg:$0xe] =	wrdreg s9  }
0xe: {  	s11 =	simm.s32 $0x5880;
	[dreg:$0xf] =	wrdreg s10  }
0xf: {  	s12 =	simm.s32 $0x6080;
	s13 =	simm.s32 $0x6880;
	[dreg:$0x10] =	wrdreg s11  }
0x10: {  	s14 =	simm.s32 $0x7080;
	s15 =	simm.s32 $0x7880;
	[dreg:$0x11] =	wrdreg s12  }
0x11: {  	s16 =	simm.s32 $0x8080;
	s17 =	simm.s32 $0x8880;
	[dreg:$0x12] =	wrdreg s13  }
0x12: {  	s18 =	simm.s32 $0x9080;
	s20 =	simm.s32 $0x9880;
	[dreg:$0x13] =	wrdreg s14  }
0x13: {  	s21 =	simm.s32 $0xA080;
	s22 =	simm.s32 $0xA880;
	[dreg:$0x14] =	wrdreg s15  }
0x14: {  	s28 =	simm.s32 $0x16080;
	s29 =	simm.s32 $0x16880;
	[dreg:$0x15] =	wrdreg s16  }
0x15: {  	s30 =	simm.s32 $0x17080;
	s1 =	ssub.s32 $0x2, s1;
	[dreg:$0x16] =	wrdreg s17  }
0x16: {  	s31 =	simm.s32 $0x17880;
	s19 =	sshrl.u32 s1, $0x1;
	[dreg:$0x17] =	wrdreg s18  }
0x17: {  	s1 =	ssub.s32 s1, s19;
	s19 =	simm.s32 $0x12080;
	[dreg:$0x18] =	wrdreg s20  }
0x18: {  	s4 =	sadd.s32 $0x100, s2;
	[dreg:$0x19] =	wrdreg s21;
	s5 =	sadd.s32 $0x200, s2  }
0x19: {  	[dreg:$0x1a] =	wrdreg s22;
	s24 =	simm.s32 $0xB880;
	s25 =	simm.s32 $0xC080  }
0x1a: {  	s8 =	simm.s32 $0x80;
	s26 =	simm.s32 $0xC880;
	s10 =	simm.s32 $0xD880  }
0x1b: {  	s11 =	simm.s32 $0xE080;
	s12 =	simm.s32 $0xE880;
	s13 =	simm.s32 $0xF080  }
0x1c: {  	s14 =	simm.s32 $0xF880;
	s15 =	simm.s32 $0x10080;
	s16 =	simm.s32 $0x10880  }
0x1d: {  	s17 =	simm.s32 $0x11080;
	s18 =	simm.s32 $0x11880;
	s20 =	simm.s32 $0x12880  }
0x1e: {  	s21 =	simm.s32 $0x13080;
	s22 =	simm.s32 $0x13880;
	[dreg:$0x1c] =	wrdreg s24  }
0x1f: {  	s6 =	sadd.s32 s7, s6;
	s7 =	simm.s32 $0x3880;
	[dreg:$0x1d] =	wrdreg s25  }
0x20: {  	[dreg:$0x1e] =	wrdreg s26;
	s24 =	simm.s32 $0x14880;
	s25 =	simm.s32 $0x15080  }
0x21: {  	s26 =	simm.s32 $0x15880;
	s23 =	sadd.s32 $0xC00, s6;
	[dreg:$0xc] =	wrdreg s7  }
0x22: {  	v2 =	vlaneseq.u32;
	s6 =	simm.s32 $0x3080;
	s7 =	simm.s32 $0x2;
	[dreg:$0x5] =	wrdreg s23  }
0x23: {  	vm0 =	vmmov $0xffff;
	v1 =	vshrl.u32 v2, $0x3;
	[dreg:$0xb] =	wrdreg s6;
	s23 =	simm.s32 $0xB080;
	s6 =	smax.u32 s1, $0x1  }
0x24: {  	v0 =	vand.u32 $0x7, v2;
	v2 =	vor.u32 $0x8, v2;
	v1 =	vmul.u32 $0x8, v1;
	s1 =	simm.s32 $0x1;
	[dreg:$0x1b] =	wrdreg s23;
	s23 =	simm.s32 $0x14080  }
.LBB2_1:
0x25: {  	s0 =	rddreg [dreg:$0x4]  }
0x26: {  	[tilespmem:s3], [sflag:$0x2] =	stream.linear.gather [hbm4b:s0+s3], $0x80, $0x38;
	[tilespmem:$0x18080] =	vst v63  }
0x27: {  	_ =	swait.ge [sflag:s7], $0x80  }
0x28: {  	[sflag:s7] =	ssyncset.done $0x0  }
0x29: {  	[sflag:s7] =	ssyncadd.s32 $0xFFFFFF80  }
0x2a: {  	v3 =	vld [tilespmem:$0x0];
	_ =	sdelay $0x4  }
0x2b: {  	v4 =	vshrl.u32 v3, $0x3  }
0x2c: {  	v4 =	vmul.u32 $0x30, v4  }
0x2d: {  	v3 =	vand.u32 $0x7, v3  }
0x2e: {  	v3 =	vor.u32 v3, v4  }
0x2f: {  	v4 =	vperm.xlane v3, v0;
	_ =	sdelay $0x1  }
0x30: {  	v4 =	vadd.s32 v1, v4;
	_ =	sdelay $0x3  }
0x31: {  	v3 =	vperm.xlane v3, v2  }
0x32: {  	[tilespmem:s8], [sflag:$0x1] =	stream.indirect_vreg.gather [hbm4b:s2+s3], $0x80, v4, vm0, $0xb8;
	[tilespmem:$0x18080] =	vst v63  }
0x33: {  	s0 =	rddreg [dreg:$0x6];
	v3 =	vadd.s32 v1, v3  }
0x34: {  	[tilespmem:s0], [sflag:$0x1] =	stream.indirect_vreg.gather [hbm4b:s4+s3], $0x80, v4, vm0, $0xb8;
	[tilespmem:$0x18080] =	vst v63  }
0x35: {  	s9 =	rddreg [dreg:$0x7]  }
0x36: {  	[tilespmem:s9], [sflag:$0x1] =	stream.indirect_vreg.gather [hbm4b:s5+s3], $0x80, v4, vm0, $0xb8;
	[tilespmem:$0x18080] =	vst v63  }
0x37: {  	s0 =	rddreg [dreg:$0x8]  }
0x38: {  	[tilespmem:s0], [sflag:$0x1] =	stream.indirect_vreg.gather [hbm4b:s2+s3], $0x80, v3, vm0, $0xb8;
	[tilespmem:$0x18080] =	vst v63  }
0x39: {  	s9 =	rddreg [dreg:$0x9]  }
0x3a: {  	[tilespmem:s9], [sflag:$0x1] =	stream.indirect_vreg.gather [hbm4b:s4+s3], $0x80, v3, vm0, $0xb8;
	[tilespmem:$0x18080] =	vst v63  }
0x3b: {  	s0 =	rddreg [dreg:$0xa]  }
0x3c: {  	[tilespmem:s0], [sflag:$0x1] =	stream.indirect_vreg.gather [hbm4b:s5+s3], $0x80, v3, vm0, $0xb8;
	[tilespmem:$0x18080] =	vst v63  }
0x3d: {  	v3 =	vld [tilespmem:$0x10];
	_ =	sdelay $0x4  }
0x3e: {  	v57 =	vshrl.u32 v3, $0x3  }
0x3f: {  	v4 =	vmul.u32 $0x30, v57  }
0x40: {  	v3 =	vand.u32 $0x7, v3  }
0x41: {  	v3 =	vor.u32 v3, v4  }
0x42: {  	v4 =	vperm.xlane v3, v0;
	_ =	sdelay $0x1  }
0x43: {  	v4 =	vadd.s32 v1, v4;
	_ =	sdelay $0x3  }
0x44: {  	s0 =	rddreg [dreg:$0xb];
	v3 =	vperm.xlane v3, v2  }
0x45: {  	[tilespmem:s0], [sflag:$0x1] =	stream.indirect_vreg.gather [hbm4b:s2+s3], $0x80, v4, vm0, $0xb8;
	[tilespmem:$0x18080] =	vst v63  }
0x46: {  	s9 =	rddreg [dreg:$0xc];
	v3 =	vadd.s32 v1, v3  }
0x47: {  	[tilespmem:s9], [sflag:$0x1] =	stream.indirect_vreg.gather [hbm4b:s4+s3], $0x80, v4, vm0, $0xb8;
	[tilespmem:$0x18080] =	vst v63  }
0x48: {  	s0 =	rddreg [dreg:$0xd]  }
0x49: {  	[tilespmem:s0], [sflag:$0x1] =	stream.indirect_vreg.gather [hbm4b:s5+s3], $0x80, v4, vm0, $0xb8;
	[tilespmem:$0x18080] =	vst v63  }
0x4a: {  	s9 =	rddreg [dreg:$0xe]  }
0x4b: {  	[tilespmem:s9], [sflag:$0x1] =	stream.indirect_vreg.gather [hbm4b:s2+s3], $0x80, v3, vm0, $0xb8;
	[tilespmem:$0x18080] =	vst v63  }
0x4c: {  	s0 =	rddreg [dreg:$0xf]  }
0x4d: {  	[tilespmem:s0], [sflag:$0x1] =	stream.indirect_vreg.gather [hbm4b:s4+s3], $0x80, v3, vm0, $0xb8;
	[tilespmem:$0x18080] =	vst v63  }
0x4e: {  	s9 =	rddreg [dreg:$0x10]  }
0x4f: {  	[tilespmem:s9], [sflag:$0x1] =	stream.indirect_vreg.gather [hbm4b:s5+s3], $0x80, v3, vm0, $0xb8;
	[tilespmem:$0x18080] =	vst v63  }
0x50: {  	v3 =	vld [tilespmem:$0x20];
	_ =	sdelay $0x4  }
0x51: {  	v58 =	vshrl.u32 v3, $0x3  }
0x52: {  	v4 =	vmul.u32 $0x30, v58  }
0x53: {  	v3 =	vand.u32 $0x7, v3  }
0x54: {  	v3 =	vor.u32 v3, v4  }
0x55: {  	v4 =	vperm.xlane v3, v0;
	_ =	sdelay $0x1  }
0x56: {  	v4 =	vadd.s32 v1, v4;
	_ =	sdelay $0x3  }
0x57: {  	s0 =	rddreg [dreg:$0x11];
	v3 =	vperm.xlane v3, v2  }
0x58: {  	[tilespmem:s0], [sflag:$0x1] =	stream.indirect_vreg.gather [hbm4b:s2+s3], $0x80, v4, vm0, $0xb8;
	[tilespmem:$0x18080] =	vst v63  }
0x59: {  	s9 =	rddreg [dreg:$0x12];
	v3 =	vadd.s32 v1, v3  }
0x5a: {  	[tilespmem:s9], [sflag:$0x1] =	stream.indirect_vreg.gather [hbm4b:s4+s3], $0x80, v4, vm0, $0xb8;
	[tilespmem:$0x18080] =	vst v63  }
0x5b: {  	s0 =	rddreg [dreg:$0x13]  }
0x5c: {  	[tilespmem:s0], [sflag:$0x1] =	stream.indirect_vreg.gather [hbm4b:s5+s3], $0x80, v4, vm0, $0xb8;
	[tilespmem:$0x18080] =	vst v63  }
0x5d: {  	s9 =	rddreg [dreg:$0x14]  }
0x5e: {  	[tilespmem:s9], [sflag:$0x1] =	stream.indirect_vreg.gather [hbm4b:s2+s3], $0x80, v3, vm0, $0xb8;
	[tilespmem:$0x18080] =	vst v63  }
0x5f: {  	s0 =	rddreg [dreg:$0x15]  }
0x60: {  	[tilespmem:s0], [sflag:$0x1] =	stream.indirect_vreg.gather [hbm4b:s4+s3], $0x80, v3, vm0, $0xb8;
	[tilespmem:$0x18080] =	vst v63  }
0x61: {  	s9 =	rddreg [dreg:$0x16]  }
0x62: {  	[tilespmem:s9], [sflag:$0x1] =	stream.indirect_vreg.gather [hbm4b:s5+s3], $0x80, v3, vm0, $0xb8;
	[tilespmem:$0x18080] =	vst v63  }
0x63: {  	v3 =	vld [tilespmem:$0x30];
	_ =	sdelay $0x4  }
0x64: {  	v59 =	vshrl.u32 v3, $0x3  }
0x65: {  	v4 =	vmul.u32 $0x30, v59  }
0x66: {  	v3 =	vand.u32 $0x7, v3  }
0x67: {  	v3 =	vor.u32 v3, v4  }
0x68: {  	v4 =	vperm.xlane v3, v0;
	_ =	sdelay $0x1  }
0x69: {  	v4 =	vadd.s32 v1, v4;
	_ =	sdelay $0x3  }
0x6a: {  	s0 =	rddreg [dreg:$0x17];
	v3 =	vperm.xlane v3, v2  }
0x6b: {  	[tilespmem:s0], [sflag:$0x1] =	stream.indirect_vreg.gather [hbm4b:s2+s3], $0x80, v4, vm0, $0xb8;
	[tilespmem:$0x18080] =	vst v63  }
0x6c: {  	s9 =	rddreg [dreg:$0x18];
	v3 =	vadd.s32 v1, v3  }
0x6d: {  	[tilespmem:s9], [sflag:$0x1] =	stream.indirect_vreg.gather [hbm4b:s4+s3], $0x80, v4, vm0, $0xb8;
	[tilespmem:$0x18080] =	vst v63  }
0x6e: {  	s0 =	rddreg [dreg:$0x19]  }
0x6f: {  	[tilespmem:s0], [sflag:$0x1] =	stream.indirect_vreg.gather [hbm4b:s5+s3], $0x80, v4, vm0, $0xb8;
	[tilespmem:$0x18080] =	vst v63  }
0x70: {  	s9 =	rddreg [dreg:$0x1a]  }
0x71: {  	[tilespmem:s9], [sflag:$0x1] =	stream.indirect_vreg.gather [hbm4b:s2+s3], $0x80, v3, vm0, $0xb8;
	[tilespmem:$0x18080] =	vst v63  }
0x72: {  	s0 =	rddreg [dreg:$0x1b]  }
0x73: {  	[tilespmem:s0], [sflag:$0x1] =	stream.indirect_vreg.gather [hbm4b:s4+s3], $0x80, v3, vm0, $0xb8;
	[tilespmem:$0x18080] =	vst v63  }
0x74: {  	s9 =	rddreg [dreg:$0x1c]  }
0x75: {  	[tilespmem:s9], [sflag:$0x1] =	stream.indirect_vreg.gather [hbm4b:s5+s3], $0x80, v3, vm0, $0xb8;
	[tilespmem:$0x18080] =	vst v63  }
0x76: {  	v3 =	vld [tilespmem:$0x40];
	_ =	sdelay $0x4  }
0x77: {  	v60 =	vshrl.u32 v3, $0x3  }
0x78: {  	v4 =	vmul.u32 $0x30, v60  }
0x79: {  	v3 =	vand.u32 $0x7, v3  }
0x7a: {  	v3 =	vor.u32 v3, v4  }
0x7b: {  	v4 =	vperm.xlane v3, v0;
	_ =	sdelay $0x1  }
0x7c: {  	v4 =	vadd.s32 v1, v4;
	_ =	sdelay $0x3  }
0x7d: {  	s0 =	rddreg [dreg:$0x1d];
	v3 =	vperm.xlane v3, v2  }
0x7e: {  	[tilespmem:s0], [sflag:$0x1] =	stream.indirect_vreg.gather [hbm4b:s2+s3], $0x80, v4, vm0, $0xb8;
	[tilespmem:$0x18080] =	vst v63  }
0x7f: {  	s9 =	rddreg [dreg:$0x1e];
	v3 =	vadd.s32 v1, v3  }
0x80: {  	[tilespmem:s9], [sflag:$0x1] =	stream.indirect_vreg.gather [hbm4b:s4+s3], $0x80, v4, vm0, $0xb8;
	[tilespmem:$0x18080] =	vst v63  }
0x81: {  	s9 =	simm.s32 $0xD080  }
0x82: {  	[tilespmem:s9], [sflag:$0x1] =	stream.indirect_vreg.gather [hbm4b:s5+s3], $0x80, v4, vm0, $0xb8;
	[tilespmem:$0x18080] =	vst v63  }
0x83: {  	_ = 	snop  }
0x84: {  	[tilespmem:s10], [sflag:$0x1] =	stream.indirect_vreg.gather [hbm4b:s2+s3], $0x80, v3, vm0, $0xb8;
	[tilespmem:$0x18080] =	vst v63  }
0x85: {  	_ = 	snop  }
0x86: {  	[tilespmem:s11], [sflag:$0x1] =	stream.indirect_vreg.gather [hbm4b:s4+s3], $0x80, v3, vm0, $0xb8;
	[tilespmem:$0x18080] =	vst v63  }
0x87: {  	_ = 	snop  }
0x88: {  	[tilespmem:s12], [sflag:$0x1] =	stream.indirect_vreg.gather [hbm4b:s5+s3], $0x80, v3, vm0, $0xb8;
	[tilespmem:$0x18080] =	vst v63  }
0x89: {  	v3 =	vld [tilespmem:$0x50];
	_ =	sdelay $0x4  }
0x8a: {  	v61 =	vshrl.u32 v3, $0x3  }
0x8b: {  	v4 =	vmul.u32 $0x30, v61  }
0x8c: {  	v3 =	vand.u32 $0x7, v3  }
0x8d: {  	v3 =	vor.u32 v3, v4  }
0x8e: {  	v4 =	vperm.xlane v3, v0;
	_ =	sdelay $0x1  }
0x8f: {  	v4 =	vadd.s32 v1, v4;
	_ =	sdelay $0x3  }
0x90: {  	v3 =	vperm.xlane v3, v2  }
0x91: {  	[tilespmem:s13], [sflag:$0x1] =	stream.indirect_vreg.gather [hbm4b:s2+s3], $0x80, v4, vm0, $0xb8;
	[tilespmem:$0x18080] =	vst v63  }
0x92: {  	v3 =	vadd.s32 v1, v3  }
0x93: {  	[tilespmem:s14], [sflag:$0x1] =	stream.indirect_vreg.gather [hbm4b:s4+s3], $0x80, v4, vm0, $0xb8;
	[tilespmem:$0x18080] =	vst v63  }
0x94: {  	_ = 	snop  }
0x95: {  	[tilespmem:s15], [sflag:$0x1] =	stream.indirect_vreg.gather [hbm4b:s5+s3], $0x80, v4, vm0, $0xb8;
	[tilespmem:$0x18080] =	vst v63  }
0x96: {  	_ = 	snop  }
0x97: {  	[tilespmem:s16], [sflag:$0x1] =	stream.indirect_vreg.gather [hbm4b:s2+s3], $0x80, v3, vm0, $0xb8;
	[tilespmem:$0x18080] =	vst v63  }
0x98: {  	_ = 	snop  }
0x99: {  	[tilespmem:s17], [sflag:$0x1] =	stream.indirect_vreg.gather [hbm4b:s4+s3], $0x80, v3, vm0, $0xb8;
	[tilespmem:$0x18080] =	vst v63  }
0x9a: {  	_ = 	snop  }
0x9b: {  	[tilespmem:s18], [sflag:$0x1] =	stream.indirect_vreg.gather [hbm4b:s5+s3], $0x80, v3, vm0, $0xb8;
	[tilespmem:$0x18080] =	vst v63  }
0x9c: {  	v3 =	vld [tilespmem:$0x60];
	_ =	sdelay $0x4  }
0x9d: {  	v62 =	vshrl.u32 v3, $0x3  }
0x9e: {  	v4 =	vmul.u32 $0x30, v62  }
0x9f: {  	v3 =	vand.u32 $0x7, v3  }
0xa0: {  	v3 =	vor.u32 v3, v4  }
0xa1: {  	v4 =	vperm.xlane v3, v0;
	_ =	sdelay $0x1  }
0xa2: {  	v4 =	vadd.s32 v1, v4;
	_ =	sdelay $0x3  }
0xa3: {  	v3 =	vperm.xlane v3, v2  }
0xa4: {  	[tilespmem:s19], [sflag:$0x1] =	stream.indirect_vreg.gather [hbm4b:s2+s3], $0x80, v4, vm0, $0xb8;
	[tilespmem:$0x18080] =	vst v63  }
0xa5: {  	v3 =	vadd.s32 v1, v3  }
0xa6: {  	[tilespmem:s20], [sflag:$0x1] =	stream.indirect_vreg.gather [hbm4b:s4+s3], $0x80, v4, vm0, $0xb8;
	[tilespmem:$0x18080] =	vst v63  }
0xa7: {  	_ = 	snop  }
0xa8: {  	[tilespmem:s21], [sflag:$0x1] =	stream.indirect_vreg.gather [hbm4b:s5+s3], $0x80, v4, vm0, $0xb8;
	[tilespmem:$0x18080] =	vst v63  }
0xa9: {  	_ = 	snop  }
0xaa: {  	[tilespmem:s22], [sflag:$0x1] =	stream.indirect_vreg.gather [hbm4b:s2+s3], $0x80, v3, vm0, $0xb8;
	[tilespmem:$0x18080] =	vst v63  }
0xab: {  	_ = 	snop  }
0xac: {  	[tilespmem:s23], [sflag:$0x1] =	stream.indirect_vreg.gather [hbm4b:s4+s3], $0x80, v3, vm0, $0xb8;
	[tilespmem:$0x18080] =	vst v63  }
0xad: {  	_ = 	snop  }
0xae: {  	[tilespmem:s24], [sflag:$0x1] =	stream.indirect_vreg.gather [hbm4b:s5+s3], $0x80, v3, vm0, $0xb8;
	[tilespmem:$0x18080] =	vst v63  }
0xaf: {  	v3 =	vld [tilespmem:$0x70];
	_ =	sdelay $0x4  }
0xb0: {  	v63 =	vshrl.u32 v3, $0x3  }
0xb1: {  	v4 =	vmul.u32 $0x30, v63  }
0xb2: {  	v3 =	vand.u32 $0x7, v3  }
0xb3: {  	v3 =	vor.u32 v3, v4  }
0xb4: {  	v4 =	vperm.xlane v3, v0;
	_ =	sdelay $0x1  }
0xb5: {  	v4 =	vadd.s32 v1, v4;
	_ =	sdelay $0x3  }
0xb6: {  	v3 =	vperm.xlane v3, v2  }
0xb7: {  	[tilespmem:s25], [sflag:$0x1] =	stream.indirect_vreg.gather [hbm4b:s2+s3], $0x80, v4, vm0, $0xb8;
	[tilespmem:$0x18080] =	vst v63  }
0xb8: {  	v3 =	vadd.s32 v1, v3  }
0xb9: {  	[tilespmem:s26], [sflag:$0x1] =	stream.indirect_vreg.gather [hbm4b:s4+s3], $0x80, v4, vm0, $0xb8;
	[tilespmem:$0x18080] =	vst v63  }
0xba: {  	_ = 	snop  }
0xbb: {  	[tilespmem:s28], [sflag:$0x1] =	stream.indirect_vreg.gather [hbm4b:s5+s3], $0x80, v4, vm0, $0xb8;
	[tilespmem:$0x18080] =	vst v63  }
0xbc: {  	_ = 	snop  }
0xbd: {  	[tilespmem:s29], [sflag:$0x1] =	stream.indirect_vreg.gather [hbm4b:s2+s3], $0x80, v3, vm0, $0xb8;
	[tilespmem:$0x18080] =	vst v63  }
0xbe: {  	_ = 	snop  }
0xbf: {  	[tilespmem:s30], [sflag:$0x1] =	stream.indirect_vreg.gather [hbm4b:s4+s3], $0x80, v3, vm0, $0xb8;
	[tilespmem:$0x18080] =	vst v63  }
0xc0: {  	_ = 	snop  }
0xc1: {  	[tilespmem:s31], [sflag:$0x1] =	stream.indirect_vreg.gather [hbm4b:s5+s3], $0x80, v3, vm0, $0xb8;
	[tilespmem:$0x18080] =	vst v63  }
0xc2: {  	_ =	swait.ge [sflag:s1], $0x18000  }
0xc3: {  	p0 =	sne.s32 s6, $0x1;
	[sflag:s1] =	ssyncset.done $0x0  }
.Ltmp0:
0xc4: {  	s9 =	rddreg [dreg:$0x5];
	[sflag:s1] =	ssyncadd.s32 $0xFFFE8000;
	(pc) =	sbr.rel @p0 .LBB2_1-.Ltmp0, $4  }
0xc5: {  	[hbm4b:s9+s3] =	stream.linear.scatter [tilespmem:s8], [sflag:$0x2], $0x18000, $0x38;
	[tilespmem:$0x18080] =	vst v63  }
0xc6: {  	_ =	swait.ge [sflag:s7], $0x18000  }
0xc7: {  	[sflag:s7] =	ssyncset.done $0x0  }
0xc8: {  	s6 =	sadd.s32 $0xFFFFFFFF, s6;
	[sflag:s7] =	ssyncadd.s32 $0xFFFE8000  }
0xc9: {  	_ =	sfence.sel $0x180000  }
0xca: {  	[bflag:$0x0] =	sbarrier.arrive $0xFFFF  }
0xcb: {  	_ =	strace $0x9000004A  }
0xcc: {  	s0 =	stileid.u32;
	[bflag:$0x2] =	sbarrier.arrive $0xFFFF  }
0xcd: {  	p0 =	sne.s32 s0, $0x0;
	s0 =	rddreg [dreg:$0x3]  }
0xce: {  	s0 =	sadd.s32 @!p0 $0x100000, s0  }
0xcf: {  	[sflag:s0] =	ssyncadd.tile.s32 @!p0 $0x1;
	_ =	shalt  }
.Lfunc_end2:
_tile_overlayer_lowered:
.L_overlay_start_2:
0xd0: {  	(tag) =	ssettag $0x2  }
0xd1: {  	s0 =	rddreg [dreg:$0x0];
	s2 =	stileid.u32  }
0xd2: {  	s1 =	rddreg [dreg:$0x1];
	p0 =	sne.s32 s2, $0x0  }
0xd3: {  	s3 =	rddreg [dreg:$0x2];
	[bflag:$0x3] =	sbarrier.arrive $0xFFFF;
	s2 =	simm.s32 @!p0 $0x1C02  }
0xd4: {  	[timem:s3], [sflag:s2] =	dma.local @!p0 [hbm:s0], s1  }
0xd5: {  	s0 =	simm.s32 @!p0 $0x2  }
0xd6: {  	_ =	swait.ge @!p0 [sflag:s0], s1  }
0xd7: {  	s1 =	ssub.s32 @!p0 $0x0, s1;
	[sflag:s0] =	ssyncset.done @!p0 $0x0  }
0xd8: {  	[sflag:s0] =	ssyncadd.s32 @!p0 s1  }
0xd9: {  	[bflag:$0x3] =	sbarrier.arrive $0xFFFF  }
0xda: {  	_ =	shalt  }

// kernel: kernel.13.cloned.1.call-start
scs
__scs_entry_jumppad:
0x0: {  	(pc) =	sbr.rel $0x88, $3  }
0x1: {  	(tag) =	ssettag $0x0;
	lr =	simm.s32 $0x1  }
0x2: {  	[smem:$0x3F9A] =	sst lr;
	_ =	strace $0xD0000000  }
0x3: {  	_ = 	snop  }
0x4: {  	_ = 	snop  }
0x5: {  	_ = 	snop  }
0x6: {  	_ = 	snop  }
0x7: {  	_ = 	snop  }
__scs_overlays_trampoline_lowered:
0x8: {  	[smem:$0x3FA9] =	sst s0  }
0x9: {  	[smem:$0x3FAA] =	sst s1  }
0xa: {  	[smem:$0x3FAB] =	sst s2  }
0xb: {  	[smem:$0x3FAC] =	sst s3  }
0xc: {  	[smem:$0x3FAD] =	sst s4  }
0xd: {  	[smem:$0x3FAE] =	sst s5  }
0xe: {  	[smem:$0x3FAF] =	sst s6  }
0xf: {  	[smem:$0x3FB0] =	sst s7  }
0x10: {  	[smem:$0x3FB1] =	sst s8  }
0x11: {  	[smem:$0x3FB2] =	sst s9;
	s0 =	simm.s32 @!p0 $0x0  }
0x12: {  	s1 =	sld [smem:$0x3F98];
	s0 =	simm.s32 @p0 $0x1  }
0x13: {  	[smem:$0x3FB3] =	sst s0;
	s0 =	simm.s32 @!p1 $0x0  }
0x14: {  	s2 =	sld [smem:$0x3F97];
	s0 =	simm.s32 @p1 $0x1  }
0x15: {  	[smem:$0x3FB4] =	sst s0;
	s0 =	simm.s32 @!p2 $0x0  }
0x16: {  	s3 =	sld [smem:$0x3FDB];
	s0 =	simm.s32 @p2 $0x1  }
0x17: {  	s4 =	simm.s32 $0x1BF5;
	[smem:$0x3FB6] =	sst s0  }
0x18: {  	s0 =	sld [smem:$0x3F99];
	_ =	swait.ge [sflag:s4], $0x0  }
0x19: {  	s7 =	sld [smem:$0x3F9A]  }
0x1a: {  	s8 =	sadd.s32 $0xFFFFE003, lr  }
0x1b: {  	s9 =	sadd.s32 $0xFFFFFEF7, lr;
	s5 =	simm.s32 $0xFFFFFFFF;
	p2 =	slt.u32 s8, $0xFFFFF086  }
0x1c: {  	p1 =	slt.u32 s9, $0xF7A;
	s5 =	simm.s32 @!p2 $0x0  }
0x1d: {  	s5 =	simm.s32 @p1 $0x1;
	p0 =	seq.s32 s7, s2  }
0x1e: {  	s7 =	smul.u32 @!p0 $0xF7A, s2;
	p2 =	seq.s32 @!p0 s5, $0x0  }
0x1f: {  	s9 =	smul.u32 $0xF7A, s1;
	s8 =	simm.s32 @!p0 $0x1BF5;
	p2 =	por !p2, p0  }
0x20: {  	[sflag:s8] =	ssyncset.s32 @!p0 $0xFFFFF086;
	s6 =	sadd.s32 @!p0 s3, s7;
	s7 =	simm.s32 @!p0 $0x108  }
0x21: {  	s3 =	sadd.s32 s3, s9;
	s6 =	sadd.s32 @!p0 $0x88, s6;
	s7 =	simm.s32 @p2 $0x1082  }
0x22: {  	[simem:s7], [sflag:s8] =	dma.local @!p0 [hbm:s6], $0xF7A  }
0x23: {  	s9 =	sor.u32 $0xD0000000, s2;
	s6 =	simm.s32 $0x108;
	_ =	swait.ge @!p0 [sflag:s8], $0x0  }
0x24: {  	s3 =	sadd.s32 $0x88, s3;
	s6 =	simm.s32 @!p1 $0x1082;
	[sflag:s4] =	ssyncset.s32 $0xFFFFF086  }
0x25: {  	[simem:s6], [sflag:s4] =	dma.local [hbm:s3], $0xF7A  }
0x26: {  	[smem:$0x3F9A] =	sst s1;
	(tag) =	ssettag s2;
	_ =	strace s9  }
0x27: {  	s1 =	sld [smem:$0x3FAA]  }
0x28: {  	s2 =	sld [smem:$0x3FAB]  }
0x29: {  	s4 =	sld [smem:$0x3FAD]  }
0x2a: {  	p0 =	seq.s32 s5, $0x0;
	s5 =	sld [smem:$0x3FAE]  }
0x2b: {  	s6 =	sld [smem:$0x3FAF]  }
0x2c: {  	s7 =	sld [smem:$0x3FB0]  }
0x2d: {  	s3 =	simm.s32 $0x108;
	s8 =	sld [smem:$0x3FB1]  }
0x2e: {  	s3 =	simm.s32 @!p0 $0x1082;
	s9 =	sld [smem:$0x3FB2]  }
0x2f: {  	lr =	sadd.s32 s0, s3;
	s0 =	sld [smem:$0x3FA9]  }
0x30: {  	s3 =	sld [smem:$0x3FAC]  }
0x31: {  	[smem:$0x3FB5] =	sst s10  }
0x32: {  	s10 =	sld [smem:$0x3FB3];
	_ =	sdelay $0x3  }
0x33: {  	p0 =	seq.s32 s10, $0x1;
	s10 =	sld [smem:$0x3FB5];
	_ =	sdelay $0x3  }
0x34: {  	[smem:$0x3FB5] =	sst s10  }
0x35: {  	s10 =	sld [smem:$0x3FB4];
	_ =	sdelay $0x3  }
0x36: {  	p1 =	seq.s32 s10, $0x1;
	s10 =	sld [smem:$0x3FB5];
	_ =	sdelay $0x3  }
0x37: {  	[smem:$0x3FB5] =	sst s10  }
0x38: {  	s10 =	sld [smem:$0x3FB6]  }
0x39: {  	_ = 	snop;
	(pc) =	sbr.ind lr, $3  }
0x3a: {  	_ = 	snop  }
0x3b: {  	_ = 	snop  }
0x3c: {  	p2 =	seq.s32 s10, $0x1;
	s10 =	sld [smem:$0x3FB5]  }
0x3d: {  	_ =	shalt  }
0x3e: {  	_ =	shalt  }
0x3f: {  	_ =	shalt  }
0x40: {  	_ =	shalt  }
0x41: {  	_ =	shalt  }
0x42: {  	_ =	shalt  }
0x43: {  	_ =	shalt  }
0x44: {  	_ =	shalt  }
0x45: {  	_ =	shalt  }
0x46: {  	_ =	shalt  }
0x47: {  	_ =	shalt  }
0x48: {  	_ =	shalt  }
0x49: {  	_ =	shalt  }
0x4a: {  	_ =	shalt  }
0x4b: {  	_ =	shalt  }
0x4c: {  	_ =	shalt  }
0x4d: {  	_ =	shalt  }
0x4e: {  	_ =	shalt  }
0x4f: {  	_ =	shalt  }
0x50: {  	_ =	shalt  }
0x51: {  	_ =	shalt  }
0x52: {  	_ =	shalt  }
0x53: {  	_ =	shalt  }
0x54: {  	_ =	shalt  }
0x55: {  	_ =	shalt  }
0x56: {  	_ =	shalt  }
0x57: {  	_ =	shalt  }
0x58: {  	_ =	shalt  }
0x59: {  	_ =	shalt  }
0x5a: {  	_ =	shalt  }
0x5b: {  	_ =	shalt  }
0x5c: {  	_ =	shalt  }
0x5d: {  	_ =	shalt  }
0x5e: {  	_ =	shalt  }
0x5f: {  	_ =	shalt  }
0x60: {  	_ =	shalt  }
0x61: {  	_ =	shalt  }
0x62: {  	_ =	shalt  }
0x63: {  	_ =	shalt  }
0x64: {  	_ =	shalt  }
0x65: {  	_ =	shalt  }
0x66: {  	_ =	shalt  }
0x67: {  	_ =	shalt  }
0x68: {  	_ =	shalt  }
0x69: {  	_ =	shalt  }
0x6a: {  	_ =	shalt  }
0x6b: {  	_ =	shalt  }
0x6c: {  	_ =	shalt  }
0x6d: {  	_ =	shalt  }
0x6e: {  	_ =	shalt  }
0x6f: {  	_ =	shalt  }
0x70: {  	_ =	shalt  }
0x71: {  	_ =	shalt  }
0x72: {  	_ =	shalt  }
0x73: {  	_ =	shalt  }
0x74: {  	_ =	shalt  }
0x75: {  	_ =	shalt  }
0x76: {  	_ =	shalt  }
0x77: {  	_ =	shalt  }
0x78: {  	_ =	shalt  }
0x79: {  	_ =	shalt  }
0x7a: {  	_ =	shalt  }
0x7b: {  	_ =	shalt  }
0x7c: {  	_ =	shalt  }
0x7d: {  	_ =	shalt  }
0x7e: {  	_ =	shalt  }
0x7f: {  	_ =	shalt  }
0x80: {  	_ =	shalt  }
0x81: {  	_ =	shalt  }
0x82: {  	_ =	shalt  }
0x83: {  	_ =	shalt  }
0x84: {  	_ =	shalt  }
0x85: {  	_ =	shalt  }
0x86: {  	_ =	shalt  }
0x87: {  	_ =	shalt  }
.Lfunc_end0:
.L_simem_size_0:
called_computation.2_lowered:
.L_overlay_start_0:
0x88: {  	s2 =	sld [smem:$0x3FD9]  }
0x89: {  	s3 =	sld [smem:$0x3FFE];
	_ =	sdelay $0x1  }
0x8a: {  	s1 =	srdreg.scid  }
0x8b: {  	s0 =	sand.u32 $0x1, s1  }
0x8c: {  	s14 =	sshll.u32 s0, $0xA;
	s2 =	sadd.s32 s3, s2  }
0x8d: {  	s2 =	sadd.s32 s2, s14  }
0x8e: {  	[smem:$0x3FC1] =	sst s2  }
0x8f: {  	_ = 	snop  }
0x90: {  	s2 =	sld [smem:$0x3FD0];
	_ =	sdelay $0x2  }
0x91: {  	s15 =	simm.s32 $0xA;
	s4 =	simm.s32 $0x10  }
0x92: {  	[smem:s4], [sflag:s15] =	dma.local [hbm:s2], $0x1  }
0x93: {  	_ =	swait.eq [sflag:s15], $0x1  }
0x94: {  	[sflag:s15] =	ssyncset.done $0x0  }
0x95: {  	[sflag:s15] =	ssyncadd.s32 $0xFFFFFFFF  }
0x96: {  	s16 =	sld [smem:$0x10];
	(tm) =	ssettm $0x1  }
0x97: {  	s17 =	sld [smem:$0x3FFB];
	_ =	sdelay $0x3  }
0x98: {  	_ =	strace s17  }
0x99: {  	s3 =	sld [smem:$0x3FFC];
	_ =	sdelay $0x3  }
0x9a: {  	_ =	strace s3  }
0x9b: {  	s3 =	sld [smem:$0x3FFD];
	_ =	sdelay $0x3  }
0x9c: {  	_ =	strace s3  }
0x9d: {  	_ =	strace $0x8FFFFFFF  }
0x9e: {  	s18 =	sld [smem:$0x3FDB];
	_ =	sdelay $0x1  }
0x9f: {  	s19 =	simm.s32 $_scs_section_size  }
0xa0: {  	s5 =	simm.s32 $_size__tile_overlayer_lowered;
	s6 =	simm.s32 $_tile_overlayer_lowered  }
0xa1: {  	s22 =	simm.s32 $0x1BFF;
	s21 =	sshll.u32 s6, $0x1;
	s3 =	sadd.s32 s19, s18  }
0xa2: {  	s7 =	simm.s32 $0x0;
	s20 =	sshll.u32 s5, $0x1;
	s5 =	sadd.s32 s21, s3  }
0xa3: {  	[timem:s7], [sflag:s22] =	dma.local [hbm:s5], s20  }
0xa4: {  	_ =	swait.ge [sflag:s22], s20  }
0xa5: {  	s4 =	ssub.s32 $0x0, s20;
	[sflag:s22] =	ssyncset.done $0x0  }
0xa6: {  	[sflag:s22] =	ssyncadd.s32 s4;
	_ =	sdelay $0x1  }
0xa7: {  	s23 =	simm.s32 $0x1B8B  }
0xa8: {  	_ =	swait.ge [sflag:s23], $0x1  }
0xa9: {  	[sflag:s23] =	ssyncset.done $0x0  }
0xaa: {  	s25 =	simm.s32 $0x1B8E;
	s24 =	sld [smem:$0x3FFE];
	[sflag:s23] =	ssyncadd.s32 $0xFFFFFFFF  }
0xab: {  	s26 =	simm.s32 $execute0_lowered;
	[smem:$0x3FD2] =	sst s25  }
0xac: {  	s5 =	sshll.u32 s26, $0x1;
	_ =	strace $0x8000004C;
	[dreg:$0x1] =	wrdreg $0xFFFFFFFF  }
0xad: {  	s28 =	simm.s32 $_size_execute0_lowered;
	s3 =	sadd.s32 s3, s5;
	[dreg:$0x0] =	wrdreg $0x0  }
0xae: {  	s5 =	sshll.u32 s28, $0x1;
	[dreg:$0x2] =	wrdreg s3  }
0xaf: {  	[dreg:$0x3] =	wrdreg s5  }
0xb0: {  	[dreg:$0x4] =	wrdreg $0xC0  }
0xb1: {  	_ =	task [dreg:s7], $0x5FFFF  }
0xb2: {  	[dreg:$0x1] =	wrdreg $0xFFFFFFFF  }
0xb3: {  	[dreg:$0x0] =	wrdreg $0x60  }
0xb4: {  	[dreg:$0x2] =	wrdreg s24  }
0xb5: {  	[dreg:$0x3] =	wrdreg s16  }
0xb6: {  	[dreg:$0x4] =	wrdreg $0x9  }
0xb7: {  	_ =	task.clear_ibuf [dreg:s7], $0x5FFFF;
	_ =	strace $0x9000004C  }
0xb8: {  	s29 =	simm.s32 $0x9;
	_ =	strace $0x8000004E  }
0xb9: {  	_ =	swait.ge [sflag:s29], $0x1  }
0xba: {  	[sflag:s29] =	ssyncadd.s32 $0xFFFFFFFF  }
0xbb: {  	_ =	strace $0x9000004E  }
0xbc: {  	_ =	sfence  }
0xbd: {  	s30 =	sld [smem:$0x0];
	_ =	sdelay $0x2  }
0xbe: {  	s31 =	sshll.u32 s1, $0xD;
	s1 =	sshrl.u32 s1, $0x2  }
0xbf: {  	s3 =	sand.u32 $0x4000, s31;
	s1 =	sadd.s32 s1, s30  }
0xc0: {  	s0 =	sor.u32 s3, s0;
	s1 =	sshll.u32 s1, $0x11  }
0xc1: {  	s0 =	sor.u32 s1, s0  }
0xc2: {  	s0 =	sadd.s32 $0x8F2B, s0  }
0xc3: {  	[sflag:s0] =	ssyncadd.remote.s32 $0x1  }
0xc4: {  	_ =	sfence.sel $0xFFFF  }
0xc5: {  	[dreg:$0x0] =	wrdreg $0xFFFFFFFF;
	(pc) =	sbr.abs _section_cstart, $3  }
0xc6: {  	[dreg:$0x1] =	wrdreg $0xFFFFFFFF  }
0xc7: {  	_ =	task.clear_ibuf [dreg:s7], $0x2FFFF;
	_ =	strace $0x9FFFFFFF  }
0xc8: {  	(tm) =	ssettm $0x7FFFFFFF  }
0xc9: {  	_ =	shalt  }
tec
execute0_lowered:
.L_overlay_start_1:
0x0: {  	(tag) =	ssettag $0x1  }
0x1: {  	s0 =	rddreg [dreg:$0x0]  }
0x2: {  	s1 =	rddreg [dreg:$0x1];
	s3 =	srdreg.scid;
	s2 =	simm.s32 $0x0  }
0x3: {  	s4 =	stileid.u32;
	s10 =	simm.s32 $0x3;
	s12 =	simm.s32 $0x100  }
0x4: {  	s28 =	simm.s32 $0x12100;
	s29 =	simm.s32 $0x12900;
	s30 =	simm.s32 $0x13100  }
0x5: {  	s31 =	simm.s32 $0x13900;
	s11 =	simm.s32 $0x15100;
	s13 =	simm.s32 $0x15900  }
0x6: {  	s14 =	simm.s32 $0x16100;
	s15 =	simm.s32 $0x16900;
	s16 =	simm.s32 $0x17100  }
0x7: {  	s17 =	simm.s32 $0x17900;
	s18 =	simm.s32 $0x1;
	s19 =	simm.s32 $0x2  }
0x8: {  	s20 =	simm.s32 $0x0;
	s3 =	sand.u32 $0x1, s3;
	[smem:$0x7FF] =	sst s2  }
0x9: {  	s4 =	sshll.u32 s4, $0x4;
	s7 =	sadd.s32 $0x600, s0;
	s5 =	sshll.u32 s3, $0x3  }
0xa: {  	_ =	strace $0x8000004D;
	s6 =	ssub.s32 $0x2, s3;
	s4 =	sor.u32 s5, s4  }
0xb: {  	s26 =	sshrl.u32 s6, $0x1;
	s3 =	sadd.s32 s0, s4;
	s8 =	smul.u32 $0x300, s4  }
0xc: {  	v2 =	vlaneseq.u32;
	s4 =	sadd.s32 $0x400, s0;
	s9 =	ssub.s32 s6, s26;
	s6 =	sadd.s32 $0x500, s0  }
0xd: {  	vm0 =	vmmov $0xffff;
	v1 =	vshrl.u32 v2, $0x3;
	s26 =	simm.s32 $0x11900;
	s0 =	simm.s32 $0x14100;
	s5 =	sadd.s32 $0x200, s3  }
0xe: {  	v0 =	vand.u32 $0x7, v2;
	v2 =	vor.u32 $0x8, v2;
	v1 =	vmul.u32 $0x8, v1;
	s9 =	smax.u32 s9, $0x1;
	s8 =	sadd.s32 s1, s8;
	s1 =	simm.s32 $0x14900  }
.LBB2_1:
0xf: {  	[tilespmem:s2], [sflag:$0x3] =	stream.linear.gather [hbm4b:s3+s2], $0x40, $0x38;
	[tilespmem:$0x18100] =	vst v63  }
0x10: {  	_ =	swait.ge [sflag:s10], $0x40  }
0x11: {  	[sflag:s10] =	ssyncset.done $0x0  }
0x12: {  	s21 =	simm.s32 $0x80;
	[sflag:s10] =	ssyncadd.s32 $0xFFFFFFC0  }
0x13: {  	[tilespmem:s21], [sflag:$0x3] =	stream.linear.gather [hbm4b:s5+s2], $0x40, $0x38;
	[tilespmem:$0x18100] =	vst v63  }
0x14: {  	_ =	swait.ge [sflag:s10], $0x40  }
0x15: {  	[sflag:s10] =	ssyncset.done $0x0  }
0x16: {  	[sflag:s10] =	ssyncadd.s32 $0xFFFFFFC0  }
0x17: {  	v3 =	vld [tilespmem:$0x0];
	_ =	sdelay $0x4  }
0x18: {  	v4 =	vshrl.u32 v3, $0x3  }
0x19: {  	v4 =	vmul.u32 $0x30, v4  }
0x1a: {  	v3 =	vand.u32 $0x7, v3  }
0x1b: {  	v3 =	vor.u32 v3, v4  }
0x1c: {  	v4 =	vperm.xlane v3, v0;
	_ =	sdelay $0x1  }
0x1d: {  	v4 =	vadd.s32 v1, v4;
	_ =	sdelay $0x3  }
0x1e: {  	v3 =	vperm.xlane v3, v2  }
0x1f: {  	[tilespmem:s12], [sflag:$0x1] =	stream.indirect_vreg.gather [hbm4b:s4+s2], $0x80, v4, vm0, $0xb8;
	[tilespmem:$0x18100] =	vst v63  }
0x20: {  	s23 =	simm.s32 $0x900;
	v3 =	vadd.s32 v1, v3  }
0x21: {  	[tilespmem:s23], [sflag:$0x1] =	stream.indirect_vreg.gather [hbm4b:s6+s2], $0x80, v4, vm0, $0xb8;
	[tilespmem:$0x18100] =	vst v63  }
0x22: {  	s24 =	simm.s32 $0x1100  }
0x23: {  	[tilespmem:s24], [sflag:$0x1] =	stream.indirect_vreg.gather [hbm4b:s7+s2], $0x80, v4, vm0, $0xb8;
	[tilespmem:$0x18100] =	vst v63  }
0x24: {  	s25 =	simm.s32 $0x1900  }
0x25: {  	[tilespmem:s25], [sflag:$0x1] =	stream.indirect_vreg.gather [hbm4b:s4+s2], $0x80, v3, vm0, $0xb8;
	[tilespmem:$0x18100] =	vst v63  }
0x26: {  	s22 =	simm.s32 $0x2100  }
0x27: {  	[tilespmem:s22], [sflag:$0x1] =	stream.indirect_vreg.gather [hbm4b:s6+s2], $0x80, v3, vm0, $0xb8;
	[tilespmem:$0x18100] =	vst v63  }
0x28: {  	s23 =	simm.s32 $0x2900  }
0x29: {  	[tilespmem:s23], [sflag:$0x1] =	stream.indirect_vreg.gather [hbm4b:s7+s2], $0x80, v3, vm0, $0xb8;
	[tilespmem:$0x18100] =	vst v63  }
0x2a: {  	v3 =	vld [tilespmem:$0x10];
	_ =	sdelay $0x4  }
0x2b: {  	v4 =	vshrl.u32 v3, $0x3  }
0x2c: {  	v4 =	vmul.u32 $0x30, v4  }
0x2d: {  	v3 =	vand.u32 $0x7, v3  }
0x2e: {  	v3 =	vor.u32 v3, v4  }
0x2f: {  	v4 =	vperm.xlane v3, v0;
	_ =	sdelay $0x1  }
0x30: {  	v4 =	vadd.s32 v1, v4;
	_ =	sdelay $0x3  }
0x31: {  	s24 =	simm.s32 $0x3100;
	v3 =	vperm.xlane v3, v2  }
0x32: {  	[tilespmem:s24], [sflag:$0x1] =	stream.indirect_vreg.gather [hbm4b:s4+s2], $0x80, v4, vm0, $0xb8;
	[tilespmem:$0x18100] =	vst v63  }
0x33: {  	s25 =	simm.s32 $0x3900;
	v3 =	vadd.s32 v1, v3  }
0x34: {  	[tilespmem:s25], [sflag:$0x1] =	stream.indirect_vreg.gather [hbm4b:s6+s2], $0x80, v4, vm0, $0xb8;
	[tilespmem:$0x18100] =	vst v63  }
0x35: {  	s22 =	simm.s32 $0x4100  }
0x36: {  	[tilespmem:s22], [sflag:$0x1] =	stream.indirect_vreg.gather [hbm4b:s7+s2], $0x80, v4, vm0, $0xb8;
	[tilespmem:$0x18100] =	vst v63  }
0x37: {  	s23 =	simm.s32 $0x4900  }
0x38: {  	[tilespmem:s23], [sflag:$0x1] =	stream.indirect_vreg.gather [hbm4b:s4+s2], $0x80, v3, vm0, $0xb8;
	[tilespmem:$0x18100] =	vst v63  }
0x39: {  	s24 =	simm.s32 $0x5100  }
0x3a: {  	[tilespmem:s24], [sflag:$0x1] =	stream.indirect_vreg.gather [hbm4b:s6+s2], $0x80, v3, vm0, $0xb8;
	[tilespmem:$0x18100] =	vst v63  }
0x3b: {  	s25 =	simm.s32 $0x5900  }
0x3c: {  	[tilespmem:s25], [sflag:$0x1] =	stream.indirect_vreg.gather [hbm4b:s7+s2], $0x80, v3, vm0, $0xb8;
	[tilespmem:$0x18100] =	vst v63  }
0x3d: {  	v3 =	vld [tilespmem:$0x20];
	_ =	sdelay $0x4  }
0x3e: {  	v4 =	vshrl.u32 v3, $0x3  }
0x3f: {  	v4 =	vmul.u32 $0x30, v4  }
0x40: {  	v3 =	vand.u32 $0x7, v3  }
0x41: {  	v3 =	vor.u32 v3, v4  }
0x42: {  	v4 =	vperm.xlane v3, v0;
	_ =	sdelay $0x1  }
0x43: {  	v4 =	vadd.s32 v1, v4;
	_ =	sdelay $0x3  }
0x44: {  	s22 =	simm.s32 $0x6100;
	v3 =	vperm.xlane v3, v2  }
0x45: {  	[tilespmem:s22], [sflag:$0x1] =	stream.indirect_vreg.gather [hbm4b:s4+s2], $0x80, v4, vm0, $0xb8;
	[tilespmem:$0x18100] =	vst v63  }
0x46: {  	s23 =	simm.s32 $0x6900;
	v3 =	vadd.s32 v1, v3  }
0x47: {  	[tilespmem:s23], [sflag:$0x1] =	stream.indirect_vreg.gather [hbm4b:s6+s2], $0x80, v4, vm0, $0xb8;
	[tilespmem:$0x18100] =	vst v63  }
0x48: {  	s24 =	simm.s32 $0x7100  }
0x49: {  	[tilespmem:s24], [sflag:$0x1] =	stream.indirect_vreg.gather [hbm4b:s7+s2], $0x80, v4, vm0, $0xb8;
	[tilespmem:$0x18100] =	vst v63  }
0x4a: {  	s25 =	simm.s32 $0x7900  }
0x4b: {  	[tilespmem:s25], [sflag:$0x1] =	stream.indirect_vreg.gather [hbm4b:s4+s2], $0x80, v3, vm0, $0xb8;
	[tilespmem:$0x18100] =	vst v63  }
0x4c: {  	s22 =	simm.s32 $0x8100  }
0x4d: {  	[tilespmem:s22], [sflag:$0x1] =	stream.indirect_vreg.gather [hbm4b:s6+s2], $0x80, v3, vm0, $0xb8;
	[tilespmem:$0x18100] =	vst v63  }
0x4e: {  	s23 =	simm.s32 $0x8900  }
0x4f: {  	[tilespmem:s23], [sflag:$0x1] =	stream.indirect_vreg.gather [hbm4b:s7+s2], $0x80, v3, vm0, $0xb8;
	[tilespmem:$0x18100] =	vst v63  }
0x50: {  	v3 =	vld [tilespmem:$0x30];
	_ =	sdelay $0x4  }
0x51: {  	v4 =	vshrl.u32 v3, $0x3  }
0x52: {  	v4 =	vmul.u32 $0x30, v4  }
0x53: {  	v3 =	vand.u32 $0x7, v3  }
0x54: {  	v3 =	vor.u32 v3, v4  }
0x55: {  	v4 =	vperm.xlane v3, v0;
	_ =	sdelay $0x1  }
0x56: {  	v4 =	vadd.s32 v1, v4;
	_ =	sdelay $0x3  }
0x57: {  	s24 =	simm.s32 $0x9100;
	v3 =	vperm.xlane v3, v2  }
0x58: {  	[tilespmem:s24], [sflag:$0x1] =	stream.indirect_vreg.gather [hbm4b:s4+s2], $0x80, v4, vm0, $0xb8;
	[tilespmem:$0x18100] =	vst v63  }
0x59: {  	s25 =	simm.s32 $0x9900;
	v3 =	vadd.s32 v1, v3  }
0x5a: {  	[tilespmem:s25], [sflag:$0x1] =	stream.indirect_vreg.gather [hbm4b:s6+s2], $0x80, v4, vm0, $0xb8;
	[tilespmem:$0x18100] =	vst v63  }
0x5b: {  	s22 =	simm.s32 $0xA100  }
0x5c: {  	[tilespmem:s22], [sflag:$0x1] =	stream.indirect_vreg.gather [hbm4b:s7+s2], $0x80, v4, vm0, $0xb8;
	[tilespmem:$0x18100] =	vst v63  }
0x5d: {  	s23 =	simm.s32 $0xA900  }
0x5e: {  	[tilespmem:s23], [sflag:$0x1] =	stream.indirect_vreg.gather [hbm4b:s4+s2], $0x80, v3, vm0, $0xb8;
	[tilespmem:$0x18100] =	vst v63  }
0x5f: {  	s24 =	simm.s32 $0xB100  }
0x60: {  	[tilespmem:s24], [sflag:$0x1] =	stream.indirect_vreg.gather [hbm4b:s6+s2], $0x80, v3, vm0, $0xb8;
	[tilespmem:$0x18100] =	vst v63  }
0x61: {  	s25 =	simm.s32 $0xB900  }
0x62: {  	[tilespmem:s25], [sflag:$0x1] =	stream.indirect_vreg.gather [hbm4b:s7+s2], $0x80, v3, vm0, $0xb8;
	[tilespmem:$0x18100] =	vst v63  }
0x63: {  	v3 =	vld [tilespmem:$0x80];
	_ =	sdelay $0x4  }
0x64: {  	v4 =	vshrl.u32 v3, $0x3  }
0x65: {  	v4 =	vmul.u32 $0x30, v4  }
0x66: {  	v3 =	vand.u32 $0x7, v3  }
0x67: {  	v3 =	vor.u32 v3, v4  }
0x68: {  	v4 =	vperm.xlane v3, v0;
	_ =	sdelay $0x1  }
0x69: {  	v4 =	vadd.s32 v1, v4;
	_ =	sdelay $0x3  }
0x6a: {  	s22 =	simm.s32 $0xC100;
	v3 =	vperm.xlane v3, v2  }
0x6b: {  	[tilespmem:s22], [sflag:$0x2] =	stream.indirect_vreg.gather [hbm4b:s4+s2], $0x80, v4, vm0, $0xb8;
	[tilespmem:$0x18100] =	vst v63  }
0x6c: {  	s23 =	simm.s32 $0xC900;
	v3 =	vadd.s32 v1, v3  }
0x6d: {  	[tilespmem:s23], [sflag:$0x2] =	stream.indirect_vreg.gather [hbm4b:s6+s2], $0x80, v4, vm0, $0xb8;
	[tilespmem:$0x18100] =	vst v63  }
0x6e: {  	s24 =	simm.s32 $0xD100  }
0x6f: {  	[tilespmem:s24], [sflag:$0x2] =	stream.indirect_vreg.gather [hbm4b:s7+s2], $0x80, v4, vm0, $0xb8;
	[tilespmem:$0x18100] =	vst v63  }
0x70: {  	s25 =	simm.s32 $0xD900  }
0x71: {  	[tilespmem:s25], [sflag:$0x2] =	stream.indirect_vreg.gather [hbm4b:s4+s2], $0x80, v3, vm0, $0xb8;
	[tilespmem:$0x18100] =	vst v63  }
0x72: {  	s22 =	simm.s32 $0xE100  }
0x73: {  	[tilespmem:s22], [sflag:$0x2] =	stream.indirect_vreg.gather [hbm4b:s6+s2], $0x80, v3, vm0, $0xb8;
	[tilespmem:$0x18100] =	vst v63  }
0x74: {  	s23 =	simm.s32 $0xE900  }
0x75: {  	[tilespmem:s23], [sflag:$0x2] =	stream.indirect_vreg.gather [hbm4b:s7+s2], $0x80, v3, vm0, $0xb8;
	[tilespmem:$0x18100] =	vst v63  }
0x76: {  	v3 =	vld [tilespmem:$0x90];
	_ =	sdelay $0x4  }
0x77: {  	v4 =	vshrl.u32 v3, $0x3  }
0x78: {  	v4 =	vmul.u32 $0x30, v4  }
0x79: {  	v3 =	vand.u32 $0x7, v3  }
0x7a: {  	v3 =	vor.u32 v3, v4  }
0x7b: {  	v4 =	vperm.xlane v3, v0;
	_ =	sdelay $0x1  }
0x7c: {  	v4 =	vadd.s32 v1, v4;
	_ =	sdelay $0x3  }
0x7d: {  	s24 =	simm.s32 $0xF100;
	v3 =	vperm.xlane v3, v2  }
0x7e: {  	[tilespmem:s24], [sflag:$0x2] =	stream.indirect_vreg.gather [hbm4b:s4+s2], $0x80, v4, vm0, $0xb8;
	[tilespmem:$0x18100] =	vst v63  }
0x7f: {  	s25 =	simm.s32 $0xF900;
	v3 =	vadd.s32 v1, v3  }
0x80: {  	[tilespmem:s25], [sflag:$0x2] =	stream.indirect_vreg.gather [hbm4b:s6+s2], $0x80, v4, vm0, $0xb8;
	[tilespmem:$0x18100] =	vst v63  }
0x81: {  	s22 =	simm.s32 $0x10100  }
0x82: {  	[tilespmem:s22], [sflag:$0x2] =	stream.indirect_vreg.gather [hbm4b:s7+s2], $0x80, v4, vm0, $0xb8;
	[tilespmem:$0x18100] =	vst v63  }
0x83: {  	s23 =	simm.s32 $0x10900  }
0x84: {  	[tilespmem:s23], [sflag:$0x2] =	stream.indirect_vreg.gather [hbm4b:s4+s2], $0x80, v3, vm0, $0xb8;
	[tilespmem:$0x18100] =	vst v63  }
0x85: {  	s24 =	simm.s32 $0x11100  }
0x86: {  	[tilespmem:s24], [sflag:$0x2] =	stream.indirect_vreg.gather [hbm4b:s6+s2], $0x80, v3, vm0, $0xb8;
	[tilespmem:$0x18100] =	vst v63  }
0x87: {  	_ = 	snop  }
0x88: {  	[tilespmem:s26], [sflag:$0x2] =	stream.indirect_vreg.gather [hbm4b:s7+s2], $0x80, v3, vm0, $0xb8;
	[tilespmem:$0x18100] =	vst v63  }
0x89: {  	v3 =	vld [tilespmem:$0xA0];
	_ =	sdelay $0x4  }
0x8a: {  	v4 =	vshrl.u32 v3, $0x3  }
0x8b: {  	v4 =	vmul.u32 $0x30, v4  }
0x8c: {  	v3 =	vand.u32 $0x7, v3  }
0x8d: {  	v3 =	vor.u32 v3, v4  }
0x8e: {  	v4 =	vperm.xlane v3, v0;
	_ =	sdelay $0x1  }
0x8f: {  	v4 =	vadd.s32 v1, v4;
	_ =	sdelay $0x3  }
0x90: {  	v3 =	vperm.xlane v3, v2  }
0x91: {  	[tilespmem:s28], [sflag:$0x2] =	stream.indirect_vreg.gather [hbm4b:s4+s2], $0x80, v4, vm0, $0xb8;
	[tilespmem:$0x18100] =	vst v63  }
0x92: {  	v3 =	vadd.s32 v1, v3  }
0x93: {  	[tilespmem:s29], [sflag:$0x2] =	stream.indirect_vreg.gather [hbm4b:s6+s2], $0x80, v4, vm0, $0xb8;
	[tilespmem:$0x18100] =	vst v63  }
0x94: {  	_ = 	snop  }
0x95: {  	[tilespmem:s30], [sflag:$0x2] =	stream.indirect_vreg.gather [hbm4b:s7+s2], $0x80, v4, vm0, $0xb8;
	[tilespmem:$0x18100] =	vst v63  }
0x96: {  	_ = 	snop  }
0x97: {  	[tilespmem:s31], [sflag:$0x2] =	stream.indirect_vreg.gather [hbm4b:s4+s2], $0x80, v3, vm0, $0xb8;
	[tilespmem:$0x18100] =	vst v63  }
0x98: {  	_ = 	snop  }
0x99: {  	[tilespmem:s0], [sflag:$0x2] =	stream.indirect_vreg.gather [hbm4b:s6+s2], $0x80, v3, vm0, $0xb8;
	[tilespmem:$0x18100] =	vst v63  }
0x9a: {  	_ = 	snop  }
0x9b: {  	[tilespmem:s1], [sflag:$0x2] =	stream.indirect_vreg.gather [hbm4b:s7+s2], $0x80, v3, vm0, $0xb8;
	[tilespmem:$0x18100] =	vst v63  }
0x9c: {  	v3 =	vld [tilespmem:$0xB0];
	_ =	sdelay $0x4  }
0x9d: {  	v4 =	vshrl.u32 v3, $0x3  }
0x9e: {  	v4 =	vmul.u32 $0x30, v4  }
0x9f: {  	v3 =	vand.u32 $0x7, v3  }
0xa0: {  	v3 =	vor.u32 v3, v4  }
0xa1: {  	v4 =	vperm.xlane v3, v0;
	_ =	sdelay $0x1  }
0xa2: {  	v4 =	vadd.s32 v1, v4;
	_ =	sdelay $0x3  }
0xa3: {  	v3 =	vperm.xlane v3, v2  }
0xa4: {  	[tilespmem:s11], [sflag:$0x2] =	stream.indirect_vreg.gather [hbm4b:s4+s2], $0x80, v4, vm0, $0xb8;
	[tilespmem:$0x18100] =	vst v63  }
0xa5: {  	v3 =	vadd.s32 v1, v3  }
0xa6: {  	[tilespmem:s13], [sflag:$0x2] =	stream.indirect_vreg.gather [hbm4b:s6+s2], $0x80, v4, vm0, $0xb8;
	[tilespmem:$0x18100] =	vst v63  }
0xa7: {  	_ = 	snop  }
0xa8: {  	[tilespmem:s14], [sflag:$0x2] =	stream.indirect_vreg.gather [hbm4b:s7+s2], $0x80, v4, vm0, $0xb8;
	[tilespmem:$0x18100] =	vst v63  }
0xa9: {  	_ = 	snop  }
0xaa: {  	[tilespmem:s15], [sflag:$0x2] =	stream.indirect_vreg.gather [hbm4b:s4+s2], $0x80, v3, vm0, $0xb8;
	[tilespmem:$0x18100] =	vst v63  }
0xab: {  	_ = 	snop  }
0xac: {  	[tilespmem:s16], [sflag:$0x2] =	stream.indirect_vreg.gather [hbm4b:s6+s2], $0x80, v3, vm0, $0xb8;
	[tilespmem:$0x18100] =	vst v63  }
0xad: {  	_ = 	snop  }
0xae: {  	[tilespmem:s17], [sflag:$0x2] =	stream.indirect_vreg.gather [hbm4b:s7+s2], $0x80, v3, vm0, $0xb8;
	[tilespmem:$0x18100] =	vst v63  }
0xaf: {  	_ =	swait.ge [sflag:s18], $0xC000  }
0xb0: {  	[sflag:s18] =	ssyncset.done $0x0  }
0xb1: {  	s25 =	simm.s32 $0x0;
	[sflag:s18] =	ssyncadd.s32 $0xFFFF4000  }
0xb2: {  	s21 =	smul.u32 $0x1800, s25;
	_ =	swait.ge [sflag:s19], $0xC000  }
0xb3: {  	s22 =	sand.u32 $0x380, s2;
	[sflag:s19] =	ssyncset.done $0x0  }
0xb4: {  	s21 =	sor.u32 s22, s21;
	[sflag:s19] =	ssyncadd.s32 $0xFFFF4000  }
0xb5: {  	v12 =	vld [tilespmem:s21+$0xC100]  }
0xb6: {  	v13 =	vld [tilespmem:s21+$0xC110]  }
0xb7: {  	v14 =	vld [tilespmem:s21+$0xC120]  }
0xb8: {  	v15 =	vld [tilespmem:s21+$0xC130]  }
0xb9: {  	v16 =	vld [tilespmem:s21+$0xC140]  }
0xba: {  	v17 =	vld [tilespmem:s21+$0xC150]  }
0xbb: {  	v18 =	vld [tilespmem:s21+$0xC160]  }
0xbc: {  	v19 =	vld [tilespmem:s21+$0xC170]  }
0xbd: {  	v20 =	vld [tilespmem:s21+$0xC500]  }
0xbe: {  	v21 =	vld [tilespmem:s21+$0xC510]  }
0xbf: {  	v22 =	vld [tilespmem:s21+$0xC520]  }
0xc0: {  	v23 =	vld [tilespmem:s21+$0xC530]  }
0xc1: {  	v24 =	vld [tilespmem:s21+$0xC540]  }
0xc2: {  	v25 =	vld [tilespmem:s21+$0xC550]  }
0xc3: {  	v26 =	vld [tilespmem:s21+$0xC560]  }
0xc4: {  	v27 =	vld [tilespmem:s21+$0xC570]  }
0xc5: {  	v28 =	vld [tilespmem:s21+$0xC900]  }
0xc6: {  	v29 =	vld [tilespmem:s21+$0xC910]  }
0xc7: {  	v30 =	vld [tilespmem:s21+$0xC920]  }
0xc8: {  	v31 =	vld [tilespmem:s21+$0xC930]  }
0xc9: {  	v32 =	vld [tilespmem:s21+$0xC940]  }
0xca: {  	v33 =	vld [tilespmem:s21+$0xC950]  }
0xcb: {  	v34 =	vld [tilespmem:s21+$0xC960]  }
0xcc: {  	v35 =	vld [tilespmem:s21+$0xC970]  }
0xcd: {  	v36 =	vld [tilespmem:s21+$0xCD00]  }
0xce: {  	v37 =	vld [tilespmem:s21+$0xCD10]  }
0xcf: {  	v38 =	vld [tilespmem:s21+$0xCD20]  }
0xd0: {  	v39 =	vld [tilespmem:s21+$0xCD30]  }
0xd1: {  	v40 =	vld [tilespmem:s21+$0xCD40]  }
0xd2: {  	v41 =	vld [tilespmem:s21+$0xCD50]  }
0xd3: {  	v42 =	vld [tilespmem:s21+$0xCD60]  }
0xd4: {  	v43 =	vld [tilespmem:s21+$0xCD70]  }
0xd5: {  	v44 =	vld [tilespmem:s21+$0xD100]  }
0xd6: {  	v45 =	vld [tilespmem:s21+$0xD110]  }
0xd7: {  	v46 =	vld [tilespmem:s21+$0xD120]  }
0xd8: {  	v47 =	vld [tilespmem:s21+$0xD130]  }
0xd9: {  	v48 =	vld [tilespmem:s21+$0xD140]  }
0xda: {  	v49 =	vld [tilespmem:s21+$0xD150]  }
0xdb: {  	v50 =	vld [tilespmem:s21+$0xD160]  }
0xdc: {  	v11 =	vld [tilespmem:s21+$0xD170]  }
0xdd: {  	v10 =	vld [tilespmem:s21+$0xD500]  }
0xde: {  	v9 =	vld [tilespmem:s21+$0xD510]  }
0xdf: {  	v8 =	vld [tilespmem:s21+$0xD520]  }
0xe0: {  	v7 =	vld [tilespmem:s21+$0xD530]  }
0xe1: {  	v6 =	vld [tilespmem:s21+$0xD540]  }
0xe2: {  	v51 =	vld [tilespmem:s21+$0x100]  }
0xe3: {  	v52 =	vld [tilespmem:s21+$0x110]  }
0xe4: {  	v53 =	vld [tilespmem:s21+$0x120]  }
0xe5: {  	v54 =	vld [tilespmem:s21+$0x130]  }
0xe6: {  	v55 =	vld [tilespmem:s21+$0x140]  }
0xe7: {  	v62 =	vld [tilespmem:s21+$0x150];
	v12 =	vadd.f32 v12, v51  }
0xe8: {  	v63 =	vld [tilespmem:s21+$0x160];
	v13 =	vadd.f32 v13, v52  }
0xe9: {  	[tilespmem:s21+$0x100] =	vst v12;
	v12 =	vadd.f32 v14, v53;
	v14 =	vld [tilespmem:s21+$0x170]  }
0xea: {  	[tilespmem:s21+$0x110] =	vst v13;
	v13 =	vadd.f32 v15, v54;
	v15 =	vld [tilespmem:s21+$0x500]  }
0xeb: {  	[tilespmem:s21+$0x120] =	vst v12;
	v12 =	vadd.f32 v16, v55;
	v16 =	vld [tilespmem:s21+$0x510]  }
0xec: {  	[tilespmem:s21+$0x130] =	vst v13;
	v13 =	vadd.f32 v17, v62;
	v17 =	vld [tilespmem:s21+$0x520]  }
0xed: {  	v5 =	vld [tilespmem:s21+$0xD550]  }
0xee: {  	[tilespmem:s21+$0x140] =	vst v12;
	v12 =	vadd.f32 v18, v63;
	v18 =	vld [tilespmem:s21+$0x570]  }
0xef: {  	[tilespmem:s21+$0x150] =	vst v13;
	v13 =	vadd.f32 v19, v14;
	v14 =	vld [tilespmem:s21+$0x530]  }
0xf0: {  	[tilespmem:s21+$0x160] =	vst v12;
	v12 =	vadd.f32 v20, v15;
	v15 =	vld [tilespmem:s21+$0x540]  }
0xf1: {  	[tilespmem:s21+$0x170] =	vst v13;
	v13 =	vadd.f32 v21, v16;
	v16 =	vadd.f32 v22, v17;
	v17 =	vld [tilespmem:s21+$0x560]  }
0xf2: {  	[tilespmem:s21+$0x500] =	vst v12;
	v12 =	vld [tilespmem:s21+$0x550]  }
0xf3: {  	[tilespmem:s21+$0x510] =	vst v13;
	v13 =	vld [tilespmem:s21+$0x900];
	v18 =	vadd.f32 v27, v18  }
0xf4: {  	[tilespmem:s21+$0x520] =	vst v16;
	v16 =	vld [tilespmem:s21+$0x910];
	v14 =	vadd.f32 v23, v14  }
0xf5: {  	v4 =	vld [tilespmem:s21+$0xD560];
	v15 =	vadd.f32 v24, v15;
	[tilespmem:s21+$0x570] =	vst v18  }
0xf6: {  	[tilespmem:s21+$0x530] =	vst v14;
	v14 =	vld [tilespmem:s21+$0x920];
	v17 =	vadd.f32 v26, v17  }
0xf7: {  	v12 =	vadd.f32 v25, v12;
	[tilespmem:s21+$0x540] =	vst v15;
	v15 =	vld [tilespmem:s21+$0x930]  }
0xf8: {  	v18 =	vld [tilespmem:s21+$0x970];
	[tilespmem:s21+$0x560] =	vst v17;
	v13 =	vadd.f32 v28, v13  }
0xf9: {  	v16 =	vadd.f32 v29, v16;
	[tilespmem:s21+$0x550] =	vst v12;
	v12 =	vld [tilespmem:s21+$0x940]  }
0xfa: {  	v17 =	vld [tilespmem:s21+$0x950];
	[tilespmem:s21+$0x900] =	vst v13  }
0xfb: {  	[tilespmem:s21+$0x910] =	vst v16;
	v16 =	vld [tilespmem:s21+$0x960];
	v13 =	vadd.f32 v30, v14  }
0xfc: {  	v14 =	vld [tilespmem:s21+$0xD00];
	v15 =	vadd.f32 v31, v15  }
0xfd: {  	[tilespmem:s21+$0x920] =	vst v13;
	v13 =	vld [tilespmem:s21+$0xD10]  }
0xfe: {  	v12 =	vadd.f32 v32, v12;
	[tilespmem:s21+$0x930] =	vst v15;
	v15 =	vld [tilespmem:s21+$0xD20]  }
0xff: {  	v3 =	vld [tilespmem:s21+$0xD570];
	v17 =	vadd.f32 v33, v17  }
0x100: {  	v16 =	vadd.f32 v34, v16;
	[tilespmem:s21+$0x940] =	vst v12;
	v12 =	vld [tilespmem:s21+$0xD30]  }
0x101: {  	[tilespmem:s21+$0x950] =	vst v17;
	v17 =	vld [tilespmem:s21+$0xD40];
	v14 =	vadd.f32 v36, v14  }
0x102: {  	v18 =	vadd.f32 v35, v18;
	[tilespmem:s21+$0x960] =	vst v16;
	v16 =	vld [tilespmem:s21+$0xD50]  }
0x103: {  	v13 =	vadd.f32 v37, v13;
	[tilespmem:s21+$0xD00] =	vst v14;
	v14 =	vadd.f32 v38, v15;
	v15 =	vld [tilespmem:s21+$0xD60]  }
0x104: {  	[tilespmem:s21+$0x970] =	vst v18;
	v18 =	vld [tilespmem:s21+$0xD70]  }
0x105: {  	[tilespmem:s21+$0xD10] =	vst v13;
	v13 =	vld [tilespmem:s21+$0x1100];
	v12 =	vadd.f32 v39, v12  }
0x106: {  	v17 =	vadd.f32 v40, v17;
	[tilespmem:s21+$0xD20] =	vst v14;
	v14 =	vld [tilespmem:s21+$0x1110]  }
0x107: {  	v16 =	vadd.f32 v41, v16;
	[tilespmem:s21+$0xD30] =	vst v12;
	v12 =	vld [tilespmem:s21+$0x1120]  }
0x108: {  	[tilespmem:s21+$0xD40] =	vst v17;
	v17 =	vld [tilespmem:s21+$0x1130];
	v15 =	vadd.f32 v42, v15  }
0x109: {  	v19 =	vld [tilespmem:s21+$0x1140];
	[tilespmem:s21+$0xD50] =	vst v16;
	v16 =	vadd.f32 v43, v18  }
0x10a: {  	v18 =	vld [tilespmem:s21+$0x1150];
	v13 =	vadd.f32 v44, v13;
	[tilespmem:s21+$0xD60] =	vst v15  }
0x10b: {  	v20 =	vld [tilespmem:s21+$0x1160];
	[tilespmem:s21+$0xD70] =	vst v16;
	v14 =	vadd.f32 v45, v14  }
0x10c: {  	v16 =	vld [tilespmem:s21+$0x1170];
	[tilespmem:s21+$0x1100] =	vst v13;
	v12 =	vadd.f32 v46, v12  }
0x10d: {  	v15 =	vld [tilespmem:s21+$0x1500];
	v13 =	vadd.f32 v47, v17;
	[tilespmem:s21+$0x1110] =	vst v14  }
0x10e: {  	v14 =	vld [tilespmem:s21+$0x1510];
	[tilespmem:s21+$0x1120] =	vst v12;
	v12 =	vadd.f32 v48, v19  }
0x10f: {  	[tilespmem:s21+$0x1130] =	vst v13;
	v13 =	vld [tilespmem:s21+$0x1520];
	v18 =	vadd.f32 v49, v18  }
0x110: {  	s22 =	simm.s32 $0x1;
	s23 =	simm.s32 $0x0;
	v17 =	vadd.f32 v50, v20;
	[tilespmem:s21+$0x1140] =	vst v12;
	v12 =	vld [tilespmem:s21+$0x1530]  }
.LBB2_2:
0x111: {  	s24 =	sshrl.u32 s22, $0x3;
	p0 =	sne.s32 s22, $0x3F;
	[tilespmem:s21+$0x1150] =	vst v18;
	v11 =	vadd.f32 v11, v16;
	v16 =	vld [tilespmem:s21+$0x1540]  }
0x112: {  	s23 =	sadd.s32 $0x80, s23;
	s24 =	smul.u32 $0x1800, s24;
	[tilespmem:s21+$0x1160] =	vst v17;
	v10 =	vadd.f32 v10, v15;
	v15 =	vld [tilespmem:s21+$0x1550]  }
0x113: {  	s25 =	sand.u32 $0x380, s23;
	[tilespmem:s21+$0x1170] =	vst v11;
	v9 =	vadd.f32 v9, v14;
	v11 =	vld [tilespmem:s21+$0x1560]  }
0x114: {  	s24 =	sor.u32 s25, s24;
	[tilespmem:s21+$0x1500] =	vst v10;
	v8 =	vadd.f32 v8, v13;
	v10 =	vld [tilespmem:s21+$0x1570]  }
0x115: {  	v39 =	vld [tilespmem:s24+$0xC100];
	[tilespmem:s21+$0x1510] =	vst v9;
	v7 =	vadd.f32 v7, v12  }
0x116: {  	v40 =	vld [tilespmem:s24+$0xC110];
	[tilespmem:s21+$0x1520] =	vst v8;
	v6 =	vadd.f32 v6, v16  }
0x117: {  	v41 =	vld [tilespmem:s24+$0xC120];
	[tilespmem:s21+$0x1530] =	vst v7;
	v5 =	vadd.f32 v5, v15  }
0x118: {  	v42 =	vld [tilespmem:s24+$0xC130];
	[tilespmem:s21+$0x1540] =	vst v6;
	v4 =	vadd.f32 v4, v11  }
0x119: {  	v43 =	vld [tilespmem:s24+$0xC140];
	[tilespmem:s21+$0x1550] =	vst v5;
	v3 =	vadd.f32 v3, v10  }
0x11a: {  	v44 =	vld [tilespmem:s24+$0xC150];
	[tilespmem:s21+$0x1560] =	vst v4  }
0x11b: {  	v45 =	vld [tilespmem:s24+$0xC160];
	[tilespmem:s21+$0x1570] =	vst v3;
	s21 =	smov.u32 s24  }
0x11c: {  	v46 =	vld [tilespmem:s21+$0xC170]  }
0x11d: {  	v47 =	vld [tilespmem:s21+$0xC500]  }
0x11e: {  	v48 =	vld [tilespmem:s21+$0xC510]  }
0x11f: {  	v49 =	vld [tilespmem:s21+$0xC520]  }
0x120: {  	v50 =	vld [tilespmem:s21+$0xC530]  }
0x121: {  	v38 =	vld [tilespmem:s21+$0xC540]  }
0x122: {  	v37 =	vld [tilespmem:s21+$0xC550]  }
0x123: {  	v36 =	vld [tilespmem:s21+$0xC560]  }
0x124: {  	v35 =	vld [tilespmem:s21+$0xC570]  }
0x125: {  	v34 =	vld [tilespmem:s21+$0xC900]  }
0x126: {  	v33 =	vld [tilespmem:s21+$0xC910]  }
0x127: {  	v32 =	vld [tilespmem:s21+$0xC920]  }
0x128: {  	v31 =	vld [tilespmem:s21+$0xC930]  }
0x129: {  	v30 =	vld [tilespmem:s21+$0xC940]  }
0x12a: {  	v29 =	vld [tilespmem:s21+$0xC950]  }
0x12b: {  	v28 =	vld [tilespmem:s21+$0xC960]  }
0x12c: {  	v27 =	vld [tilespmem:s21+$0xC970]  }
0x12d: {  	v26 =	vld [tilespmem:s21+$0xCD00]  }
0x12e: {  	v25 =	vld [tilespmem:s21+$0xCD10]  }
0x12f: {  	v24 =	vld [tilespmem:s21+$0xCD20]  }
0x130: {  	v23 =	vld [tilespmem:s21+$0xCD30]  }
0x131: {  	v22 =	vld [tilespmem:s21+$0xCD40]  }
0x132: {  	v21 =	vld [tilespmem:s21+$0xCD50]  }
0x133: {  	v20 =	vld [tilespmem:s21+$0xCD60]  }
0x134: {  	v19 =	vld [tilespmem:s21+$0xCD70]  }
0x135: {  	v18 =	vld [tilespmem:s21+$0xD100]  }
0x136: {  	v17 =	vld [tilespmem:s21+$0xD110]  }
0x137: {  	v16 =	vld [tilespmem:s21+$0xD120]  }
0x138: {  	v15 =	vld [tilespmem:s21+$0xD130]  }
0x139: {  	v14 =	vld [tilespmem:s21+$0xD140]  }
0x13a: {  	v13 =	vld [tilespmem:s21+$0xD150]  }
0x13b: {  	v12 =	vld [tilespmem:s21+$0xD160]  }
0x13c: {  	v11 =	vld [tilespmem:s21+$0xD170]  }
0x13d: {  	v10 =	vld [tilespmem:s21+$0xD500]  }
0x13e: {  	v9 =	vld [tilespmem:s21+$0xD510]  }
0x13f: {  	v8 =	vld [tilespmem:s21+$0xD520]  }
0x140: {  	v7 =	vld [tilespmem:s21+$0xD530]  }
0x141: {  	v6 =	vld [tilespmem:s21+$0xD540]  }
0x142: {  	v5 =	vld [tilespmem:s21+$0xD550]  }
0x143: {  	v4 =	vld [tilespmem:s21+$0xD560]  }
0x144: {  	v3 =	vld [tilespmem:s21+$0xD570]  }
0x145: {  	v51 =	vld [tilespmem:s21+$0x100]  }
0x146: {  	v52 =	vld [tilespmem:s21+$0x110]  }
0x147: {  	v53 =	vld [tilespmem:s21+$0x120]  }
0x148: {  	v54 =	vld [tilespmem:s21+$0x130]  }
0x149: {  	v55 =	vld [tilespmem:s21+$0x140]  }
0x14a: {  	v39 =	vadd.f32 v39, v51;
	v51 =	vld [tilespmem:s21+$0x150]  }
0x14b: {  	v40 =	vadd.f32 v40, v52;
	v52 =	vld [tilespmem:s21+$0x160]  }
0x14c: {  	[tilespmem:s21+$0x100] =	vst v39;
	v39 =	vadd.f32 v41, v53;
	v41 =	vld [tilespmem:s21+$0x170]  }
0x14d: {  	[tilespmem:s21+$0x110] =	vst v40;
	v40 =	vadd.f32 v42, v54;
	v42 =	vld [tilespmem:s21+$0x500]  }
0x14e: {  	[tilespmem:s21+$0x120] =	vst v39;
	v39 =	vadd.f32 v43, v55;
	v43 =	vld [tilespmem:s21+$0x510]  }
0x14f: {  	[tilespmem:s21+$0x130] =	vst v40;
	v40 =	vadd.f32 v44, v51;
	v44 =	vld [tilespmem:s21+$0x520]  }
0x150: {  	[tilespmem:s21+$0x140] =	vst v39;
	v39 =	vadd.f32 v45, v52;
	v45 =	vld [tilespmem:s21+$0x530]  }
0x151: {  	[tilespmem:s21+$0x150] =	vst v40;
	v40 =	vadd.f32 v46, v41;
	v41 =	vld [tilespmem:s21+$0x540]  }
0x152: {  	[tilespmem:s21+$0x160] =	vst v39;
	v39 =	vadd.f32 v47, v42;
	v42 =	vld [tilespmem:s21+$0x550]  }
0x153: {  	[tilespmem:s21+$0x170] =	vst v40;
	v40 =	vadd.f32 v48, v43;
	v43 =	vld [tilespmem:s21+$0x560]  }
0x154: {  	[tilespmem:s21+$0x500] =	vst v39;
	v39 =	vadd.f32 v49, v44;
	v44 =	vld [tilespmem:s21+$0x570]  }
0x155: {  	[tilespmem:s21+$0x510] =	vst v40;
	v40 =	vadd.f32 v50, v45;
	v45 =	vld [tilespmem:s21+$0x900]  }
0x156: {  	[tilespmem:s21+$0x520] =	vst v39;
	v38 =	vadd.f32 v38, v41;
	v39 =	vld [tilespmem:s21+$0x910]  }
0x157: {  	[tilespmem:s21+$0x530] =	vst v40;
	v37 =	vadd.f32 v37, v42;
	v40 =	vld [tilespmem:s21+$0x920]  }
0x158: {  	[tilespmem:s21+$0x540] =	vst v38;
	v36 =	vadd.f32 v36, v43;
	v38 =	vld [tilespmem:s21+$0x930]  }
0x159: {  	[tilespmem:s21+$0x550] =	vst v37;
	v35 =	vadd.f32 v35, v44;
	v37 =	vld [tilespmem:s21+$0x940]  }
0x15a: {  	[tilespmem:s21+$0x560] =	vst v36;
	v34 =	vadd.f32 v34, v45;
	v36 =	vld [tilespmem:s21+$0x950]  }
0x15b: {  	[tilespmem:s21+$0x570] =	vst v35;
	v33 =	vadd.f32 v33, v39;
	v35 =	vld [tilespmem:s21+$0x960]  }
0x15c: {  	[tilespmem:s21+$0x900] =	vst v34;
	v32 =	vadd.f32 v32, v40;
	v34 =	vld [tilespmem:s21+$0x970]  }
0x15d: {  	[tilespmem:s21+$0x910] =	vst v33;
	v31 =	vadd.f32 v31, v38;
	v33 =	vld [tilespmem:s21+$0xD00]  }
0x15e: {  	[tilespmem:s21+$0x920] =	vst v32;
	v30 =	vadd.f32 v30, v37;
	v32 =	vld [tilespmem:s21+$0xD10]  }
0x15f: {  	[tilespmem:s21+$0x930] =	vst v31;
	v29 =	vadd.f32 v29, v36;
	v31 =	vld [tilespmem:s21+$0xD20]  }
0x160: {  	[tilespmem:s21+$0x940] =	vst v30;
	v28 =	vadd.f32 v28, v35;
	v30 =	vld [tilespmem:s21+$0xD30]  }
0x161: {  	[tilespmem:s21+$0x950] =	vst v29;
	v27 =	vadd.f32 v27, v34;
	v29 =	vld [tilespmem:s21+$0xD40]  }
0x162: {  	[tilespmem:s21+$0x960] =	vst v28;
	v26 =	vadd.f32 v26, v33;
	v28 =	vld [tilespmem:s21+$0xD50]  }
0x163: {  	[tilespmem:s21+$0x970] =	vst v27;
	v25 =	vadd.f32 v25, v32;
	v27 =	vld [tilespmem:s21+$0xD60]  }
0x164: {  	[tilespmem:s21+$0xD00] =	vst v26;
	v24 =	vadd.f32 v24, v31;
	v26 =	vld [tilespmem:s21+$0xD70]  }
0x165: {  	[tilespmem:s21+$0xD10] =	vst v25;
	v23 =	vadd.f32 v23, v30;
	v25 =	vld [tilespmem:s21+$0x1100]  }
0x166: {  	[tilespmem:s21+$0xD20] =	vst v24;
	v22 =	vadd.f32 v22, v29;
	v24 =	vld [tilespmem:s21+$0x1110]  }
0x167: {  	[tilespmem:s21+$0xD30] =	vst v23;
	v21 =	vadd.f32 v21, v28;
	v23 =	vld [tilespmem:s21+$0x1120]  }
0x168: {  	[tilespmem:s21+$0xD40] =	vst v22;
	v20 =	vadd.f32 v20, v27;
	v22 =	vld [tilespmem:s21+$0x1130]  }
0x169: {  	[tilespmem:s21+$0xD50] =	vst v21;
	v19 =	vadd.f32 v19, v26;
	v21 =	vld [tilespmem:s21+$0x1140]  }
0x16a: {  	[tilespmem:s21+$0xD60] =	vst v20;
	v18 =	vadd.f32 v18, v25;
	v20 =	vld [tilespmem:s21+$0x1150]  }
0x16b: {  	[tilespmem:s21+$0xD70] =	vst v19;
	v17 =	vadd.f32 v17, v24;
	v19 =	vld [tilespmem:s21+$0x1160]  }
.Ltmp0:
0x16c: {  	[tilespmem:s21+$0x1100] =	vst v18;
	v18 =	vadd.f32 v16, v23;
	v16 =	vld [tilespmem:s21+$0x1170];
	(pc) =	sbr.rel @p0 .LBB2_2-.Ltmp0, $4  }
0x16d: {  	[tilespmem:s21+$0x1110] =	vst v17;
	v17 =	vadd.f32 v15, v22;
	v15 =	vld [tilespmem:s21+$0x1500]  }
0x16e: {  	[tilespmem:s21+$0x1120] =	vst v18;
	v21 =	vadd.f32 v14, v21;
	v14 =	vld [tilespmem:s21+$0x1510]  }
0x16f: {  	[tilespmem:s21+$0x1130] =	vst v17;
	v18 =	vadd.f32 v13, v20;
	v13 =	vld [tilespmem:s21+$0x1520]  }
0x170: {  	s22 =	sadd.s32 $0x1, s22;
	[tilespmem:s21+$0x1140] =	vst v21;
	v17 =	vadd.f32 v12, v19;
	v12 =	vld [tilespmem:s21+$0x1530]  }
0x171: {  	[tilespmem:s21+$0x1150] =	vst v18;
	v60 =	vld [tilespmem:s21+$0x1540];
	v11 =	vadd.f32 v11, v16  }
0x172: {  	v61 =	vld [tilespmem:s21+$0x1550];
	[tilespmem:s21+$0x1160] =	vst v17;
	v10 =	vadd.f32 v10, v15  }
0x173: {  	v62 =	vld [tilespmem:s21+$0x1560];
	[tilespmem:s21+$0x1170] =	vst v11;
	v9 =	vadd.f32 v9, v14  }
0x174: {  	v63 =	vld [tilespmem:s21+$0x1570];
	[tilespmem:s21+$0x1500] =	vst v10;
	v8 =	vadd.f32 v8, v13  }
0x175: {  	[tilespmem:s21+$0x1510] =	vst v9;
	v7 =	vadd.f32 v7, v12  }
0x176: {  	[tilespmem:s21+$0x1520] =	vst v8;
	v6 =	vadd.f32 v6, v60  }
0x177: {  	v5 =	vadd.f32 v5, v61;
	[tilespmem:s21+$0x1530] =	vst v7  }
0x178: {  	v4 =	vadd.f32 v4, v62;
	[tilespmem:s21+$0x1540] =	vst v6  }
0x179: {  	s20 =	sadd.s32 $0x1, s20;
	v3 =	vadd.f32 v3, v63;
	[tilespmem:s21+$0x1550] =	vst v5  }
0x17a: {  	p0 =	sne.s32 s20, s9;
	[tilespmem:s21+$0x1560] =	vst v4  }
.Ltmp1:
0x17b: {  	[tilespmem:s21+$0x1570] =	vst v3;
	(pc) =	sbr.rel @p0 .LBB2_1-.Ltmp1, $4  }
0x17c: {  	[hbm4b:s8+s2] =	stream.linear.scatter [tilespmem:s12], [sflag:$0x3], $0xC000, $0x38;
	[tilespmem:$0x18100] =	vst v63  }
0x17d: {  	_ =	swait.ge [sflag:s10], $0xC000  }
0x17e: {  	[sflag:s10] =	ssyncset.done $0x0  }
0x17f: {  	[sflag:s10] =	ssyncadd.s32 $0xFFFF4000  }
0x180: {  	_ =	sfence.sel $0x180000  }
0x181: {  	[bflag:$0x0] =	sbarrier.arrive $0xFFFF  }
0x182: {  	_ =	strace $0x9000004D  }
0x183: {  	s0 =	stileid.u32;
	[bflag:$0x2] =	sbarrier.arrive $0xFFFF  }
0x184: {  	p0 =	sne.s32 s0, $0x0;
	s0 =	rddreg [dreg:$0x2]  }
0x185: {  	s0 =	sadd.s32 @!p0 $0x100000, s0  }
0x186: {  	[sflag:s0] =	ssyncadd.tile.s32 @!p0 $0x1;
	_ =	shalt  }
.Lfunc_end2:
_tile_overlayer_lowered:
.L_overlay_start_2:
0x187: {  	(tag) =	ssettag $0x2  }
0x188: {  	s0 =	rddreg [dreg:$0x0];
	s2 =	stileid.u32  }
0x189: {  	s1 =	rddreg [dreg:$0x1];
	p0 =	sne.s32 s2, $0x0  }
0x18a: {  	s3 =	rddreg [dreg:$0x2];
	[bflag:$0x3] =	sbarrier.arrive $0xFFFF;
	s2 =	simm.s32 @!p0 $0x1C03  }
0x18b: {  	[timem:s3], [sflag:s2] =	dma.local @!p0 [hbm:s0], s1  }
0x18c: {  	s0 =	simm.s32 @!p0 $0x3  }
0x18d: {  	_ =	swait.ge @!p0 [sflag:s0], s1  }
0x18e: {  	s1 =	ssub.s32 @!p0 $0x0, s1;
	[sflag:s0] =	ssyncset.done @!p0 $0x0  }
0x18f: {  	[sflag:s0] =	ssyncadd.s32 @!p0 s1  }
0x190: {  	[bflag:$0x3] =	sbarrier.arrive $0xFFFF  }
0x191: {  	_ =	shalt  }

// kernel: kernel.7.cloned.1.call-start
scs
__scs_entry_jumppad:
0x0: {  	(pc) =	sbr.rel $0x88, $3  }
0x1: {  	(tag) =	ssettag $0x0;
	lr =	simm.s32 $0x1  }
0x2: {  	[smem:$0x3F9A] =	sst lr;
	_ =	strace $0xD0000000  }
0x3: {  	_ = 	snop  }
0x4: {  	_ = 	snop  }
0x5: {  	_ = 	snop  }
0x6: {  	_ = 	snop  }
0x7: {  	_ = 	snop  }
__scs_overlays_trampoline_lowered:
0x8: {  	[smem:$0x3FA9] =	sst s0  }
0x9: {  	[smem:$0x3FAA] =	sst s1  }
0xa: {  	[smem:$0x3FAB] =	sst s2  }
0xb: {  	[smem:$0x3FAC] =	sst s3  }
0xc: {  	[smem:$0x3FAD] =	sst s4  }
0xd: {  	[smem:$0x3FAE] =	sst s5  }
0xe: {  	[smem:$0x3FAF] =	sst s6  }
0xf: {  	[smem:$0x3FB0] =	sst s7  }
0x10: {  	[smem:$0x3FB1] =	sst s8  }
0x11: {  	[smem:$0x3FB2] =	sst s9;
	s0 =	simm.s32 @!p0 $0x0  }
0x12: {  	s1 =	sld [smem:$0x3F98];
	s0 =	simm.s32 @p0 $0x1  }
0x13: {  	[smem:$0x3FB3] =	sst s0;
	s0 =	simm.s32 @!p1 $0x0  }
0x14: {  	s2 =	sld [smem:$0x3F97];
	s0 =	simm.s32 @p1 $0x1  }
0x15: {  	[smem:$0x3FB4] =	sst s0;
	s0 =	simm.s32 @!p2 $0x0  }
0x16: {  	s3 =	sld [smem:$0x3FDB];
	s0 =	simm.s32 @p2 $0x1  }
0x17: {  	s4 =	simm.s32 $0x1BF5;
	[smem:$0x3FB6] =	sst s0  }
0x18: {  	s0 =	sld [smem:$0x3F99];
	_ =	swait.ge [sflag:s4], $0x0  }
0x19: {  	s7 =	sld [smem:$0x3F9A]  }
0x1a: {  	s8 =	sadd.s32 $0xFFFFE003, lr  }
0x1b: {  	s9 =	sadd.s32 $0xFFFFFEF7, lr;
	s5 =	simm.s32 $0xFFFFFFFF;
	p2 =	slt.u32 s8, $0xFFFFF086  }
0x1c: {  	p1 =	slt.u32 s9, $0xF7A;
	s5 =	simm.s32 @!p2 $0x0  }
0x1d: {  	s5 =	simm.s32 @p1 $0x1;
	p0 =	seq.s32 s7, s2  }
0x1e: {  	s7 =	smul.u32 @!p0 $0xF7A, s2;
	p2 =	seq.s32 @!p0 s5, $0x0  }
0x1f: {  	s9 =	smul.u32 $0xF7A, s1;
	s8 =	simm.s32 @!p0 $0x1BF5;
	p2 =	por !p2, p0  }
0x20: {  	[sflag:s8] =	ssyncset.s32 @!p0 $0xFFFFF086;
	s6 =	sadd.s32 @!p0 s3, s7;
	s7 =	simm.s32 @!p0 $0x108  }
0x21: {  	s3 =	sadd.s32 s3, s9;
	s6 =	sadd.s32 @!p0 $0x88, s6;
	s7 =	simm.s32 @p2 $0x1082  }
0x22: {  	[simem:s7], [sflag:s8] =	dma.local @!p0 [hbm:s6], $0xF7A  }
0x23: {  	s9 =	sor.u32 $0xD0000000, s2;
	s6 =	simm.s32 $0x108;
	_ =	swait.ge @!p0 [sflag:s8], $0x0  }
0x24: {  	s3 =	sadd.s32 $0x88, s3;
	s6 =	simm.s32 @!p1 $0x1082;
	[sflag:s4] =	ssyncset.s32 $0xFFFFF086  }
0x25: {  	[simem:s6], [sflag:s4] =	dma.local [hbm:s3], $0xF7A  }
0x26: {  	[smem:$0x3F9A] =	sst s1;
	(tag) =	ssettag s2;
	_ =	strace s9  }
0x27: {  	s1 =	sld [smem:$0x3FAA]  }
0x28: {  	s2 =	sld [smem:$0x3FAB]  }
0x29: {  	s4 =	sld [smem:$0x3FAD]  }
0x2a: {  	p0 =	seq.s32 s5, $0x0;
	s5 =	sld [smem:$0x3FAE]  }
0x2b: {  	s6 =	sld [smem:$0x3FAF]  }
0x2c: {  	s7 =	sld [smem:$0x3FB0]  }
0x2d: {  	s3 =	simm.s32 $0x108;
	s8 =	sld [smem:$0x3FB1]  }
0x2e: {  	s3 =	simm.s32 @!p0 $0x1082;
	s9 =	sld [smem:$0x3FB2]  }
0x2f: {  	lr =	sadd.s32 s0, s3;
	s0 =	sld [smem:$0x3FA9]  }
0x30: {  	s3 =	sld [smem:$0x3FAC]  }
0x31: {  	[smem:$0x3FB5] =	sst s10  }
0x32: {  	s10 =	sld [smem:$0x3FB3];
	_ =	sdelay $0x3  }
0x33: {  	p0 =	seq.s32 s10, $0x1;
	s10 =	sld [smem:$0x3FB5];
	_ =	sdelay $0x3  }
0x34: {  	[smem:$0x3FB5] =	sst s10  }
0x35: {  	s10 =	sld [smem:$0x3FB4];
	_ =	sdelay $0x3  }
0x36: {  	p1 =	seq.s32 s10, $0x1;
	s10 =	sld [smem:$0x3FB5];
	_ =	sdelay $0x3  }
0x37: {  	[smem:$0x3FB5] =	sst s10  }
0x38: {  	s10 =	sld [smem:$0x3FB6]  }
0x39: {  	_ = 	snop;
	(pc) =	sbr.ind lr, $3  }
0x3a: {  	_ = 	snop  }
0x3b: {  	_ = 	snop  }
0x3c: {  	p2 =	seq.s32 s10, $0x1;
	s10 =	sld [smem:$0x3FB5]  }
0x3d: {  	_ =	shalt  }
0x3e: {  	_ =	shalt  }
0x3f: {  	_ =	shalt  }
0x40: {  	_ =	shalt  }
0x41: {  	_ =	shalt  }
0x42: {  	_ =	shalt  }
0x43: {  	_ =	shalt  }
0x44: {  	_ =	shalt  }
0x45: {  	_ =	shalt  }
0x46: {  	_ =	shalt  }
0x47: {  	_ =	shalt  }
0x48: {  	_ =	shalt  }
0x49: {  	_ =	shalt  }
0x4a: {  	_ =	shalt  }
0x4b: {  	_ =	shalt  }
0x4c: {  	_ =	shalt  }
0x4d: {  	_ =	shalt  }
0x4e: {  	_ =	shalt  }
0x4f: {  	_ =	shalt  }
0x50: {  	_ =	shalt  }
0x51: {  	_ =	shalt  }
0x52: {  	_ =	shalt  }
0x53: {  	_ =	shalt  }
0x54: {  	_ =	shalt  }
0x55: {  	_ =	shalt  }
0x56: {  	_ =	shalt  }
0x57: {  	_ =	shalt  }
0x58: {  	_ =	shalt  }
0x59: {  	_ =	shalt  }
0x5a: {  	_ =	shalt  }
0x5b: {  	_ =	shalt  }
0x5c: {  	_ =	shalt  }
0x5d: {  	_ =	shalt  }
0x5e: {  	_ =	shalt  }
0x5f: {  	_ =	shalt  }
0x60: {  	_ =	shalt  }
0x61: {  	_ =	shalt  }
0x62: {  	_ =	shalt  }
0x63: {  	_ =	shalt  }
0x64: {  	_ =	shalt  }
0x65: {  	_ =	shalt  }
0x66: {  	_ =	shalt  }
0x67: {  	_ =	shalt  }
0x68: {  	_ =	shalt  }
0x69: {  	_ =	shalt  }
0x6a: {  	_ =	shalt  }
0x6b: {  	_ =	shalt  }
0x6c: {  	_ =	shalt  }
0x6d: {  	_ =	shalt  }
0x6e: {  	_ =	shalt  }
0x6f: {  	_ =	shalt  }
0x70: {  	_ =	shalt  }
0x71: {  	_ =	shalt  }
0x72: {  	_ =	shalt  }
0x73: {  	_ =	shalt  }
0x74: {  	_ =	shalt  }
0x75: {  	_ =	shalt  }
0x76: {  	_ =	shalt  }
0x77: {  	_ =	shalt  }
0x78: {  	_ =	shalt  }
0x79: {  	_ =	shalt  }
0x7a: {  	_ =	shalt  }
0x7b: {  	_ =	shalt  }
0x7c: {  	_ =	shalt  }
0x7d: {  	_ =	shalt  }
0x7e: {  	_ =	shalt  }
0x7f: {  	_ =	shalt  }
0x80: {  	_ =	shalt  }
0x81: {  	_ =	shalt  }
0x82: {  	_ =	shalt  }
0x83: {  	_ =	shalt  }
0x84: {  	_ =	shalt  }
0x85: {  	_ =	shalt  }
0x86: {  	_ =	shalt  }
0x87: {  	_ =	shalt  }
.Lfunc_end0:
.L_simem_size_0:
called_computation_lowered:
.L_overlay_start_0:
0x88: {  	s2 =	sld [smem:$0x3FD9]  }
0x89: {  	s3 =	sld [smem:$0x3FFE];
	_ =	sdelay $0x1  }
0x8a: {  	s1 =	srdreg.scid  }
0x8b: {  	s0 =	sand.u32 $0x1, s1  }
0x8c: {  	s14 =	sshll.u32 s0, $0xA;
	s2 =	sadd.s32 s3, s2  }
0x8d: {  	s2 =	sadd.s32 s2, s14  }
0x8e: {  	[smem:$0x3FC1] =	sst s2  }
0x8f: {  	_ = 	snop  }
0x90: {  	s2 =	sld [smem:$0x3FD0];
	_ =	sdelay $0x2  }
0x91: {  	s15 =	simm.s32 $0xA;
	s4 =	simm.s32 $0x10  }
0x92: {  	[smem:s4], [sflag:s15] =	dma.local [hbm:s2], $0x1  }
0x93: {  	_ =	swait.eq [sflag:s15], $0x1  }
0x94: {  	[sflag:s15] =	ssyncset.done $0x0  }
0x95: {  	[sflag:s15] =	ssyncadd.s32 $0xFFFFFFFF  }
0x96: {  	s16 =	sld [smem:$0x10];
	(tm) =	ssettm $0x1  }
0x97: {  	s17 =	sld [smem:$0x3FFB];
	_ =	sdelay $0x3  }
0x98: {  	_ =	strace s17  }
0x99: {  	s3 =	sld [smem:$0x3FFC];
	_ =	sdelay $0x3  }
0x9a: {  	_ =	strace s3  }
0x9b: {  	s3 =	sld [smem:$0x3FFD];
	_ =	sdelay $0x3  }
0x9c: {  	_ =	strace s3  }
0x9d: {  	_ =	strace $0x8FFFFFFF  }
0x9e: {  	s18 =	sld [smem:$0x3FDB];
	_ =	sdelay $0x1  }
0x9f: {  	s19 =	simm.s32 $_scs_section_size  }
0xa0: {  	s5 =	simm.s32 $_size__tile_overlayer_lowered;
	s6 =	simm.s32 $_tile_overlayer_lowered  }
0xa1: {  	s22 =	simm.s32 $0x1BFF;
	s21 =	sshll.u32 s6, $0x1;
	s3 =	sadd.s32 s19, s18  }
0xa2: {  	s7 =	simm.s32 $0x0;
	s20 =	sshll.u32 s5, $0x1;
	s5 =	sadd.s32 s21, s3  }
0xa3: {  	[timem:s7], [sflag:s22] =	dma.local [hbm:s5], s20  }
0xa4: {  	_ =	swait.ge [sflag:s22], s20  }
0xa5: {  	s4 =	ssub.s32 $0x0, s20;
	[sflag:s22] =	ssyncset.done $0x0  }
0xa6: {  	[sflag:s22] =	ssyncadd.s32 s4;
	_ =	sdelay $0x1  }
0xa7: {  	s23 =	simm.s32 $0x1B8B  }
0xa8: {  	_ =	swait.ge [sflag:s23], $0x1  }
0xa9: {  	[sflag:s23] =	ssyncset.done $0x0  }
0xaa: {  	s25 =	simm.s32 $0x1B8E;
	s24 =	sld [smem:$0x3FFE];
	[sflag:s23] =	ssyncadd.s32 $0xFFFFFFFF  }
0xab: {  	s26 =	simm.s32 $execute0_lowered;
	[smem:$0x3FD2] =	sst s25  }
0xac: {  	s5 =	sshll.u32 s26, $0x1;
	_ =	strace $0x80000046;
	[dreg:$0x1] =	wrdreg $0xFFFFFFFF  }
0xad: {  	s28 =	simm.s32 $_size_execute0_lowered;
	s3 =	sadd.s32 s3, s5;
	[dreg:$0x0] =	wrdreg $0x0  }
0xae: {  	s5 =	sshll.u32 s28, $0x1;
	[dreg:$0x2] =	wrdreg s3  }
0xaf: {  	[dreg:$0x3] =	wrdreg s5  }
0xb0: {  	[dreg:$0x4] =	wrdreg $0xC0  }
0xb1: {  	_ =	task [dreg:s7], $0x5FFFF  }
0xb2: {  	[dreg:$0x1] =	wrdreg $0xFFFFFFFF  }
0xb3: {  	[dreg:$0x0] =	wrdreg $0x60  }
0xb4: {  	[dreg:$0x2] =	wrdreg s24  }
0xb5: {  	[dreg:$0x3] =	wrdreg s16  }
0xb6: {  	[dreg:$0x4] =	wrdreg $0x9  }
0xb7: {  	_ =	task.clear_ibuf [dreg:s7], $0x5FFFF;
	_ =	strace $0x90000046  }
0xb8: {  	s29 =	simm.s32 $0x9;
	_ =	strace $0x80000048  }
0xb9: {  	_ =	swait.ge [sflag:s29], $0x1  }
0xba: {  	[sflag:s29] =	ssyncadd.s32 $0xFFFFFFFF  }
0xbb: {  	_ =	strace $0x90000048  }
0xbc: {  	_ =	sfence  }
0xbd: {  	s30 =	sld [smem:$0x0];
	_ =	sdelay $0x2  }
0xbe: {  	s31 =	sshll.u32 s1, $0xD;
	s1 =	sshrl.u32 s1, $0x2  }
0xbf: {  	s3 =	sand.u32 $0x4000, s31;
	s1 =	sadd.s32 s1, s30  }
0xc0: {  	s0 =	sor.u32 s3, s0;
	s1 =	sshll.u32 s1, $0x11  }
0xc1: {  	s0 =	sor.u32 s1, s0  }
0xc2: {  	s0 =	sadd.s32 $0x8F2B, s0  }
0xc3: {  	[sflag:s0] =	ssyncadd.remote.s32 $0x1  }
0xc4: {  	_ =	sfence.sel $0xFFFF  }
0xc5: {  	[dreg:$0x0] =	wrdreg $0xFFFFFFFF;
	(pc) =	sbr.abs _section_cstart, $3  }
0xc6: {  	[dreg:$0x1] =	wrdreg $0xFFFFFFFF  }
0xc7: {  	_ =	task.clear_ibuf [dreg:s7], $0x2FFFF;
	_ =	strace $0x9FFFFFFF  }
0xc8: {  	(tm) =	ssettm $0x7FFFFFFF  }
0xc9: {  	_ =	shalt  }
tec
execute0_lowered:
.L_overlay_start_1:
0x0: {  	(tag) =	ssettag $0x1  }
0x1: {  	s1 =	srdreg.scid;
	s0 =	stileid.u32  }
0x2: {  	s5 =	rddreg [dreg:$0x0];
	s4 =	simm.s32 $0x1;
	s13 =	sand.u32 $0x1, s1  }
0x3: {  	s2 =	rddreg [dreg:$0x1];
	s3 =	simm.s32 $0x0;
	s1 =	sor.u32 s13, s0  }
0x4: {  	s12 =	simm.s32 $0x80;
	p0 =	seq.s32 s13, $0x1;
	p1 =	seq.s32 s1, $0x0  }
0x5: {  	s14 =	simm.s32 $0x3;
	s15 =	simm.s32 $0x100;
	p1 =	por !p1, !p0  }
0x6: {  	s16 =	simm.s32 $0x4;
	s17 =	simm.s32 $0x5;
	p1 =	por !p1, !p1  }
0x7: {  	[smem:$0x7FF] =	sst s3;
	s6 =	ssub.s32 $0x2, s13;
	s4 =	simm.s32 @!p1 $0x0  }
0x8: {  	s1 =	rddreg [dreg:$0x2];
	s8 =	sshrl.u32 s6, $0x1;
	s4 =	ssub.s32 s0, s4  }
0x9: {  	_ =	strace $0x80000047;
	s11 =	ssub.s32 s6, s8;
	s4 =	sshll.u32 s4, $0x4  }
0xa: {  	s6 =	simm.s32 $0x1;
	s11 =	smax.u32 s11, $0x1;
	s7 =	sand.u32 $0x1FFFFFF0, s4  }
0xb: {  	p1 =	seq.s32 @!p0 s13, $0x0;
	s4 =	sadd.s32 $0xA00, s5;
	s5 =	sadd.s32 s5, s7  }
0xc: {  	s13 =	simm.s32 $0x2;
	p1 =	por p0, !p1;
	s7 =	sadd.s32 $0x800, s5  }
0xd: {  	s8 =	sadd.s32 $0x400, s5;
	s9 =	sadd.s32 $0x200, s5;
	s10 =	sadd.s32 $0x600, s5  }
.LBB2_1:
0xe: {  	[tilespmem:s12], [sflag:$0x1] =	stream.linear.gather [hbm4b:s7+s3], $0x80, $0x38;
	[tilespmem:$0x180] =	vst v63  }
0xf: {  	s18 =	simm.s32 @!p0 $0x0  }
0x10: {  	[tilespmem:s18], [sflag:$0x2] =	stream.linear.gather @!p0 [hbm4b:s5+s18], $0x80, $0x38;
	[tilespmem:$0x180] =	vst v63  }
0x11: {  	s19 =	simm.s32 @!p0 $0x100  }
0x12: {  	[tilespmem:s19], [sflag:$0x3] =	stream.linear.gather @!p0 [hbm4b:s8+s18], $0x80, $0x38;
	[tilespmem:$0x180] =	vst v63  }
0x13: {  	_ = 	snop  }
0x14: {  	[tilespmem:s3], [sflag:$0x2] =	stream.linear.gather @p1 [hbm4b:s9+s3], $0x80, $0x38;
	[tilespmem:$0x180] =	vst v63  }
0x15: {  	_ = 	snop  }
0x16: {  	[tilespmem:s15], [sflag:$0x3] =	stream.linear.gather @p1 [hbm4b:s10+s3], $0x80, $0x38;
	[tilespmem:$0x180] =	vst v63  }
0x17: {  	_ =	swait.ge [sflag:s6], $0x80  }
0x18: {  	[sflag:s6] =	ssyncset.done $0x0  }
0x19: {  	[sflag:s6] =	ssyncadd.s32 $0xFFFFFF80  }
0x1a: {  	_ =	swait.ge [sflag:s13], $0x80  }
0x1b: {  	[sflag:s13] =	ssyncset.done $0x0  }
0x1c: {  	[sflag:s13] =	ssyncadd.s32 $0xFFFFFF80  }
0x1d: {  	_ =	swait.ge [sflag:s14], $0x80  }
0x1e: {  	[sflag:s14] =	ssyncset.done $0x0  }
0x1f: {  	[sflag:s14] =	ssyncadd.s32 $0xFFFFFF80  }
0x20: {  	[hbm4b:s2+s12] =	stream.indirect.scatter [tilespmem:s12], [sflag:$0x4], $0x1, s3, s12, $0xb8;
	[tilespmem:$0x180] =	vst v63  }
0x21: {  	s11 =	sadd.s32 $0xFFFFFFFF, s11  }
0x22: {  	[hbm4b:s4+s12] =	stream.indirect.scatter [tilespmem:s15], [sflag:$0x5], $0x1, s3, s12, $0xb8;
	[tilespmem:$0x180] =	vst v63  }
0x23: {  	p2 =	sne.s32 s11, $0x0;
	_ =	swait.ge [sflag:s16], $0x80  }
.Ltmp0:
0x24: {  	[sflag:s16] =	ssyncset.done $0x0;
	(pc) =	sbr.rel @p2 .LBB2_1-.Ltmp0, $4  }
0x25: {  	[sflag:s16] =	ssyncadd.s32 $0xFFFFFF80  }
0x26: {  	_ =	swait.ge [sflag:s17], $0x80  }
0x27: {  	[sflag:s17] =	ssyncset.done $0x0  }
0x28: {  	[sflag:s17] =	ssyncadd.s32 $0xFFFFFF80  }
0x29: {  	_ =	sfence.sel $0x180000  }
0x2a: {  	[bflag:$0x0] =	sbarrier.arrive $0xFFFF  }
0x2b: {  	p0 =	sne.s32 s0, $0x0;
	_ =	strace $0x90000047  }
0x2c: {  	s0 =	sadd.s32 @!p0 $0x100000, s1;
	[bflag:$0x2] =	sbarrier.arrive $0xFFFF  }
0x2d: {  	[sflag:s0] =	ssyncadd.tile.s32 @!p0 $0x1;
	_ =	shalt  }
.Lfunc_end2:
_tile_overlayer_lowered:
.L_overlay_start_2:
0x2e: {  	(tag) =	ssettag $0x2  }
0x2f: {  	s0 =	rddreg [dreg:$0x0];
	s2 =	stileid.u32  }
0x30: {  	s1 =	rddreg [dreg:$0x1];
	p0 =	sne.s32 s2, $0x0  }
0x31: {  	s3 =	rddreg [dreg:$0x2];
	[bflag:$0x3] =	sbarrier.arrive $0xFFFF;
	s2 =	simm.s32 @!p0 $0x1C06  }
0x32: {  	[timem:s3], [sflag:s2] =	dma.local @!p0 [hbm:s0], s1  }
0x33: {  	s0 =	simm.s32 @!p0 $0x6  }
0x34: {  	_ =	swait.ge @!p0 [sflag:s0], s1  }
0x35: {  	s1 =	ssub.s32 @!p0 $0x0, s1;
	[sflag:s0] =	ssyncset.done @!p0 $0x0  }
0x36: {  	[sflag:s0] =	ssyncadd.s32 @!p0 s1  }
0x37: {  	[bflag:$0x3] =	sbarrier.arrive $0xFFFF  }
0x38: {  	_ =	shalt  }

</sc_bundles>
